<compile_context>
chip_gen: v7x
topology: tpu7x:2x2x1
jax: 0.10.2.dev20260603
libtpu: 0.0.44.dev20260713+nightly
codegen_flags: <defaults>
</compile_context>

<pallas_src>
import functools

import jax
import jax.numpy as jnp
from jax import lax
from jax.experimental import pallas as pl
from jax.experimental.pallas import tpu as pltpu
from jax.experimental.pallas import tpu_sc as plsc

_EMBED_SCALE = 11.313708498984761

_NC = 2
_NS = 16
_NW = _NC * _NS
_G = 128
_NBUF = 5
_PREF = 4


def _make_sc_gather(n_rows, dim):
    per_w = n_rows // _NW
    ng = per_w // _G

    mesh = plsc.VectorSubcoreMesh(core_axis_name="c", subcore_axis_name="s")

    @functools.partial(
        pl.kernel,
        mesh=mesh,
        out_type=jax.ShapeDtypeStruct((n_rows, dim), jnp.float32),
        scratch_types=[
            pltpu.VMEM((ng, _G), jnp.int32),
            [pltpu.VMEM((_G, dim), jnp.float32) for _ in range(_NBUF)],
            [pltpu.SemaphoreType.DMA for _ in range(_NBUF)],
            [pltpu.SemaphoreType.DMA for _ in range(_NBUF)],
        ],
    )
    def sc_kernel(ids_hbm, table_hbm, out_hbm, idx_v, bufs, sgs, sss):
        wid = lax.axis_index("s") * _NC + lax.axis_index("c")
        base = wid * per_w

        def gather(g, b):
            return pltpu.make_async_copy(
                table_hbm.at[idx_v.at[g]], bufs[b], sgs[b])

        def scatter(g, b):
            return pltpu.make_async_copy(
                bufs[b], out_hbm.at[pl.ds(base + g * _G, _G)], sss[b])

        pltpu.sync_copy(ids_hbm.at[wid, pl.ds(0, 8)], idx_v.at[pl.ds(0, 8)])
        for b in range(_PREF):
            gather(b, b).start()
        pltpu.sync_copy(ids_hbm.at[wid, pl.ds(8, ng - 8)],
                        idx_v.at[pl.ds(8, ng - 8)])

        def outer(i, carry):
            for b in range(_NBUF):
                g = i * _NBUF + b
                gather(g, b).wait()

                def scale_row(r, c2):
                    for c in range(dim // 16):
                        sl = pl.ds(c * 16, 16)
                        bufs[b][r, sl] = bufs[b][r, sl] * _EMBED_SCALE
                    return c2
                lax.fori_loop(0, _G, scale_row, 0, unroll=4)

                scatter(g, b).start()

                bp = (b + _PREF) % _NBUF

                @pl.when(g + _PREF - _NBUF >= 0)
                def _():
                    scatter(g + _PREF - _NBUF, bp).wait()

                @pl.when(g + _PREF < ng)
                def _():
                    gather(g + _PREF, bp).start()
            return carry

        lax.fori_loop(0, ng // _NBUF, outer, 0)

        for g in range(ng - (_NBUF - _PREF), ng):
            scatter(g, g % _NBUF).wait()

    return sc_kernel


def kernel(input_ids, weight):
    batch, seq = input_ids.shape
    _, dim = weight.shape
    n_rows = batch * seq
    assert n_rows % (_NW * _G) == 0 and dim % 16 == 0

    ids_t = jnp.transpose(input_ids).reshape(_NW, n_rows // (_NW * _G), _G)
    flat = _make_sc_gather(n_rows, dim)(ids_t, weight)
    return jnp.transpose(flat.reshape(seq, batch, dim), (1, 0, 2))

# --- scband reference (transcript-rebuilt; emitter-appended) ---
"""Pipeline reference for scband-gemma4-text-scaled-word-embedding-154618823073 (READ-ONLY COPY).

The authoritative reference and input builder live on the scoring server;
editing this copy changes nothing except your own understanding.
"""

import jax, jax.numpy as jnp
import numpy as np

NUM_EMBEDDINGS = 1000000
EMBEDDING_DIM = 128
EMBED_SCALE = 11.313708498984761  # sqrt(128)
BATCH = 4096
SEQ = 50


def setup_inputs(seed: int = 0) -> dict:
    key = jax.random.key(seed)
    k_idx, k_w = jax.random.split(key)
    input_ids = jax.random.randint(k_idx, (BATCH, SEQ), 0, NUM_EMBEDDINGS, dtype=jnp.int32)
    weight = jax.random.normal(k_w, (NUM_EMBEDDINGS, EMBEDDING_DIM), dtype=jnp.float32) * 0.02
    return {"input_ids": input_ids, "weight": weight}


def reference(input_ids, weight):
    # Gemma4TextScaledWordEmbedding: gather rows then multiply by scalar embed_scale
    out = jnp.take(weight, input_ids, axis=0)
    scale = jnp.asarray(EMBED_SCALE, dtype=weight.dtype)
    return out * scale

if __name__ == "__main__":
    import jax
    _d = setup_inputs()
    print(jax.jit(kernel)(*tuple(_d.values())))

</pallas_src>

<mosaic_0001>
#map = affine_map<(d0, d1) -> (0, 0, 0)>
#map1 = affine_map<(d0, d1) -> (0, 0)>
module attributes {stable_mosaic.version = 14 : i64} {
  func.func @sc_kernel(%arg0: i32, %arg1: i32, %arg2: memref<32x50x128xi32, #tpu.memory_space<hbm>>, %arg3: memref<1000000x128xf32, #tpu.memory_space<hbm>>, %arg4: memref<204800x128xf32, #tpu.memory_space<hbm>>, %arg5: memref<50x128xi32, #tpu.memory_space<vmem>>, %arg6: memref<128x128xf32, #tpu.memory_space<vmem>>, %arg7: memref<128x128xf32, #tpu.memory_space<vmem>>, %arg8: memref<128x128xf32, #tpu.memory_space<vmem>>, %arg9: memref<128x128xf32, #tpu.memory_space<vmem>>, %arg10: memref<128x128xf32, #tpu.memory_space<vmem>>, %arg11: memref<!tpu.dma_semaphore, #tpu.memory_space<semaphore_mem>>, %arg12: memref<!tpu.dma_semaphore, #tpu.memory_space<semaphore_mem>>, %arg13: memref<!tpu.dma_semaphore, #tpu.memory_space<semaphore_mem>>, %arg14: memref<!tpu.dma_semaphore, #tpu.memory_space<semaphore_mem>>, %arg15: memref<!tpu.dma_semaphore, #tpu.memory_space<semaphore_mem>>, %arg16: memref<!tpu.dma_semaphore, #tpu.memory_space<semaphore_mem>>, %arg17: memref<!tpu.dma_semaphore, #tpu.memory_space<semaphore_mem>>, %arg18: memref<!tpu.dma_semaphore, #tpu.memory_space<semaphore_mem>>, %arg19: memref<!tpu.dma_semaphore, #tpu.memory_space<semaphore_mem>>, %arg20: memref<!tpu.dma_semaphore, #tpu.memory_space<semaphore_mem>>) attributes {dimension_semantics = [#tpu.dimension_semantics<core_parallel>, #tpu.dimension_semantics<subcore_parallel>], iteration_bounds = array<i64: 2, 16>, scalar_prefetch = 0 : i64, scratch_operands = 16 : i64, tpu.core_type = #tpu.core_type<sc_vector_subcore>, window_params = [{transform_indices = #map}, {transform_indices = #map1}, {transform_indices = #map1}]} {
    %mul3A = arith.constant 2 : i32
    %mul3A_0 = arith.muli %arg1, %mul3A : i32
    %add3A = arith.addi %mul3A_0, %arg0 : i32
    %mul3A_1 = arith.constant 6400 : i32
    %mul3A_2 = arith.muli %add3A, %mul3A_1 : i32
    "tpu.region"() ({
      %run_scoped3A = tpu.sem_alloc : memref<!tpu.dma_semaphore, #tpu.memory_space<semaphore_mem>>
      %dma_start3A_40 = arith.constant 0 : i32
      %dma_start3A_41 = arith.constant 0 : i32
      %dma_start3A_42 = tpu.memref_slice %arg5[%dma_start3A_40, %dma_start3A_41] : memref<50x128xi32, #tpu.memory_space<vmem>> -> memref<8x128xi32, #tpu.memory_space<vmem>>
      %dma_start3A_43 = arith.constant 0 : i32
      %dma_start3A_44 = arith.constant 0 : i32
      %dma_start3A_45 = tpu.memref_slice %arg2[%add3A, %dma_start3A_43, %dma_start3A_44] : memref<32x50x128xi32, #tpu.memory_space<hbm>> -> memref<1x8x128xi32, #tpu.memory_space<hbm>>
      %dma_start3A_46 = tpu.memref_squeeze %dma_start3A_45 : memref<1x8x128xi32, #tpu.memory_space<hbm>> -> memref<8x128xi32, #tpu.memory_space<hbm>>
      %dma_start3A_47 = arith.constant 0 : i32
      %dma_start3A_48 = arith.constant 0 : i32
      %dma_start3A_49 = tpu.memref_slice %arg5[%dma_start3A_47, %dma_start3A_48] : memref<50x128xi32, #tpu.memory_space<vmem>> -> memref<8x128xi32, #tpu.memory_space<vmem>>
      %dma_start3A_50 = arith.constant 0 : i32
      %dma_start3A_51 = arith.constant 0 : i32
      %dma_start3A_52 = tpu.memref_slice %arg2[%add3A, %dma_start3A_50, %dma_start3A_51] : memref<32x50x128xi32, #tpu.memory_space<hbm>> -> memref<1x8x128xi32, #tpu.memory_space<hbm>>
      %dma_start3A_53 = tpu.memref_squeeze %dma_start3A_52 : memref<1x8x128xi32, #tpu.memory_space<hbm>> -> memref<8x128xi32, #tpu.memory_space<hbm>>
      tpu.enqueue_dma source(%dma_start3A_53 : memref<8x128xi32, #tpu.memory_space<hbm>>) target(%dma_start3A_49 : memref<8x128xi32, #tpu.memory_space<vmem>>) target_semaphore(%run_scoped3A : memref<!tpu.dma_semaphore, #tpu.memory_space<semaphore_mem>>)
      %dma_wait3A_54 = arith.constant 0 : i32
      %dma_wait3A_55 = arith.constant 0 : i32
      %dma_wait3A_56 = tpu.memref_slice %arg5[%dma_wait3A_54, %dma_wait3A_55] : memref<50x128xi32, #tpu.memory_space<vmem>> -> memref<8x128xi32, #tpu.memory_space<vmem>>
      %dma_wait3A_57 = arith.constant 0 : i32
      %dma_wait3A_58 = arith.constant 0 : i32
      %dma_wait3A_59 = tpu.memref_slice %arg2[%add3A, %dma_wait3A_57, %dma_wait3A_58] : memref<32x50x128xi32, #tpu.memory_space<hbm>> -> memref<1x8x128xi32, #tpu.memory_space<hbm>>
      %dma_wait3A_60 = tpu.memref_squeeze %dma_wait3A_59 : memref<1x8x128xi32, #tpu.memory_space<hbm>> -> memref<8x128xi32, #tpu.memory_space<hbm>>
      %dma_wait3A_61 = arith.constant 0 : i32
      %dma_wait3A_62 = arith.constant 0 : i32
      %dma_wait3A_63 = tpu.memref_slice %arg5[%dma_wait3A_61, %dma_wait3A_62] : memref<50x128xi32, #tpu.memory_space<vmem>> -> memref<8x128xi32, #tpu.memory_space<vmem>>
      %dma_wait3A_64 = arith.constant 0 : i32
      %dma_wait3A_65 = arith.constant 0 : i32
      %dma_wait3A_66 = tpu.memref_slice %arg2[%add3A, %dma_wait3A_64, %dma_wait3A_65] : memref<32x50x128xi32, #tpu.memory_space<hbm>> -> memref<1x8x128xi32, #tpu.memory_space<hbm>>
      %dma_wait3A_67 = tpu.memref_squeeze %dma_wait3A_66 : memref<1x8x128xi32, #tpu.memory_space<hbm>> -> memref<8x128xi32, #tpu.memory_space<hbm>>
      tpu.wait_dma2 semaphore(%run_scoped3A : memref<!tpu.dma_semaphore, #tpu.memory_space<semaphore_mem>>) src(%dma_wait3A_67 : memref<8x128xi32, #tpu.memory_space<hbm>>) dst(%dma_wait3A_63 : memref<8x128xi32, #tpu.memory_space<vmem>>)
      tpu.yield
    }) : () -> ()
    %dma_start3A = arith.constant 0 : i32
    %dma_start3A_3 = arith.constant 0 : i32
    %dma_start3A_4 = tpu.memref_slice %arg5[%dma_start3A, %dma_start3A_3] : memref<50x128xi32, #tpu.memory_space<vmem>> -> memref<1x128xi32, #tpu.memory_space<vmem>>
    %dma_start3A_5 = tpu.memref_squeeze %dma_start3A_4 : memref<1x128xi32, #tpu.memory_space<vmem>> -> memref<128xi32, #tpu.memory_space<vmem>>
    %dma_start3A_6 = arith.constant 0 : i32
    %dma_start3A_7 = arith.constant 0 : i32
    %dma_start3A_8 = tpu.memref_slice %arg3[%dma_start3A_6, %dma_start3A_7] : memref<1000000x128xf32, #tpu.memory_space<hbm>> -> memref<1000000x128xf32, #tpu.memory_space<hbm>>
    tpu.enqueue_indirect_dma source(%dma_start3A_8 : memref<1000000x128xf32, #tpu.memory_space<hbm>>) target(%arg6 : memref<128x128xf32, #tpu.memory_space<vmem>>) offsets(%dma_start3A_5 : memref<128xi32, #tpu.memory_space<vmem>>) semaphore(%arg11 : memref<!tpu.dma_semaphore, #tpu.memory_space<semaphore_mem>>)
    %dma_start3A_9 = arith.constant 1 : i32
    %dma_start3A_10 = arith.constant 0 : i32
    %dma_start3A_11 = tpu.memref_slice %arg5[%dma_start3A_9, %dma_start3A_10] : memref<50x128xi32, #tpu.memory_space<vmem>> -> memref<1x128xi32, #tpu.memory_space<vmem>>
    %dma_start3A_12 = tpu.memref_squeeze %dma_start3A_11 : memref<1x128xi32, #tpu.memory_space<vmem>> -> memref<128xi32, #tpu.memory_space<vmem>>
    %dma_start3A_13 = arith.constant 0 : i32
    %dma_start3A_14 = arith.constant 0 : i32
    %dma_start3A_15 = tpu.memref_slice %arg3[%dma_start3A_13, %dma_start3A_14] : memref<1000000x128xf32, #tpu.memory_space<hbm>> -> memref<1000000x128xf32, #tpu.memory_space<hbm>>
    tpu.enqueue_indirect_dma source(%dma_start3A_15 : memref<1000000x128xf32, #tpu.memory_space<hbm>>) target(%arg7 : memref<128x128xf32, #tpu.memory_space<vmem>>) offsets(%dma_start3A_12 : memref<128xi32, #tpu.memory_space<vmem>>) semaphore(%arg12 : memref<!tpu.dma_semaphore, #tpu.memory_space<semaphore_mem>>)
    %dma_start3A_16 = arith.constant 2 : i32
    %dma_start3A_17 = arith.constant 0 : i32
    %dma_start3A_18 = tpu.memref_slice %arg5[%dma_start3A_16, %dma_start3A_17] : memref<50x128xi32, #tpu.memory_space<vmem>> -> memref<1x128xi32, #tpu.memory_space<vmem>>
    %dma_start3A_19 = tpu.memref_squeeze %dma_start3A_18 : memref<1x128xi32, #tpu.memory_space<vmem>> -> memref<128xi32, #tpu.memory_space<vmem>>
    %dma_start3A_20 = arith.constant 0 : i32
    %dma_start3A_21 = arith.constant 0 : i32
    %dma_start3A_22 = tpu.memref_slice %arg3[%dma_start3A_20, %dma_start3A_21] : memref<1000000x128xf32, #tpu.memory_space<hbm>> -> memref<1000000x128xf32, #tpu.memory_space<hbm>>
    tpu.enqueue_indirect_dma source(%dma_start3A_22 : memref<1000000x128xf32, #tpu.memory_space<hbm>>) target(%arg8 : memref<128x128xf32, #tpu.memory_space<vmem>>) offsets(%dma_start3A_19 : memref<128xi32, #tpu.memory_space<vmem>>) semaphore(%arg13 : memref<!tpu.dma_semaphore, #tpu.memory_space<semaphore_mem>>)
    %dma_start3A_23 = arith.constant 3 : i32
    %dma_start3A_24 = arith.constant 0 : i32
    %dma_start3A_25 = tpu.memref_slice %arg5[%dma_start3A_23, %dma_start3A_24] : memref<50x128xi32, #tpu.memory_space<vmem>> -> memref<1x128xi32, #tpu.memory_space<vmem>>
    %dma_start3A_26 = tpu.memref_squeeze %dma_start3A_25 : memref<1x128xi32, #tpu.memory_space<vmem>> -> memref<128xi32, #tpu.memory_space<vmem>>
    %dma_start3A_27 = arith.constant 0 : i32
    %dma_start3A_28 = arith.constant 0 : i32
    %dma_start3A_29 = tpu.memref_slice %arg3[%dma_start3A_27, %dma_start3A_28] : memref<1000000x128xf32, #tpu.memory_space<hbm>> -> memref<1000000x128xf32, #tpu.memory_space<hbm>>
    tpu.enqueue_indirect_dma source(%dma_start3A_29 : memref<1000000x128xf32, #tpu.memory_space<hbm>>) target(%arg9 : memref<128x128xf32, #tpu.memory_space<vmem>>) offsets(%dma_start3A_26 : memref<128xi32, #tpu.memory_space<vmem>>) semaphore(%arg14 : memref<!tpu.dma_semaphore, #tpu.memory_space<semaphore_mem>>)
    "tpu.region"() ({
      %run_scoped3A = tpu.sem_alloc : memref<!tpu.dma_semaphore, #tpu.memory_space<semaphore_mem>>
      %dma_start3A_40 = arith.constant 8 : i32
      %dma_start3A_41 = arith.constant 0 : i32
      %dma_start3A_42 = tpu.memref_slice %arg5[%dma_start3A_40, %dma_start3A_41] : memref<50x128xi32, #tpu.memory_space<vmem>> -> memref<42x128xi32, #tpu.memory_space<vmem>>
      %dma_start3A_43 = arith.constant 8 : i32
      %dma_start3A_44 = arith.constant 0 : i32
      %dma_start3A_45 = tpu.memref_slice %arg2[%add3A, %dma_start3A_43, %dma_start3A_44] : memref<32x50x128xi32, #tpu.memory_space<hbm>> -> memref<1x42x128xi32, #tpu.memory_space<hbm>>
      %dma_start3A_46 = tpu.memref_squeeze %dma_start3A_45 : memref<1x42x128xi32, #tpu.memory_space<hbm>> -> memref<42x128xi32, #tpu.memory_space<hbm>>
      %dma_start3A_47 = arith.constant 8 : i32
      %dma_start3A_48 = arith.constant 0 : i32
      %dma_start3A_49 = tpu.memref_slice %arg5[%dma_start3A_47, %dma_start3A_48] : memref<50x128xi32, #tpu.memory_space<vmem>> -> memref<42x128xi32, #tpu.memory_space<vmem>>
      %dma_start3A_50 = arith.constant 8 : i32
      %dma_start3A_51 = arith.constant 0 : i32
      %dma_start3A_52 = tpu.memref_slice %arg2[%add3A, %dma_start3A_50, %dma_start3A_51] : memref<32x50x128xi32, #tpu.memory_space<hbm>> -> memref<1x42x128xi32, #tpu.memory_space<hbm>>
      %dma_start3A_53 = tpu.memref_squeeze %dma_start3A_52 : memref<1x42x128xi32, #tpu.memory_space<hbm>> -> memref<42x128xi32, #tpu.memory_space<hbm>>
      tpu.enqueue_dma source(%dma_start3A_53 : memref<42x128xi32, #tpu.memory_space<hbm>>) target(%dma_start3A_49 : memref<42x128xi32, #tpu.memory_space<vmem>>) target_semaphore(%run_scoped3A : memref<!tpu.dma_semaphore, #tpu.memory_space<semaphore_mem>>)
      %dma_wait3A_54 = arith.constant 8 : i32
      %dma_wait3A_55 = arith.constant 0 : i32
      %dma_wait3A_56 = tpu.memref_slice %arg5[%dma_wait3A_54, %dma_wait3A_55] : memref<50x128xi32, #tpu.memory_space<vmem>> -> memref<42x128xi32, #tpu.memory_space<vmem>>
      %dma_wait3A_57 = arith.constant 8 : i32
      %dma_wait3A_58 = arith.constant 0 : i32
      %dma_wait3A_59 = tpu.memref_slice %arg2[%add3A, %dma_wait3A_57, %dma_wait3A_58] : memref<32x50x128xi32, #tpu.memory_space<hbm>> -> memref<1x42x128xi32, #tpu.memory_space<hbm>>
      %dma_wait3A_60 = tpu.memref_squeeze %dma_wait3A_59 : memref<1x42x128xi32, #tpu.memory_space<hbm>> -> memref<42x128xi32, #tpu.memory_space<hbm>>
      %dma_wait3A_61 = arith.constant 8 : i32
      %dma_wait3A_62 = arith.constant 0 : i32
      %dma_wait3A_63 = tpu.memref_slice %arg5[%dma_wait3A_61, %dma_wait3A_62] : memref<50x128xi32, #tpu.memory_space<vmem>> -> memref<42x128xi32, #tpu.memory_space<vmem>>
      %dma_wait3A_64 = arith.constant 8 : i32
      %dma_wait3A_65 = arith.constant 0 : i32
      %dma_wait3A_66 = tpu.memref_slice %arg2[%add3A, %dma_wait3A_64, %dma_wait3A_65] : memref<32x50x128xi32, #tpu.memory_space<hbm>> -> memref<1x42x128xi32, #tpu.memory_space<hbm>>
      %dma_wait3A_67 = tpu.memref_squeeze %dma_wait3A_66 : memref<1x42x128xi32, #tpu.memory_space<hbm>> -> memref<42x128xi32, #tpu.memory_space<hbm>>
      tpu.wait_dma2 semaphore(%run_scoped3A : memref<!tpu.dma_semaphore, #tpu.memory_space<semaphore_mem>>) src(%dma_wait3A_67 : memref<42x128xi32, #tpu.memory_space<hbm>>) dst(%dma_wait3A_63 : memref<42x128xi32, #tpu.memory_space<vmem>>)
      tpu.yield
    }) : () -> ()
    %scan3A = arith.constant 0 : i32
    %scan3A_30 = arith.constant 0 : i32
    %scan3A_31 = arith.constant 10 : i32
    %scan3A_32 = arith.addi %scan3A_30, %scan3A_31 : i32
    %scan3A_33 = arith.constant 1 : i32
    scf.for %scan3A_40 = %scan3A_30 to %scan3A_32 step %scan3A_33  : i32 {
      %mul3A_41 = arith.constant 5 : i32
      %mul3A_42 = arith.muli %scan3A_40, %mul3A_41 : i32
      %add3A_43 = arith.constant 0 : i32
      %add3A_44 = arith.addi %mul3A_42, %add3A_43 : i32
      %dma_wait3A_45 = arith.constant 0 : i32
      %dma_wait3A_46 = tpu.memref_slice %arg5[%add3A_44, %dma_wait3A_45] : memref<50x128xi32, #tpu.memory_space<vmem>> -> memref<1x128xi32, #tpu.memory_space<vmem>>
      %dma_wait3A_47 = tpu.memref_squeeze %dma_wait3A_46 : memref<1x128xi32, #tpu.memory_space<vmem>> -> memref<128xi32, #tpu.memory_space<vmem>>
      %dma_wait3A_48 = arith.constant 0 : i32
      %dma_wait3A_49 = arith.constant 0 : i32
      %dma_wait3A_50 = tpu.memref_slice %arg3[%dma_wait3A_48, %dma_wait3A_49] : memref<1000000x128xf32, #tpu.memory_space<hbm>> -> memref<1000000x128xf32, #tpu.memory_space<hbm>>
      tpu.wait_indirect_dma semaphore(%arg11 : memref<!tpu.dma_semaphore, #tpu.memory_space<semaphore_mem>>) src(%dma_wait3A_50 : memref<1000000x128xf32, #tpu.memory_space<hbm>>) dst(%arg6 : memref<128x128xf32, #tpu.memory_space<vmem>>)
      %scan3A_51 = arith.constant 0 : i32
      %scan3A_52 = arith.constant 0 : i32
      %scan3A_53 = arith.constant 128 : i32
      %scan3A_54 = arith.addi %scan3A_52, %scan3A_53 : i32
      %scan3A_55 = arith.constant 4 : i32
      scf.for %scan3A_231 = %scan3A_52 to %scan3A_54 step %scan3A_55  : i32 {
        %get3A = arith.index_cast %scan3A_231 : i32 to index
        %get3A_232 = arith.constant 0 : index
        %get3A_233 = tpu.vector_load %arg6[%get3A, %get3A_232] {strides = array<i32>} : memref<128x128xf32, #tpu.memory_space<vmem>>, vector<1x16xf32>,
        %get3A_234 = vector.shape_cast %get3A_233 : vector<1x16xf32> to vector<16xf32>
        %mul3A_235 = arith.constant 11.3137083 : f32
        %mul3A_236 = vector.broadcast %mul3A_235 : f32 to vector<16xf32>
        %mul3A_237 = arith.mulf %get3A_234, %mul3A_236 : vector<16xf32>
        %swap3A = arith.index_cast %scan3A_231 : i32 to index
        %swap3A_238 = arith.constant 0 : index
        %swap3A_239 = tpu.vector_load %arg6[%swap3A, %swap3A_238] {strides = array<i32>} : memref<128x128xf32, #tpu.memory_space<vmem>>, vector<1x16xf32>,
        %swap3A_240 = vector.shape_cast %swap3A_239 : vector<1x16xf32> to vector<16xf32>
        %swap3A_241 = vector.shape_cast %mul3A_237 : vector<16xf32> to vector<1x16xf32>
        tpu.vector_store %arg6[%swap3A, %swap3A_238], %swap3A_241 {strides = array<i32>} : memref<128x128xf32, #tpu.memory_space<vmem>>, vector<1x16xf32>,
        %get3A_242 = arith.index_cast %scan3A_231 : i32 to index
        %get3A_243 = arith.constant 16 : index
        %get3A_244 = tpu.vector_load %arg6[%get3A_242, %get3A_243] {strides = array<i32>} : memref<128x128xf32, #tpu.memory_space<vmem>>, vector<1x16xf32>,
        %get3A_245 = vector.shape_cast %get3A_244 : vector<1x16xf32> to vector<16xf32>
        %mul3A_246 = arith.constant 11.3137083 : f32
        %mul3A_247 = vector.broadcast %mul3A_246 : f32 to vector<16xf32>
        %mul3A_248 = arith.mulf %get3A_245, %mul3A_247 : vector<16xf32>
        %swap3A_249 = arith.index_cast %scan3A_231 : i32 to index
        %swap3A_250 = arith.constant 16 : index
        %swap3A_251 = tpu.vector_load %arg6[%swap3A_249, %swap3A_250] {strides = array<i32>} : memref<128x128xf32, #tpu.memory_space<vmem>>, vector<1x16xf32>,
        %swap3A_252 = vector.shape_cast %swap3A_251 : vector<1x16xf32> to vector<16xf32>
        %swap3A_253 = vector.shape_cast %mul3A_248 : vector<16xf32> to vector<1x16xf32>
        tpu.vector_store %arg6[%swap3A_249, %swap3A_250], %swap3A_253 {strides = array<i32>} : memref<128x128xf32, #tpu.memory_space<vmem>>, vector<1x16xf32>,
        %get3A_254 = arith.index_cast %scan3A_231 : i32 to index
        %get3A_255 = arith.constant 32 : index
        %get3A_256 = tpu.vector_load %arg6[%get3A_254, %get3A_255] {strides = array<i32>} : memref<128x128xf32, #tpu.memory_space<vmem>>, vector<1x16xf32>,
        %get3A_257 = vector.shape_cast %get3A_256 : vector<1x16xf32> to vector<16xf32>
        %mul3A_258 = arith.constant 11.3137083 : f32
        %mul3A_259 = vector.broadcast %mul3A_258 : f32 to vector<16xf32>
        %mul3A_260 = arith.mulf %get3A_257, %mul3A_259 : vector<16xf32>
        %swap3A_261 = arith.index_cast %scan3A_231 : i32 to index
        %swap3A_262 = arith.constant 32 : index
        %swap3A_263 = tpu.vector_load %arg6[%swap3A_261, %swap3A_262] {strides = array<i32>} : memref<128x128xf32, #tpu.memory_space<vmem>>, vector<1x16xf32>,
        %swap3A_264 = vector.shape_cast %swap3A_263 : vector<1x16xf32> to vector<16xf32>
        %swap3A_265 = vector.shape_cast %mul3A_260 : vector<16xf32> to vector<1x16xf32>
        tpu.vector_store %arg6[%swap3A_261, %swap3A_262], %swap3A_265 {strides = array<i32>} : memref<128x128xf32, #tpu.memory_space<vmem>>, vector<1x16xf32>,
        %get3A_266 = arith.index_cast %scan3A_231 : i32 to index
        %get3A_267 = arith.constant 48 : index
        %get3A_268 = tpu.vector_load %arg6[%get3A_266, %get3A_267] {strides = array<i32>} : memref<128x128xf32, #tpu.memory_space<vmem>>, vector<1x16xf32>,
        %get3A_269 = vector.shape_cast %get3A_268 : vector<1x16xf32> to vector<16xf32>
        %mul3A_270 = arith.constant 11.3137083 : f32
        %mul3A_271 = vector.broadcast %mul3A_270 : f32 to vector<16xf32>
        %mul3A_272 = arith.mulf %get3A_269, %mul3A_271 : vector<16xf32>
        %swap3A_273 = arith.index_cast %scan3A_231 : i32 to index
        %swap3A_274 = arith.constant 48 : index
        %swap3A_275 = tpu.vector_load %arg6[%swap3A_273, %swap3A_274] {strides = array<i32>} : memref<128x128xf32, #tpu.memory_space<vmem>>, vector<1x16xf32>,
        %swap3A_276 = vector.shape_cast %swap3A_275 : vector<1x16xf32> to vector<16xf32>
        %swap3A_277 = vector.shape_cast %mul3A_272 : vector<16xf32> to vector<1x16xf32>
        tpu.vector_store %arg6[%swap3A_273, %swap3A_274], %swap3A_277 {strides = array<i32>} : memref<128x128xf32, #tpu.memory_space<vmem>>, vector<1x16xf32>,
        %get3A_278 = arith.index_cast %scan3A_231 : i32 to index
        %get3A_279 = arith.constant 64 : index
        %get3A_280 = tpu.vector_load %arg6[%get3A_278, %get3A_279] {strides = array<i32>} : memref<128x128xf32, #tpu.memory_space<vmem>>, vector<1x16xf32>,
        %get3A_281 = vector.shape_cast %get3A_280 : vector<1x16xf32> to vector<16xf32>
        %mul3A_282 = arith.constant 11.3137083 : f32
        %mul3A_283 = vector.broadcast %mul3A_282 : f32 to vector<16xf32>
        %mul3A_284 = arith.mulf %get3A_281, %mul3A_283 : vector<16xf32>
        %swap3A_285 = arith.index_cast %scan3A_231 : i32 to index
        %swap3A_286 = arith.constant 64 : index
        %swap3A_287 = tpu.vector_load %arg6[%swap3A_285, %swap3A_286] {strides = array<i32>} : memref<128x128xf32, #tpu.memory_space<vmem>>, vector<1x16xf32>,
        %swap3A_288 = vector.shape_cast %swap3A_287 : vector<1x16xf32> to vector<16xf32>
        %swap3A_289 = vector.shape_cast %mul3A_284 : vector<16xf32> to vector<1x16xf32>
        tpu.vector_store %arg6[%swap3A_285, %swap3A_286], %swap3A_289 {strides = array<i32>} : memref<128x128xf32, #tpu.memory_space<vmem>>, vector<1x16xf32>,
        %get3A_290 = arith.index_cast %scan3A_231 : i32 to index
        %get3A_291 = arith.constant 80 : index
        %get3A_292 = tpu.vector_load %arg6[%get3A_290, %get3A_291] {strides = array<i32>} : memref<128x128xf32, #tpu.memory_space<vmem>>, vector<1x16xf32>,
        %get3A_293 = vector.shape_cast %get3A_292 : vector<1x16xf32> to vector<16xf32>
        %mul3A_294 = arith.constant 11.3137083 : f32
        %mul3A_295 = vector.broadcast %mul3A_294 : f32 to vector<16xf32>
        %mul3A_296 = arith.mulf %get3A_293, %mul3A_295 : vector<16xf32>
        %swap3A_297 = arith.index_cast %scan3A_231 : i32 to index
        %swap3A_298 = arith.constant 80 : index
        %swap3A_299 = tpu.vector_load %arg6[%swap3A_297, %swap3A_298] {strides = array<i32>} : memref<128x128xf32, #tpu.memory_space<vmem>>, vector<1x16xf32>,
        %swap3A_300 = vector.shape_cast %swap3A_299 : vector<1x16xf32> to vector<16xf32>
        %swap3A_301 = vector.shape_cast %mul3A_296 : vector<16xf32> to vector<1x16xf32>
        tpu.vector_store %arg6[%swap3A_297, %swap3A_298], %swap3A_301 {strides = array<i32>} : memref<128x128xf32, #tpu.memory_space<vmem>>, vector<1x16xf32>,
        %get3A_302 = arith.index_cast %scan3A_231 : i32 to index
        %get3A_303 = arith.constant 96 : index
        %get3A_304 = tpu.vector_load %arg6[%get3A_302, %get3A_303] {strides = array<i32>} : memref<128x128xf32, #tpu.memory_space<vmem>>, vector<1x16xf32>,
        %get3A_305 = vector.shape_cast %get3A_304 : vector<1x16xf32> to vector<16xf32>
        %mul3A_306 = arith.constant 11.3137083 : f32
        %mul3A_307 = vector.broadcast %mul3A_306 : f32 to vector<16xf32>
        %mul3A_308 = arith.mulf %get3A_305, %mul3A_307 : vector<16xf32>
        %swap3A_309 = arith.index_cast %scan3A_231 : i32 to index
        %swap3A_310 = arith.constant 96 : index
        %swap3A_311 = tpu.vector_load %arg6[%swap3A_309, %swap3A_310] {strides = array<i32>} : memref<128x128xf32, #tpu.memory_space<vmem>>, vector<1x16xf32>,
        %swap3A_312 = vector.shape_cast %swap3A_311 : vector<1x16xf32> to vector<16xf32>
        %swap3A_313 = vector.shape_cast %mul3A_308 : vector<16xf32> to vector<1x16xf32>
        tpu.vector_store %arg6[%swap3A_309, %swap3A_310], %swap3A_313 {strides = array<i32>} : memref<128x128xf32, #tpu.memory_space<vmem>>, vector<1x16xf32>,
        %get3A_314 = arith.index_cast %scan3A_231 : i32 to index
        %get3A_315 = arith.constant 112 : index
        %get3A_316 = tpu.vector_load %arg6[%get3A_314, %get3A_315] {strides = array<i32>} : memref<128x128xf32, #tpu.memory_space<vmem>>, vector<1x16xf32>,
        %get3A_317 = vector.shape_cast %get3A_316 : vector<1x16xf32> to vector<16xf32>
        %mul3A_318 = arith.constant 11.3137083 : f32
        %mul3A_319 = vector.broadcast %mul3A_318 : f32 to vector<16xf32>
        %mul3A_320 = arith.mulf %get3A_317, %mul3A_319 : vector<16xf32>
        %swap3A_321 = arith.index_cast %scan3A_231 : i32 to index
        %swap3A_322 = arith.constant 112 : index
        %swap3A_323 = tpu.vector_load %arg6[%swap3A_321, %swap3A_322] {strides = array<i32>} : memref<128x128xf32, #tpu.memory_space<vmem>>, vector<1x16xf32>,
        %swap3A_324 = vector.shape_cast %swap3A_323 : vector<1x16xf32> to vector<16xf32>
        %swap3A_325 = vector.shape_cast %mul3A_320 : vector<16xf32> to vector<1x16xf32>
        tpu.vector_store %arg6[%swap3A_321, %swap3A_322], %swap3A_325 {strides = array<i32>} : memref<128x128xf32, #tpu.memory_space<vmem>>, vector<1x16xf32>,
        %scan3A_326 = arith.constant 1 : i32
        %scan3A_327 = arith.addi %scan3A_231, %scan3A_326 : i32
        %get3A_328 = arith.index_cast %scan3A_327 : i32 to index
        %get3A_329 = arith.constant 0 : index
        %get3A_330 = tpu.vector_load %arg6[%get3A_328, %get3A_329] {strides = array<i32>} : memref<128x128xf32, #tpu.memory_space<vmem>>, vector<1x16xf32>,
        %get3A_331 = vector.shape_cast %get3A_330 : vector<1x16xf32> to vector<16xf32>
        %mul3A_332 = arith.constant 11.3137083 : f32
        %mul3A_333 = vector.broadcast %mul3A_332 : f32 to vector<16xf32>
        %mul3A_334 = arith.mulf %get3A_331, %mul3A_333 : vector<16xf32>
        %swap3A_335 = arith.index_cast %scan3A_327 : i32 to index
        %swap3A_336 = arith.constant 0 : index
        %swap3A_337 = tpu.vector_load %arg6[%swap3A_335, %swap3A_336] {strides = array<i32>} : memref<128x128xf32, #tpu.memory_space<vmem>>, vector<1x16xf32>,
        %swap3A_338 = vector.shape_cast %swap3A_337 : vector<1x16xf32> to vector<16xf32>
        %swap3A_339 = vector.shape_cast %mul3A_334 : vector<16xf32> to vector<1x16xf32>
        tpu.vector_store %arg6[%swap3A_335, %swap3A_336], %swap3A_339 {strides = array<i32>} : memref<128x128xf32, #tpu.memory_space<vmem>>, vector<1x16xf32>,
        %get3A_340 = arith.index_cast %scan3A_327 : i32 to index
        %get3A_341 = arith.constant 16 : index
        %get3A_342 = tpu.vector_load %arg6[%get3A_340, %get3A_341] {strides = array<i32>} : memref<128x128xf32, #tpu.memory_space<vmem>>, vector<1x16xf32>,
        %get3A_343 = vector.shape_cast %get3A_342 : vector<1x16xf32> to vector<16xf32>
        %mul3A_344 = arith.constant 11.3137083 : f32
        %mul3A_345 = vector.broadcast %mul3A_344 : f32 to vector<16xf32>
        %mul3A_346 = arith.mulf %get3A_343, %mul3A_345 : vector<16xf32>
        %swap3A_347 = arith.index_cast %scan3A_327 : i32 to index
        %swap3A_348 = arith.constant 16 : index
        %swap3A_349 = tpu.vector_load %arg6[%swap3A_347, %swap3A_348] {strides = array<i32>} : memref<128x128xf32, #tpu.memory_space<vmem>>, vector<1x16xf32>,
        %swap3A_350 = vector.shape_cast %swap3A_349 : vector<1x16xf32> to vector<16xf32>
        %swap3A_351 = vector.shape_cast %mul3A_346 : vector<16xf32> to vector<1x16xf32>
        tpu.vector_store %arg6[%swap3A_347, %swap3A_348], %swap3A_351 {strides = array<i32>} : memref<128x128xf32, #tpu.memory_space<vmem>>, vector<1x16xf32>,
        %get3A_352 = arith.index_cast %scan3A_327 : i32 to index
        %get3A_353 = arith.constant 32 : index
        %get3A_354 = tpu.vector_load %arg6[%get3A_352, %get3A_353] {strides = array<i32>} : memref<128x128xf32, #tpu.memory_space<vmem>>, vector<1x16xf32>,
        %get3A_355 = vector.shape_cast %get3A_354 : vector<1x16xf32> to vector<16xf32>
        %mul3A_356 = arith.constant 11.3137083 : f32
        %mul3A_357 = vector.broadcast %mul3A_356 : f32 to vector<16xf32>
        %mul3A_358 = arith.mulf %get3A_355, %mul3A_357 : vector<16xf32>
        %swap3A_359 = arith.index_cast %scan3A_327 : i32 to index
        %swap3A_360 = arith.constant 32 : index
        %swap3A_361 = tpu.vector_load %arg6[%swap3A_359, %swap3A_360] {strides = array<i32>} : memref<128x128xf32, #tpu.memory_space<vmem>>, vector<1x16xf32>,
        %swap3A_362 = vector.shape_cast %swap3A_361 : vector<1x16xf32> to vector<16xf32>
        %swap3A_363 = vector.shape_cast %mul3A_358 : vector<16xf32> to vector<1x16xf32>
        tpu.vector_store %arg6[%swap3A_359, %swap3A_360], %swap3A_363 {strides = array<i32>} : memref<128x128xf32, #tpu.memory_space<vmem>>, vector<1x16xf32>,
        %get3A_364 = arith.index_cast %scan3A_327 : i32 to index
        %get3A_365 = arith.constant 48 : index
        %get3A_366 = tpu.vector_load %arg6[%get3A_364, %get3A_365] {strides = array<i32>} : memref<128x128xf32, #tpu.memory_space<vmem>>, vector<1x16xf32>,
        %get3A_367 = vector.shape_cast %get3A_366 : vector<1x16xf32> to vector<16xf32>
        %mul3A_368 = arith.constant 11.3137083 : f32
        %mul3A_369 = vector.broadcast %mul3A_368 : f32 to vector<16xf32>
        %mul3A_370 = arith.mulf %get3A_367, %mul3A_369 : vector<16xf32>
        %swap3A_371 = arith.index_cast %scan3A_327 : i32 to index
        %swap3A_372 = arith.constant 48 : index
        %swap3A_373 = tpu.vector_load %arg6[%swap3A_371, %swap3A_372] {strides = array<i32>} : memref<128x128xf32, #tpu.memory_space<vmem>>, vector<1x16xf32>,
        %swap3A_374 = vector.shape_cast %swap3A_373 : vector<1x16xf32> to vector<16xf32>
        %swap3A_375 = vector.shape_cast %mul3A_370 : vector<16xf32> to vector<1x16xf32>
        tpu.vector_store %arg6[%swap3A_371, %swap3A_372], %swap3A_375 {strides = array<i32>} : memref<128x128xf32, #tpu.memory_space<vmem>>, vector<1x16xf32>,
        %get3A_376 = arith.index_cast %scan3A_327 : i32 to index
        %get3A_377 = arith.constant 64 : index
        %get3A_378 = tpu.vector_load %arg6[%get3A_376, %get3A_377] {strides = array<i32>} : memref<128x128xf32, #tpu.memory_space<vmem>>, vector<1x16xf32>,
        %get3A_379 = vector.shape_cast %get3A_378 : vector<1x16xf32> to vector<16xf32>
        %mul3A_380 = arith.constant 11.3137083 : f32
        %mul3A_381 = vector.broadcast %mul3A_380 : f32 to vector<16xf32>
        %mul3A_382 = arith.mulf %get3A_379, %mul3A_381 : vector<16xf32>
        %swap3A_383 = arith.index_cast %scan3A_327 : i32 to index
        %swap3A_384 = arith.constant 64 : index
        %swap3A_385 = tpu.vector_load %arg6[%swap3A_383, %swap3A_384] {strides = array<i32>} : memref<128x128xf32, #tpu.memory_space<vmem>>, vector<1x16xf32>,
        %swap3A_386 = vector.shape_cast %swap3A_385 : vector<1x16xf32> to vector<16xf32>
        %swap3A_387 = vector.shape_cast %mul3A_382 : vector<16xf32> to vector<1x16xf32>
        tpu.vector_store %arg6[%swap3A_383, %swap3A_384], %swap3A_387 {strides = array<i32>} : memref<128x128xf32, #tpu.memory_space<vmem>>, vector<1x16xf32>,
        %get3A_388 = arith.index_cast %scan3A_327 : i32 to index
        %get3A_389 = arith.constant 80 : index
        %get3A_390 = tpu.vector_load %arg6[%get3A_388, %get3A_389] {strides = array<i32>} : memref<128x128xf32, #tpu.memory_space<vmem>>, vector<1x16xf32>,
        %get3A_391 = vector.shape_cast %get3A_390 : vector<1x16xf32> to vector<16xf32>
        %mul3A_392 = arith.constant 11.3137083 : f32
        %mul3A_393 = vector.broadcast %mul3A_392 : f32 to vector<16xf32>
        %mul3A_394 = arith.mulf %get3A_391, %mul3A_393 : vector<16xf32>
        %swap3A_395 = arith.index_cast %scan3A_327 : i32 to index
        %swap3A_396 = arith.constant 80 : index
        %swap3A_397 = tpu.vector_load %arg6[%swap3A_395, %swap3A_396] {strides = array<i32>} : memref<128x128xf32, #tpu.memory_space<vmem>>, vector<1x16xf32>,
        %swap3A_398 = vector.shape_cast %swap3A_397 : vector<1x16xf32> to vector<16xf32>
        %swap3A_399 = vector.shape_cast %mul3A_394 : vector<16xf32> to vector<1x16xf32>
        tpu.vector_store %arg6[%swap3A_395, %swap3A_396], %swap3A_399 {strides = array<i32>} : memref<128x128xf32, #tpu.memory_space<vmem>>, vector<1x16xf32>,
        %get3A_400 = arith.index_cast %scan3A_327 : i32 to index
        %get3A_401 = arith.constant 96 : index
        %get3A_402 = tpu.vector_load %arg6[%get3A_400, %get3A_401] {strides = array<i32>} : memref<128x128xf32, #tpu.memory_space<vmem>>, vector<1x16xf32>,
        %get3A_403 = vector.shape_cast %get3A_402 : vector<1x16xf32> to vector<16xf32>
        %mul3A_404 = arith.constant 11.3137083 : f32
        %mul3A_405 = vector.broadcast %mul3A_404 : f32 to vector<16xf32>
        %mul3A_406 = arith.mulf %get3A_403, %mul3A_405 : vector<16xf32>
        %swap3A_407 = arith.index_cast %scan3A_327 : i32 to index
        %swap3A_408 = arith.constant 96 : index
        %swap3A_409 = tpu.vector_load %arg6[%swap3A_407, %swap3A_408] {strides = array<i32>} : memref<128x128xf32, #tpu.memory_space<vmem>>, vector<1x16xf32>,
        %swap3A_410 = vector.shape_cast %swap3A_409 : vector<1x16xf32> to vector<16xf32>
        %swap3A_411 = vector.shape_cast %mul3A_406 : vector<16xf32> to vector<1x16xf32>
        tpu.vector_store %arg6[%swap3A_407, %swap3A_408], %swap3A_411 {strides = array<i32>} : memref<128x128xf32, #tpu.memory_space<vmem>>, vector<1x16xf32>,
        %get3A_412 = arith.index_cast %scan3A_327 : i32 to index
        %get3A_413 = arith.constant 112 : index
        %get3A_414 = tpu.vector_load %arg6[%get3A_412, %get3A_413] {strides = array<i32>} : memref<128x128xf32, #tpu.memory_space<vmem>>, vector<1x16xf32>,
        %get3A_415 = vector.shape_cast %get3A_414 : vector<1x16xf32> to vector<16xf32>
        %mul3A_416 = arith.constant 11.3137083 : f32
        %mul3A_417 = vector.broadcast %mul3A_416 : f32 to vector<16xf32>
        %mul3A_418 = arith.mulf %get3A_415, %mul3A_417 : vector<16xf32>
        %swap3A_419 = arith.index_cast %scan3A_327 : i32 to index
        %swap3A_420 = arith.constant 112 : index
        %swap3A_421 = tpu.vector_load %arg6[%swap3A_419, %swap3A_420] {strides = array<i32>} : memref<128x128xf32, #tpu.memory_space<vmem>>, vector<1x16xf32>,
        %swap3A_422 = vector.shape_cast %swap3A_421 : vector<1x16xf32> to vector<16xf32>
        %swap3A_423 = vector.shape_cast %mul3A_418 : vector<16xf32> to vector<1x16xf32>
        tpu.vector_store %arg6[%swap3A_419, %swap3A_420], %swap3A_423 {strides = array<i32>} : memref<128x128xf32, #tpu.memory_space<vmem>>, vector<1x16xf32>,
        %scan3A_424 = arith.constant 2 : i32
        %scan3A_425 = arith.addi %scan3A_231, %scan3A_424 : i32
        %get3A_426 = arith.index_cast %scan3A_425 : i32 to index
        %get3A_427 = arith.constant 0 : index
        %get3A_428 = tpu.vector_load %arg6[%get3A_426, %get3A_427] {strides = array<i32>} : memref<128x128xf32, #tpu.memory_space<vmem>>, vector<1x16xf32>,
        %get3A_429 = vector.shape_cast %get3A_428 : vector<1x16xf32> to vector<16xf32>
        %mul3A_430 = arith.constant 11.3137083 : f32
        %mul3A_431 = vector.broadcast %mul3A_430 : f32 to vector<16xf32>
        %mul3A_432 = arith.mulf %get3A_429, %mul3A_431 : vector<16xf32>
        %swap3A_433 = arith.index_cast %scan3A_425 : i32 to index
        %swap3A_434 = arith.constant 0 : index
        %swap3A_435 = tpu.vector_load %arg6[%swap3A_433, %swap3A_434] {strides = array<i32>} : memref<128x128xf32, #tpu.memory_space<vmem>>, vector<1x16xf32>,
        %swap3A_436 = vector.shape_cast %swap3A_435 : vector<1x16xf32> to vector<16xf32>
        %swap3A_437 = vector.shape_cast %mul3A_432 : vector<16xf32> to vector<1x16xf32>
        tpu.vector_store %arg6[%swap3A_433, %swap3A_434], %swap3A_437 {strides = array<i32>} : memref<128x128xf32, #tpu.memory_space<vmem>>, vector<1x16xf32>,
        %get3A_438 = arith.index_cast %scan3A_425 : i32 to index
        %get3A_439 = arith.constant 16 : index
        %get3A_440 = tpu.vector_load %arg6[%get3A_438, %get3A_439] {strides = array<i32>} : memref<128x128xf32, #tpu.memory_space<vmem>>, vector<1x16xf32>,
        %get3A_441 = vector.shape_cast %get3A_440 : vector<1x16xf32> to vector<16xf32>
        %mul3A_442 = arith.constant 11.3137083 : f32
        %mul3A_443 = vector.broadcast %mul3A_442 : f32 to vector<16xf32>
        %mul3A_444 = arith.mulf %get3A_441, %mul3A_443 : vector<16xf32>
        %swap3A_445 = arith.index_cast %scan3A_425 : i32 to index
        %swap3A_446 = arith.constant 16 : index
        %swap3A_447 = tpu.vector_load %arg6[%swap3A_445, %swap3A_446] {strides = array<i32>} : memref<128x128xf32, #tpu.memory_space<vmem>>, vector<1x16xf32>,
        %swap3A_448 = vector.shape_cast %swap3A_447 : vector<1x16xf32> to vector<16xf32>
        %swap3A_449 = vector.shape_cast %mul3A_444 : vector<16xf32> to vector<1x16xf32>
        tpu.vector_store %arg6[%swap3A_445, %swap3A_446], %swap3A_449 {strides = array<i32>} : memref<128x128xf32, #tpu.memory_space<vmem>>, vector<1x16xf32>,
        %get3A_450 = arith.index_cast %scan3A_425 : i32 to index
        %get3A_451 = arith.constant 32 : index
        %get3A_452 = tpu.vector_load %arg6[%get3A_450, %get3A_451] {strides = array<i32>} : memref<128x128xf32, #tpu.memory_space<vmem>>, vector<1x16xf32>,
        %get3A_453 = vector.shape_cast %get3A_452 : vector<1x16xf32> to vector<16xf32>
        %mul3A_454 = arith.constant 11.3137083 : f32
        %mul3A_455 = vector.broadcast %mul3A_454 : f32 to vector<16xf32>
        %mul3A_456 = arith.mulf %get3A_453, %mul3A_455 : vector<16xf32>
        %swap3A_457 = arith.index_cast %scan3A_425 : i32 to index
        %swap3A_458 = arith.constant 32 : index
        %swap3A_459 = tpu.vector_load %arg6[%swap3A_457, %swap3A_458] {strides = array<i32>} : memref<128x128xf32, #tpu.memory_space<vmem>>, vector<1x16xf32>,
        %swap3A_460 = vector.shape_cast %swap3A_459 : vector<1x16xf32> to vector<16xf32>
        %swap3A_461 = vector.shape_cast %mul3A_456 : vector<16xf32> to vector<1x16xf32>
        tpu.vector_store %arg6[%swap3A_457, %swap3A_458], %swap3A_461 {strides = array<i32>} : memref<128x128xf32, #tpu.memory_space<vmem>>, vector<1x16xf32>,
        %get3A_462 = arith.index_cast %scan3A_425 : i32 to index
        %get3A_463 = arith.constant 48 : index
        %get3A_464 = tpu.vector_load %arg6[%get3A_462, %get3A_463] {strides = array<i32>} : memref<128x128xf32, #tpu.memory_space<vmem>>, vector<1x16xf32>,
        %get3A_465 = vector.shape_cast %get3A_464 : vector<1x16xf32> to vector<16xf32>
        %mul3A_466 = arith.constant 11.3137083 : f32
        %mul3A_467 = vector.broadcast %mul3A_466 : f32 to vector<16xf32>
        %mul3A_468 = arith.mulf %get3A_465, %mul3A_467 : vector<16xf32>
        %swap3A_469 = arith.index_cast %scan3A_425 : i32 to index
        %swap3A_470 = arith.constant 48 : index
        %swap3A_471 = tpu.vector_load %arg6[%swap3A_469, %swap3A_470] {strides = array<i32>} : memref<128x128xf32, #tpu.memory_space<vmem>>, vector<1x16xf32>,
        %swap3A_472 = vector.shape_cast %swap3A_471 : vector<1x16xf32> to vector<16xf32>
        %swap3A_473 = vector.shape_cast %mul3A_468 : vector<16xf32> to vector<1x16xf32>
        tpu.vector_store %arg6[%swap3A_469, %swap3A_470], %swap3A_473 {strides = array<i32>} : memref<128x128xf32, #tpu.memory_space<vmem>>, vector<1x16xf32>,
        %get3A_474 = arith.index_cast %scan3A_425 : i32 to index
        %get3A_475 = arith.constant 64 : index
        %get3A_476 = tpu.vector_load %arg6[%get3A_474, %get3A_475] {strides = array<i32>} : memref<128x128xf32, #tpu.memory_space<vmem>>, vector<1x16xf32>,
        %get3A_477 = vector.shape_cast %get3A_476 : vector<1x16xf32> to vector<16xf32>
        %mul3A_478 = arith.constant 11.3137083 : f32
        %mul3A_479 = vector.broadcast %mul3A_478 : f32 to vector<16xf32>
        %mul3A_480 = arith.mulf %get3A_477, %mul3A_479 : vector<16xf32>
        %swap3A_481 = arith.index_cast %scan3A_425 : i32 to index
        %swap3A_482 = arith.constant 64 : index
        %swap3A_483 = tpu.vector_load %arg6[%swap3A_481, %swap3A_482] {strides = array<i32>} : memref<128x128xf32, #tpu.memory_space<vmem>>, vector<1x16xf32>,
        %swap3A_484 = vector.shape_cast %swap3A_483 : vector<1x16xf32> to vector<16xf32>
        %swap3A_485 = vector.shape_cast %mul3A_480 : vector<16xf32> to vector<1x16xf32>
        tpu.vector_store %arg6[%swap3A_481, %swap3A_482], %swap3A_485 {strides = array<i32>} : memref<128x128xf32, #tpu.memory_space<vmem>>, vector<1x16xf32>,
        %get3A_486 = arith.index_cast %scan3A_425 : i32 to index
        %get3A_487 = arith.constant 80 : index
        %get3A_488 = tpu.vector_load %arg6[%get3A_486, %get3A_487] {strides = array<i32>} : memref<128x128xf32, #tpu.memory_space<vmem>>, vector<1x16xf32>,
        %get3A_489 = vector.shape_cast %get3A_488 : vector<1x16xf32> to vector<16xf32>
        %mul3A_490 = arith.constant 11.3137083 : f32
        %mul3A_491 = vector.broadcast %mul3A_490 : f32 to vector<16xf32>
        %mul3A_492 = arith.mulf %get3A_489, %mul3A_491 : vector<16xf32>
        %swap3A_493 = arith.index_cast %scan3A_425 : i32 to index
        %swap3A_494 = arith.constant 80 : index
        %swap3A_495 = tpu.vector_load %arg6[%swap3A_493, %swap3A_494] {strides = array<i32>} : memref<128x128xf32, #tpu.memory_space<vmem>>, vector<1x16xf32>,
        %swap3A_496 = vector.shape_cast %swap3A_495 : vector<1x16xf32> to vector<16xf32>
        %swap3A_497 = vector.shape_cast %mul3A_492 : vector<16xf32> to vector<1x16xf32>
        tpu.vector_store %arg6[%swap3A_493, %swap3A_494], %swap3A_497 {strides = array<i32>} : memref<128x128xf32, #tpu.memory_space<vmem>>, vector<1x16xf32>,
        %get3A_498 = arith.index_cast %scan3A_425 : i32 to index
        %get3A_499 = arith.constant 96 : index
        %get3A_500 = tpu.vector_load %arg6[%get3A_498, %get3A_499] {strides = array<i32>} : memref<128x128xf32, #tpu.memory_space<vmem>>, vector<1x16xf32>,
        %get3A_501 = vector.shape_cast %get3A_500 : vector<1x16xf32> to vector<16xf32>
        %mul3A_502 = arith.constant 11.3137083 : f32
        %mul3A_503 = vector.broadcast %mul3A_502 : f32 to vector<16xf32>
        %mul3A_504 = arith.mulf %get3A_501, %mul3A_503 : vector<16xf32>
        %swap3A_505 = arith.index_cast %scan3A_425 : i32 to index
        %swap3A_506 = arith.constant 96 : index
        %swap3A_507 = tpu.vector_load %arg6[%swap3A_505, %swap3A_506] {strides = array<i32>} : memref<128x128xf32, #tpu.memory_space<vmem>>, vector<1x16xf32>,
        %swap3A_508 = vector.shape_cast %swap3A_507 : vector<1x16xf32> to vector<16xf32>
        %swap3A_509 = vector.shape_cast %mul3A_504 : vector<16xf32> to vector<1x16xf32>
        tpu.vector_store %arg6[%swap3A_505, %swap3A_506], %swap3A_509 {strides = array<i32>} : memref<128x128xf32, #tpu.memory_space<vmem>>, vector<1x16xf32>,
        %get3A_510 = arith.index_cast %scan3A_425 : i32 to index
        %get3A_511 = arith.constant 112 : index
        %get3A_512 = tpu.vector_load %arg6[%get3A_510, %get3A_511] {strides = array<i32>} : memref<128x128xf32, #tpu.memory_space<vmem>>, vector<1x16xf32>,
        %get3A_513 = vector.shape_cast %get3A_512 : vector<1x16xf32> to vector<16xf32>
        %mul3A_514 = arith.constant 11.3137083 : f32
        %mul3A_515 = vector.broadcast %mul3A_514 : f32 to vector<16xf32>
        %mul3A_516 = arith.mulf %get3A_513, %mul3A_515 : vector<16xf32>
        %swap3A_517 = arith.index_cast %scan3A_425 : i32 to index
        %swap3A_518 = arith.constant 112 : index
        %swap3A_519 = tpu.vector_load %arg6[%swap3A_517, %swap3A_518] {strides = array<i32>} : memref<128x128xf32, #tpu.memory_space<vmem>>, vector<1x16xf32>,
        %swap3A_520 = vector.shape_cast %swap3A_519 : vector<1x16xf32> to vector<16xf32>
        %swap3A_521 = vector.shape_cast %mul3A_516 : vector<16xf32> to vector<1x16xf32>
        tpu.vector_store %arg6[%swap3A_517, %swap3A_518], %swap3A_521 {strides = array<i32>} : memref<128x128xf32, #tpu.memory_space<vmem>>, vector<1x16xf32>,
        %scan3A_522 = arith.constant 3 : i32
        %scan3A_523 = arith.addi %scan3A_231, %scan3A_522 : i32
        %get3A_524 = arith.index_cast %scan3A_523 : i32 to index
        %get3A_525 = arith.constant 0 : index
        %get3A_526 = tpu.vector_load %arg6[%get3A_524, %get3A_525] {strides = array<i32>} : memref<128x128xf32, #tpu.memory_space<vmem>>, vector<1x16xf32>,
        %get3A_527 = vector.shape_cast %get3A_526 : vector<1x16xf32> to vector<16xf32>
        %mul3A_528 = arith.constant 11.3137083 : f32
        %mul3A_529 = vector.broadcast %mul3A_528 : f32 to vector<16xf32>
        %mul3A_530 = arith.mulf %get3A_527, %mul3A_529 : vector<16xf32>
        %swap3A_531 = arith.index_cast %scan3A_523 : i32 to index
        %swap3A_532 = arith.constant 0 : index
        %swap3A_533 = tpu.vector_load %arg6[%swap3A_531, %swap3A_532] {strides = array<i32>} : memref<128x128xf32, #tpu.memory_space<vmem>>, vector<1x16xf32>,
        %swap3A_534 = vector.shape_cast %swap3A_533 : vector<1x16xf32> to vector<16xf32>
        %swap3A_535 = vector.shape_cast %mul3A_530 : vector<16xf32> to vector<1x16xf32>
        tpu.vector_store %arg6[%swap3A_531, %swap3A_532], %swap3A_535 {strides = array<i32>} : memref<128x128xf32, #tpu.memory_space<vmem>>, vector<1x16xf32>,
        %get3A_536 = arith.index_cast %scan3A_523 : i32 to index
        %get3A_537 = arith.constant 16 : index
        %get3A_538 = tpu.vector_load %arg6[%get3A_536, %get3A_537] {strides = array<i32>} : memref<128x128xf32, #tpu.memory_space<vmem>>, vector<1x16xf32>,
        %get3A_539 = vector.shape_cast %get3A_538 : vector<1x16xf32> to vector<16xf32>
        %mul3A_540 = arith.constant 11.3137083 : f32
        %mul3A_541 = vector.broadcast %mul3A_540 : f32 to vector<16xf32>
        %mul3A_542 = arith.mulf %get3A_539, %mul3A_541 : vector<16xf32>
        %swap3A_543 = arith.index_cast %scan3A_523 : i32 to index
        %swap3A_544 = arith.constant 16 : index
        %swap3A_545 = tpu.vector_load %arg6[%swap3A_543, %swap3A_544] {strides = array<i32>} : memref<128x128xf32, #tpu.memory_space<vmem>>, vector<1x16xf32>,
        %swap3A_546 = vector.shape_cast %swap3A_545 : vector<1x16xf32> to vector<16xf32>
        %swap3A_547 = vector.shape_cast %mul3A_542 : vector<16xf32> to vector<1x16xf32>
        tpu.vector_store %arg6[%swap3A_543, %swap3A_544], %swap3A_547 {strides = array<i32>} : memref<128x128xf32, #tpu.memory_space<vmem>>, vector<1x16xf32>,
        %get3A_548 = arith.index_cast %scan3A_523 : i32 to index
        %get3A_549 = arith.constant 32 : index
        %get3A_550 = tpu.vector_load %arg6[%get3A_548, %get3A_549] {strides = array<i32>} : memref<128x128xf32, #tpu.memory_space<vmem>>, vector<1x16xf32>,
        %get3A_551 = vector.shape_cast %get3A_550 : vector<1x16xf32> to vector<16xf32>
        %mul3A_552 = arith.constant 11.3137083 : f32
        %mul3A_553 = vector.broadcast %mul3A_552 : f32 to vector<16xf32>
        %mul3A_554 = arith.mulf %get3A_551, %mul3A_553 : vector<16xf32>
        %swap3A_555 = arith.index_cast %scan3A_523 : i32 to index
        %swap3A_556 = arith.constant 32 : index
        %swap3A_557 = tpu.vector_load %arg6[%swap3A_555, %swap3A_556] {strides = array<i32>} : memref<128x128xf32, #tpu.memory_space<vmem>>, vector<1x16xf32>,
        %swap3A_558 = vector.shape_cast %swap3A_557 : vector<1x16xf32> to vector<16xf32>
        %swap3A_559 = vector.shape_cast %mul3A_554 : vector<16xf32> to vector<1x16xf32>
        tpu.vector_store %arg6[%swap3A_555, %swap3A_556], %swap3A_559 {strides = array<i32>} : memref<128x128xf32, #tpu.memory_space<vmem>>, vector<1x16xf32>,
        %get3A_560 = arith.index_cast %scan3A_523 : i32 to index
        %get3A_561 = arith.constant 48 : index
        %get3A_562 = tpu.vector_load %arg6[%get3A_560, %get3A_561] {strides = array<i32>} : memref<128x128xf32, #tpu.memory_space<vmem>>, vector<1x16xf32>,
        %get3A_563 = vector.shape_cast %get3A_562 : vector<1x16xf32> to vector<16xf32>
        %mul3A_564 = arith.constant 11.3137083 : f32
        %mul3A_565 = vector.broadcast %mul3A_564 : f32 to vector<16xf32>
        %mul3A_566 = arith.mulf %get3A_563, %mul3A_565 : vector<16xf32>
        %swap3A_567 = arith.index_cast %scan3A_523 : i32 to index
        %swap3A_568 = arith.constant 48 : index
        %swap3A_569 = tpu.vector_load %arg6[%swap3A_567, %swap3A_568] {strides = array<i32>} : memref<128x128xf32, #tpu.memory_space<vmem>>, vector<1x16xf32>,
        %swap3A_570 = vector.shape_cast %swap3A_569 : vector<1x16xf32> to vector<16xf32>
        %swap3A_571 = vector.shape_cast %mul3A_566 : vector<16xf32> to vector<1x16xf32>
        tpu.vector_store %arg6[%swap3A_567, %swap3A_568], %swap3A_571 {strides = array<i32>} : memref<128x128xf32, #tpu.memory_space<vmem>>, vector<1x16xf32>,
        %get3A_572 = arith.index_cast %scan3A_523 : i32 to index
        %get3A_573 = arith.constant 64 : index
        %get3A_574 = tpu.vector_load %arg6[%get3A_572, %get3A_573] {strides = array<i32>} : memref<128x128xf32, #tpu.memory_space<vmem>>, vector<1x16xf32>,
        %get3A_575 = vector.shape_cast %get3A_574 : vector<1x16xf32> to vector<16xf32>
        %mul3A_576 = arith.constant 11.3137083 : f32
        %mul3A_577 = vector.broadcast %mul3A_576 : f32 to vector<16xf32>
        %mul3A_578 = arith.mulf %get3A_575, %mul3A_577 : vector<16xf32>
        %swap3A_579 = arith.index_cast %scan3A_523 : i32 to index
        %swap3A_580 = arith.constant 64 : index
        %swap3A_581 = tpu.vector_load %arg6[%swap3A_579, %swap3A_580] {strides = array<i32>} : memref<128x128xf32, #tpu.memory_space<vmem>>, vector<1x16xf32>,
        %swap3A_582 = vector.shape_cast %swap3A_581 : vector<1x16xf32> to vector<16xf32>
        %swap3A_583 = vector.shape_cast %mul3A_578 : vector<16xf32> to vector<1x16xf32>
        tpu.vector_store %arg6[%swap3A_579, %swap3A_580], %swap3A_583 {strides = array<i32>} : memref<128x128xf32, #tpu.memory_space<vmem>>, vector<1x16xf32>,
        %get3A_584 = arith.index_cast %scan3A_523 : i32 to index
        %get3A_585 = arith.constant 80 : index
        %get3A_586 = tpu.vector_load %arg6[%get3A_584, %get3A_585] {strides = array<i32>} : memref<128x128xf32, #tpu.memory_space<vmem>>, vector<1x16xf32>,
        %get3A_587 = vector.shape_cast %get3A_586 : vector<1x16xf32> to vector<16xf32>
        %mul3A_588 = arith.constant 11.3137083 : f32
        %mul3A_589 = vector.broadcast %mul3A_588 : f32 to vector<16xf32>
        %mul3A_590 = arith.mulf %get3A_587, %mul3A_589 : vector<16xf32>
        %swap3A_591 = arith.index_cast %scan3A_523 : i32 to index
        %swap3A_592 = arith.constant 80 : index
        %swap3A_593 = tpu.vector_load %arg6[%swap3A_591, %swap3A_592] {strides = array<i32>} : memref<128x128xf32, #tpu.memory_space<vmem>>, vector<1x16xf32>,
        %swap3A_594 = vector.shape_cast %swap3A_593 : vector<1x16xf32> to vector<16xf32>
        %swap3A_595 = vector.shape_cast %mul3A_590 : vector<16xf32> to vector<1x16xf32>
        tpu.vector_store %arg6[%swap3A_591, %swap3A_592], %swap3A_595 {strides = array<i32>} : memref<128x128xf32, #tpu.memory_space<vmem>>, vector<1x16xf32>,
        %get3A_596 = arith.index_cast %scan3A_523 : i32 to index
        %get3A_597 = arith.constant 96 : index
        %get3A_598 = tpu.vector_load %arg6[%get3A_596, %get3A_597] {strides = array<i32>} : memref<128x128xf32, #tpu.memory_space<vmem>>, vector<1x16xf32>,
        %get3A_599 = vector.shape_cast %get3A_598 : vector<1x16xf32> to vector<16xf32>
        %mul3A_600 = arith.constant 11.3137083 : f32
        %mul3A_601 = vector.broadcast %mul3A_600 : f32 to vector<16xf32>
        %mul3A_602 = arith.mulf %get3A_599, %mul3A_601 : vector<16xf32>
        %swap3A_603 = arith.index_cast %scan3A_523 : i32 to index
        %swap3A_604 = arith.constant 96 : index
        %swap3A_605 = tpu.vector_load %arg6[%swap3A_603, %swap3A_604] {strides = array<i32>} : memref<128x128xf32, #tpu.memory_space<vmem>>, vector<1x16xf32>,
        %swap3A_606 = vector.shape_cast %swap3A_605 : vector<1x16xf32> to vector<16xf32>
        %swap3A_607 = vector.shape_cast %mul3A_602 : vector<16xf32> to vector<1x16xf32>
        tpu.vector_store %arg6[%swap3A_603, %swap3A_604], %swap3A_607 {strides = array<i32>} : memref<128x128xf32, #tpu.memory_space<vmem>>, vector<1x16xf32>,
        %get3A_608 = arith.index_cast %scan3A_523 : i32 to index
        %get3A_609 = arith.constant 112 : index
        %get3A_610 = tpu.vector_load %arg6[%get3A_608, %get3A_609] {strides = array<i32>} : memref<128x128xf32, #tpu.memory_space<vmem>>, vector<1x16xf32>,
        %get3A_611 = vector.shape_cast %get3A_610 : vector<1x16xf32> to vector<16xf32>
        %mul3A_612 = arith.constant 11.3137083 : f32
        %mul3A_613 = vector.broadcast %mul3A_612 : f32 to vector<16xf32>
        %mul3A_614 = arith.mulf %get3A_611, %mul3A_613 : vector<16xf32>
        %swap3A_615 = arith.index_cast %scan3A_523 : i32 to index
        %swap3A_616 = arith.constant 112 : index
        %swap3A_617 = tpu.vector_load %arg6[%swap3A_615, %swap3A_616] {strides = array<i32>} : memref<128x128xf32, #tpu.memory_space<vmem>>, vector<1x16xf32>,
        %swap3A_618 = vector.shape_cast %swap3A_617 : vector<1x16xf32> to vector<16xf32>
        %swap3A_619 = vector.shape_cast %mul3A_614 : vector<16xf32> to vector<1x16xf32>
        tpu.vector_store %arg6[%swap3A_615, %swap3A_616], %swap3A_619 {strides = array<i32>} : memref<128x128xf32, #tpu.memory_space<vmem>>, vector<1x16xf32>,
      }
      %scan3A_56 = arith.constant 128 : i32
      %mul3A_57 = arith.constant 128 : i32
      %mul3A_58 = arith.muli %add3A_44, %mul3A_57 : i32
      %add3A_59 = arith.addi %mul3A_2, %mul3A_58 : i32
      %dma_start3A_60 = arith.constant 0 : i32
      %dma_start3A_61 = tpu.memref_slice %arg4[%add3A_59, %dma_start3A_60] : memref<204800x128xf32, #tpu.memory_space<hbm>> -> memref<128x128xf32, #tpu.memory_space<hbm>>
      %dma_start3A_62 = arith.constant 0 : i32
      %dma_start3A_63 = tpu.memref_slice %arg4[%add3A_59, %dma_start3A_62] : memref<204800x128xf32, #tpu.memory_space<hbm>> -> memref<128x128xf32, #tpu.memory_space<hbm>>
      tpu.enqueue_dma source(%arg6 : memref<128x128xf32, #tpu.memory_space<vmem>>) target(%dma_start3A_63 : memref<128x128xf32, #tpu.memory_space<hbm>>) target_semaphore(%arg16 : memref<!tpu.dma_semaphore, #tpu.memory_space<semaphore_mem>>)
      %add3A_64 = arith.constant 4 : i32
      %add3A_65 = arith.addi %add3A_44, %add3A_64 : i32
      %sub3A = arith.constant 5 : i32
      %sub3A_66 = arith.subi %add3A_65, %sub3A : i32
      %ge3A = arith.constant 0 : i32
      %ge3A_67 = arith.cmpi sge, %sub3A_66, %ge3A : i32
      %convert_element_type3A = arith.extui %ge3A_67 : i1 to i32
      %cond3A = arith.constant 0 : i32
      %cond3A_68 = arith.cmpi ne, %convert_element_type3A, %cond3A : i32
      scf.if %cond3A_68 {
        %add3A_231 = arith.constant 4 : i32
        %add3A_232 = arith.addi %add3A_44, %add3A_231 : i32
        %sub3A_233 = arith.constant 5 : i32
        %sub3A_234 = arith.subi %add3A_232, %sub3A_233 : i32
        %mul3A_235 = arith.constant 128 : i32
        %mul3A_236 = arith.muli %sub3A_234, %mul3A_235 : i32
        %add3A_237 = arith.addi %mul3A_2, %mul3A_236 : i32
        %dma_wait3A_238 = arith.constant 0 : i32
        %dma_wait3A_239 = tpu.memref_slice %arg4[%add3A_237, %dma_wait3A_238] : memref<204800x128xf32, #tpu.memory_space<hbm>> -> memref<128x128xf32, #tpu.memory_space<hbm>>
        %dma_wait3A_240 = arith.constant 0 : i32
        %dma_wait3A_241 = tpu.memref_slice %arg4[%add3A_237, %dma_wait3A_240] : memref<204800x128xf32, #tpu.memory_space<hbm>> -> memref<128x128xf32, #tpu.memory_space<hbm>>
        tpu.wait_dma2 semaphore(%arg20 : memref<!tpu.dma_semaphore, #tpu.memory_space<semaphore_mem>>) src(%arg10 : memref<128x128xf32, #tpu.memory_space<vmem>>) dst(%dma_wait3A_241 : memref<128x128xf32, #tpu.memory_space<hbm>>)
      } else {
      }
      %add3A_69 = arith.constant 4 : i32
      %add3A_70 = arith.addi %add3A_44, %add3A_69 : i32
      %lt3A = arith.constant 50 : i32
      %lt3A_71 = arith.cmpi slt, %add3A_70, %lt3A : i32
      %convert_element_type3A_72 = arith.extui %lt3A_71 : i1 to i32
      %cond3A_73 = arith.constant 0 : i32
      %cond3A_74 = arith.cmpi ne, %convert_element_type3A_72, %cond3A_73 : i32
      scf.if %cond3A_74 {
        %add3A_231 = arith.constant 4 : i32
        %add3A_232 = arith.addi %add3A_44, %add3A_231 : i32
        %dma_start3A_233 = arith.constant 0 : i32
        %dma_start3A_234 = tpu.memref_slice %arg5[%add3A_232, %dma_start3A_233] : memref<50x128xi32, #tpu.memory_space<vmem>> -> memref<1x128xi32, #tpu.memory_space<vmem>>
        %dma_start3A_235 = tpu.memref_squeeze %dma_start3A_234 : memref<1x128xi32, #tpu.memory_space<vmem>> -> memref<128xi32, #tpu.memory_space<vmem>>
        %dma_start3A_236 = arith.constant 0 : i32
        %dma_start3A_237 = arith.constant 0 : i32
        %dma_start3A_238 = tpu.memref_slice %arg3[%dma_start3A_236, %dma_start3A_237] : memref<1000000x128xf32, #tpu.memory_space<hbm>> -> memref<1000000x128xf32, #tpu.memory_space<hbm>>
        tpu.enqueue_indirect_dma source(%dma_start3A_238 : memref<1000000x128xf32, #tpu.memory_space<hbm>>) target(%arg10 : memref<128x128xf32, #tpu.memory_space<vmem>>) offsets(%dma_start3A_235 : memref<128xi32, #tpu.memory_space<vmem>>) semaphore(%arg15 : memref<!tpu.dma_semaphore, #tpu.memory_space<semaphore_mem>>)
      } else {
      }
      %mul3A_75 = arith.constant 5 : i32
      %mul3A_76 = arith.muli %scan3A_40, %mul3A_75 : i32
      %add3A_77 = arith.constant 1 : i32
      %add3A_78 = arith.addi %mul3A_76, %add3A_77 : i32
      %dma_wait3A_79 = arith.constant 0 : i32
      %dma_wait3A_80 = tpu.memref_slice %arg5[%add3A_78, %dma_wait3A_79] : memref<50x128xi32, #tpu.memory_space<vmem>> -> memref<1x128xi32, #tpu.memory_space<vmem>>
      %dma_wait3A_81 = tpu.memref_squeeze %dma_wait3A_80 : memref<1x128xi32, #tpu.memory_space<vmem>> -> memref<128xi32, #tpu.memory_space<vmem>>
      %dma_wait3A_82 = arith.constant 0 : i32
      %dma_wait3A_83 = arith.constant 0 : i32
      %dma_wait3A_84 = tpu.memref_slice %arg3[%dma_wait3A_82, %dma_wait3A_83] : memref<1000000x128xf32, #tpu.memory_space<hbm>> -> memref<1000000x128xf32, #tpu.memory_space<hbm>>
      tpu.wait_indirect_dma semaphore(%arg12 : memref<!tpu.dma_semaphore, #tpu.memory_space<semaphore_mem>>) src(%dma_wait3A_84 : memref<1000000x128xf32, #tpu.memory_space<hbm>>) dst(%arg7 : memref<128x128xf32, #tpu.memory_space<vmem>>)
      %scan3A_85 = arith.constant 0 : i32
      %scan3A_86 = arith.constant 0 : i32
      %scan3A_87 = arith.constant 128 : i32
      %scan3A_88 = arith.addi %scan3A_86, %scan3A_87 : i32
      %scan3A_89 = arith.constant 4 : i32
      scf.for %scan3A_231 = %scan3A_86 to %scan3A_88 step %scan3A_89  : i32 {
        %get3A = arith.index_cast %scan3A_231 : i32 to index
        %get3A_232 = arith.constant 0 : index
        %get3A_233 = tpu.vector_load %arg7[%get3A, %get3A_232] {strides = array<i32>} : memref<128x128xf32, #tpu.memory_space<vmem>>, vector<1x16xf32>,
        %get3A_234 = vector.shape_cast %get3A_233 : vector<1x16xf32> to vector<16xf32>
        %mul3A_235 = arith.constant 11.3137083 : f32
        %mul3A_236 = vector.broadcast %mul3A_235 : f32 to vector<16xf32>
        %mul3A_237 = arith.mulf %get3A_234, %mul3A_236 : vector<16xf32>
        %swap3A = arith.index_cast %scan3A_231 : i32 to index
        %swap3A_238 = arith.constant 0 : index
        %swap3A_239 = tpu.vector_load %arg7[%swap3A, %swap3A_238] {strides = array<i32>} : memref<128x128xf32, #tpu.memory_space<vmem>>, vector<1x16xf32>,
        %swap3A_240 = vector.shape_cast %swap3A_239 : vector<1x16xf32> to vector<16xf32>
        %swap3A_241 = vector.shape_cast %mul3A_237 : vector<16xf32> to vector<1x16xf32>
        tpu.vector_store %arg7[%swap3A, %swap3A_238], %swap3A_241 {strides = array<i32>} : memref<128x128xf32, #tpu.memory_space<vmem>>, vector<1x16xf32>,
        %get3A_242 = arith.index_cast %scan3A_231 : i32 to index
        %get3A_243 = arith.constant 16 : index
        %get3A_244 = tpu.vector_load %arg7[%get3A_242, %get3A_243] {strides = array<i32>} : memref<128x128xf32, #tpu.memory_space<vmem>>, vector<1x16xf32>,
        %get3A_245 = vector.shape_cast %get3A_244 : vector<1x16xf32> to vector<16xf32>
        %mul3A_246 = arith.constant 11.3137083 : f32
        %mul3A_247 = vector.broadcast %mul3A_246 : f32 to vector<16xf32>
        %mul3A_248 = arith.mulf %get3A_245, %mul3A_247 : vector<16xf32>
        %swap3A_249 = arith.index_cast %scan3A_231 : i32 to index
        %swap3A_250 = arith.constant 16 : index
        %swap3A_251 = tpu.vector_load %arg7[%swap3A_249, %swap3A_250] {strides = array<i32>} : memref<128x128xf32, #tpu.memory_space<vmem>>, vector<1x16xf32>,
        %swap3A_252 = vector.shape_cast %swap3A_251 : vector<1x16xf32> to vector<16xf32>
        %swap3A_253 = vector.shape_cast %mul3A_248 : vector<16xf32> to vector<1x16xf32>
        tpu.vector_store %arg7[%swap3A_249, %swap3A_250], %swap3A_253 {strides = array<i32>} : memref<128x128xf32, #tpu.memory_space<vmem>>, vector<1x16xf32>,
        %get3A_254 = arith.index_cast %scan3A_231 : i32 to index
        %get3A_255 = arith.constant 32 : index
        %get3A_256 = tpu.vector_load %arg7[%get3A_254, %get3A_255] {strides = array<i32>} : memref<128x128xf32, #tpu.memory_space<vmem>>, vector<1x16xf32>,
        %get3A_257 = vector.shape_cast %get3A_256 : vector<1x16xf32> to vector<16xf32>
        %mul3A_258 = arith.constant 11.3137083 : f32
        %mul3A_259 = vector.broadcast %mul3A_258 : f32 to vector<16xf32>
        %mul3A_260 = arith.mulf %get3A_257, %mul3A_259 : vector<16xf32>
        %swap3A_261 = arith.index_cast %scan3A_231 : i32 to index
        %swap3A_262 = arith.constant 32 : index
        %swap3A_263 = tpu.vector_load %arg7[%swap3A_261, %swap3A_262] {strides = array<i32>} : memref<128x128xf32, #tpu.memory_space<vmem>>, vector<1x16xf32>,
        %swap3A_264 = vector.shape_cast %swap3A_263 : vector<1x16xf32> to vector<16xf32>
        %swap3A_265 = vector.shape_cast %mul3A_260 : vector<16xf32> to vector<1x16xf32>
        tpu.vector_store %arg7[%swap3A_261, %swap3A_262], %swap3A_265 {strides = array<i32>} : memref<128x128xf32, #tpu.memory_space<vmem>>, vector<1x16xf32>,
        %get3A_266 = arith.index_cast %scan3A_231 : i32 to index
        %get3A_267 = arith.constant 48 : index
        %get3A_268 = tpu.vector_load %arg7[%get3A_266, %get3A_267] {strides = array<i32>} : memref<128x128xf32, #tpu.memory_space<vmem>>, vector<1x16xf32>,
        %get3A_269 = vector.shape_cast %get3A_268 : vector<1x16xf32> to vector<16xf32>
        %mul3A_270 = arith.constant 11.3137083 : f32
        %mul3A_271 = vector.broadcast %mul3A_270 : f32 to vector<16xf32>
        %mul3A_272 = arith.mulf %get3A_269, %mul3A_271 : vector<16xf32>
        %swap3A_273 = arith.index_cast %scan3A_231 : i32 to index
        %swap3A_274 = arith.constant 48 : index
        %swap3A_275 = tpu.vector_load %arg7[%swap3A_273, %swap3A_274] {strides = array<i32>} : memref<128x128xf32, #tpu.memory_space<vmem>>, vector<1x16xf32>,
        %swap3A_276 = vector.shape_cast %swap3A_275 : vector<1x16xf32> to vector<16xf32>
        %swap3A_277 = vector.shape_cast %mul3A_272 : vector<16xf32> to vector<1x16xf32>
        tpu.vector_store %arg7[%swap3A_273, %swap3A_274], %swap3A_277 {strides = array<i32>} : memref<128x128xf32, #tpu.memory_space<vmem>>, vector<1x16xf32>,
        %get3A_278 = arith.index_cast %scan3A_231 : i32 to index
        %get3A_279 = arith.constant 64 : index
        %get3A_280 = tpu.vector_load %arg7[%get3A_278, %get3A_279] {strides = array<i32>} : memref<128x128xf32, #tpu.memory_space<vmem>>, vector<1x16xf32>,
        %get3A_281 = vector.shape_cast %get3A_280 : vector<1x16xf32> to vector<16xf32>
        %mul3A_282 = arith.constant 11.3137083 : f32
        %mul3A_283 = vector.broadcast %mul3A_282 : f32 to vector<16xf32>
        %mul3A_284 = arith.mulf %get3A_281, %mul3A_283 : vector<16xf32>
        %swap3A_285 = arith.index_cast %scan3A_231 : i32 to index
        %swap3A_286 = arith.constant 64 : index
        %swap3A_287 = tpu.vector_load %arg7[%swap3A_285, %swap3A_286] {strides = array<i32>} : memref<128x128xf32, #tpu.memory_space<vmem>>, vector<1x16xf32>,
        %swap3A_288 = vector.shape_cast %swap3A_287 : vector<1x16xf32> to vector<16xf32>
        %swap3A_289 = vector.shape_cast %mul3A_284 : vector<16xf32> to vector<1x16xf32>
        tpu.vector_store %arg7[%swap3A_285, %swap3A_286], %swap3A_289 {strides = array<i32>} : memref<128x128xf32, #tpu.memory_space<vmem>>, vector<1x16xf32>,
        %get3A_290 = arith.index_cast %scan3A_231 : i32 to index
        %get3A_291 = arith.constant 80 : index
        %get3A_292 = tpu.vector_load %arg7[%get3A_290, %get3A_291] {strides = array<i32>} : memref<128x128xf32, #tpu.memory_space<vmem>>, vector<1x16xf32>,
        %get3A_293 = vector.shape_cast %get3A_292 : vector<1x16xf32> to vector<16xf32>
        %mul3A_294 = arith.constant 11.3137083 : f32
        %mul3A_295 = vector.broadcast %mul3A_294 : f32 to vector<16xf32>
        %mul3A_296 = arith.mulf %get3A_293, %mul3A_295 : vector<16xf32>
        %swap3A_297 = arith.index_cast %scan3A_231 : i32 to index
        %swap3A_298 = arith.constant 80 : index
        %swap3A_299 = tpu.vector_load %arg7[%swap3A_297, %swap3A_298] {strides = array<i32>} : memref<128x128xf32, #tpu.memory_space<vmem>>, vector<1x16xf32>,
        %swap3A_300 = vector.shape_cast %swap3A_299 : vector<1x16xf32> to vector<16xf32>
        %swap3A_301 = vector.shape_cast %mul3A_296 : vector<16xf32> to vector<1x16xf32>
        tpu.vector_store %arg7[%swap3A_297, %swap3A_298], %swap3A_301 {strides = array<i32>} : memref<128x128xf32, #tpu.memory_space<vmem>>, vector<1x16xf32>,
        %get3A_302 = arith.index_cast %scan3A_231 : i32 to index
        %get3A_303 = arith.constant 96 : index
        %get3A_304 = tpu.vector_load %arg7[%get3A_302, %get3A_303] {strides = array<i32>} : memref<128x128xf32, #tpu.memory_space<vmem>>, vector<1x16xf32>,
        %get3A_305 = vector.shape_cast %get3A_304 : vector<1x16xf32> to vector<16xf32>
        %mul3A_306 = arith.constant 11.3137083 : f32
        %mul3A_307 = vector.broadcast %mul3A_306 : f32 to vector<16xf32>
        %mul3A_308 = arith.mulf %get3A_305, %mul3A_307 : vector<16xf32>
        %swap3A_309 = arith.index_cast %scan3A_231 : i32 to index
        %swap3A_310 = arith.constant 96 : index
        %swap3A_311 = tpu.vector_load %arg7[%swap3A_309, %swap3A_310] {strides = array<i32>} : memref<128x128xf32, #tpu.memory_space<vmem>>, vector<1x16xf32>,
        %swap3A_312 = vector.shape_cast %swap3A_311 : vector<1x16xf32> to vector<16xf32>
        %swap3A_313 = vector.shape_cast %mul3A_308 : vector<16xf32> to vector<1x16xf32>
        tpu.vector_store %arg7[%swap3A_309, %swap3A_310], %swap3A_313 {strides = array<i32>} : memref<128x128xf32, #tpu.memory_space<vmem>>, vector<1x16xf32>,
        %get3A_314 = arith.index_cast %scan3A_231 : i32 to index
        %get3A_315 = arith.constant 112 : index
        %get3A_316 = tpu.vector_load %arg7[%get3A_314, %get3A_315] {strides = array<i32>} : memref<128x128xf32, #tpu.memory_space<vmem>>, vector<1x16xf32>,
        %get3A_317 = vector.shape_cast %get3A_316 : vector<1x16xf32> to vector<16xf32>
        %mul3A_318 = arith.constant 11.3137083 : f32
        %mul3A_319 = vector.broadcast %mul3A_318 : f32 to vector<16xf32>
        %mul3A_320 = arith.mulf %get3A_317, %mul3A_319 : vector<16xf32>
        %swap3A_321 = arith.index_cast %scan3A_231 : i32 to index
        %swap3A_322 = arith.constant 112 : index
        %swap3A_323 = tpu.vector_load %arg7[%swap3A_321, %swap3A_322] {strides = array<i32>} : memref<128x128xf32, #tpu.memory_space<vmem>>, vector<1x16xf32>,
        %swap3A_324 = vector.shape_cast %swap3A_323 : vector<1x16xf32> to vector<16xf32>
        %swap3A_325 = vector.shape_cast %mul3A_320 : vector<16xf32> to vector<1x16xf32>
        tpu.vector_store %arg7[%swap3A_321, %swap3A_322], %swap3A_325 {strides = array<i32>} : memref<128x128xf32, #tpu.memory_space<vmem>>, vector<1x16xf32>,
        %scan3A_326 = arith.constant 1 : i32
        %scan3A_327 = arith.addi %scan3A_231, %scan3A_326 : i32
        %get3A_328 = arith.index_cast %scan3A_327 : i32 to index
        %get3A_329 = arith.constant 0 : index
        %get3A_330 = tpu.vector_load %arg7[%get3A_328, %get3A_329] {strides = array<i32>} : memref<128x128xf32, #tpu.memory_space<vmem>>, vector<1x16xf32>,
        %get3A_331 = vector.shape_cast %get3A_330 : vector<1x16xf32> to vector<16xf32>
        %mul3A_332 = arith.constant 11.3137083 : f32
        %mul3A_333 = vector.broadcast %mul3A_332 : f32 to vector<16xf32>
        %mul3A_334 = arith.mulf %get3A_331, %mul3A_333 : vector<16xf32>
        %swap3A_335 = arith.index_cast %scan3A_327 : i32 to index
        %swap3A_336 = arith.constant 0 : index
        %swap3A_337 = tpu.vector_load %arg7[%swap3A_335, %swap3A_336] {strides = array<i32>} : memref<128x128xf32, #tpu.memory_space<vmem>>, vector<1x16xf32>,
        %swap3A_338 = vector.shape_cast %swap3A_337 : vector<1x16xf32> to vector<16xf32>
        %swap3A_339 = vector.shape_cast %mul3A_334 : vector<16xf32> to vector<1x16xf32>
        tpu.vector_store %arg7[%swap3A_335, %swap3A_336], %swap3A_339 {strides = array<i32>} : memref<128x128xf32, #tpu.memory_space<vmem>>, vector<1x16xf32>,
        %get3A_340 = arith.index_cast %scan3A_327 : i32 to index
        %get3A_341 = arith.constant 16 : index
        %get3A_342 = tpu.vector_load %arg7[%get3A_340, %get3A_341] {strides = array<i32>} : memref<128x128xf32, #tpu.memory_space<vmem>>, vector<1x16xf32>,
        %get3A_343 = vector.shape_cast %get3A_342 : vector<1x16xf32> to vector<16xf32>
        %mul3A_344 = arith.constant 11.3137083 : f32
        %mul3A_345 = vector.broadcast %mul3A_344 : f32 to vector<16xf32>
        %mul3A_346 = arith.mulf %get3A_343, %mul3A_345 : vector<16xf32>
        %swap3A_347 = arith.index_cast %scan3A_327 : i32 to index
        %swap3A_348 = arith.constant 16 : index
        %swap3A_349 = tpu.vector_load %arg7[%swap3A_347, %swap3A_348] {strides = array<i32>} : memref<128x128xf32, #tpu.memory_space<vmem>>, vector<1x16xf32>,
        %swap3A_350 = vector.shape_cast %swap3A_349 : vector<1x16xf32> to vector<16xf32>
        %swap3A_351 = vector.shape_cast %mul3A_346 : vector<16xf32> to vector<1x16xf32>
        tpu.vector_store %arg7[%swap3A_347, %swap3A_348], %swap3A_351 {strides = array<i32>} : memref<128x128xf32, #tpu.memory_space<vmem>>, vector<1x16xf32>,
        %get3A_352 = arith.index_cast %scan3A_327 : i32 to index
        %get3A_353 = arith.constant 32 : index
        %get3A_354 = tpu.vector_load %arg7[%get3A_352, %get3A_353] {strides = array<i32>} : memref<128x128xf32, #tpu.memory_space<vmem>>, vector<1x16xf32>,
        %get3A_355 = vector.shape_cast %get3A_354 : vector<1x16xf32> to vector<16xf32>
        %mul3A_356 = arith.constant 11.3137083 : f32
        %mul3A_357 = vector.broadcast %mul3A_356 : f32 to vector<16xf32>
        %mul3A_358 = arith.mulf %get3A_355, %mul3A_357 : vector<16xf32>
        %swap3A_359 = arith.index_cast %scan3A_327 : i32 to index
        %swap3A_360 = arith.constant 32 : index
        %swap3A_361 = tpu.vector_load %arg7[%swap3A_359, %swap3A_360] {strides = array<i32>} : memref<128x128xf32, #tpu.memory_space<vmem>>, vector<1x16xf32>,
        %swap3A_362 = vector.shape_cast %swap3A_361 : vector<1x16xf32> to vector<16xf32>
        %swap3A_363 = vector.shape_cast %mul3A_358 : vector<16xf32> to vector<1x16xf32>
        tpu.vector_store %arg7[%swap3A_359, %swap3A_360], %swap3A_363 {strides = array<i32>} : memref<128x128xf32, #tpu.memory_space<vmem>>, vector<1x16xf32>,
        %get3A_364 = arith.index_cast %scan3A_327 : i32 to index
        %get3A_365 = arith.constant 48 : index
        %get3A_366 = tpu.vector_load %arg7[%get3A_364, %get3A_365] {strides = array<i32>} : memref<128x128xf32, #tpu.memory_space<vmem>>, vector<1x16xf32>,
        %get3A_367 = vector.shape_cast %get3A_366 : vector<1x16xf32> to vector<16xf32>
        %mul3A_368 = arith.constant 11.3137083 : f32
        %mul3A_369 = vector.broadcast %mul3A_368 : f32 to vector<16xf32>
        %mul3A_370 = arith.mulf %get3A_367, %mul3A_369 : vector<16xf32>
        %swap3A_371 = arith.index_cast %scan3A_327 : i32 to index
        %swap3A_372 = arith.constant 48 : index
        %swap3A_373 = tpu.vector_load %arg7[%swap3A_371, %swap3A_372] {strides = array<i32>} : memref<128x128xf32, #tpu.memory_space<vmem>>, vector<1x16xf32>,
        %swap3A_374 = vector.shape_cast %swap3A_373 : vector<1x16xf32> to vector<16xf32>
        %swap3A_375 = vector.shape_cast %mul3A_370 : vector<16xf32> to vector<1x16xf32>
        tpu.vector_store %arg7[%swap3A_371, %swap3A_372], %swap3A_375 {strides = array<i32>} : memref<128x128xf32, #tpu.memory_space<vmem>>, vector<1x16xf32>,
        %get3A_376 = arith.index_cast %scan3A_327 : i32 to index
        %get3A_377 = arith.constant 64 : index
        %get3A_378 = tpu.vector_load %arg7[%get3A_376, %get3A_377] {strides = array<i32>} : memref<128x128xf32, #tpu.memory_space<vmem>>, vector<1x16xf32>,
        %get3A_379 = vector.shape_cast %get3A_378 : vector<1x16xf32> to vector<16xf32>
        %mul3A_380 = arith.constant 11.3137083 : f32
        %mul3A_381 = vector.broadcast %mul3A_380 : f32 to vector<16xf32>
        %mul3A_382 = arith.mulf %get3A_379, %mul3A_381 : vector<16xf32>
        %swap3A_383 = arith.index_cast %scan3A_327 : i32 to index
        %swap3A_384 = arith.constant 64 : index
        %swap3A_385 = tpu.vector_load %arg7[%swap3A_383, %swap3A_384] {strides = array<i32>} : memref<128x128xf32, #tpu.memory_space<vmem>>, vector<1x16xf32>,
        %swap3A_386 = vector.shape_cast %swap3A_385 : vector<1x16xf32> to vector<16xf32>
        %swap3A_387 = vector.shape_cast %mul3A_382 : vector<16xf32> to vector<1x16xf32>
        tpu.vector_store %arg7[%swap3A_383, %swap3A_384], %swap3A_387 {strides = array<i32>} : memref<128x128xf32, #tpu.memory_space<vmem>>, vector<1x16xf32>,
        %get3A_388 = arith.index_cast %scan3A_327 : i32 to index
        %get3A_389 = arith.constant 80 : index
        %get3A_390 = tpu.vector_load %arg7[%get3A_388, %get3A_389] {strides = array<i32>} : memref<128x128xf32, #tpu.memory_space<vmem>>, vector<1x16xf32>,
        %get3A_391 = vector.shape_cast %get3A_390 : vector<1x16xf32> to vector<16xf32>
        %mul3A_392 = arith.constant 11.3137083 : f32
        %mul3A_393 = vector.broadcast %mul3A_392 : f32 to vector<16xf32>
        %mul3A_394 = arith.mulf %get3A_391, %mul3A_393 : vector<16xf32>
        %swap3A_395 = arith.index_cast %scan3A_327 : i32 to index
        %swap3A_396 = arith.constant 80 : index
        %swap3A_397 = tpu.vector_load %arg7[%swap3A_395, %swap3A_396] {strides = array<i32>} : memref<128x128xf32, #tpu.memory_space<vmem>>, vector<1x16xf32>,
        %swap3A_398 = vector.shape_cast %swap3A_397 : vector<1x16xf32> to vector<16xf32>
        %swap3A_399 = vector.shape_cast %mul3A_394 : vector<16xf32> to vector<1x16xf32>
        tpu.vector_store %arg7[%swap3A_395, %swap3A_396], %swap3A_399 {strides = array<i32>} : memref<128x128xf32, #tpu.memory_space<vmem>>, vector<1x16xf32>,
        %get3A_400 = arith.index_cast %scan3A_327 : i32 to index
        %get3A_401 = arith.constant 96 : index
        %get3A_402 = tpu.vector_load %arg7[%get3A_400, %get3A_401] {strides = array<i32>} : memref<128x128xf32, #tpu.memory_space<vmem>>, vector<1x16xf32>,
        %get3A_403 = vector.shape_cast %get3A_402 : vector<1x16xf32> to vector<16xf32>
        %mul3A_404 = arith.constant 11.3137083 : f32
        %mul3A_405 = vector.broadcast %mul3A_404 : f32 to vector<16xf32>
        %mul3A_406 = arith.mulf %get3A_403, %mul3A_405 : vector<16xf32>
        %swap3A_407 = arith.index_cast %scan3A_327 : i32 to index
        %swap3A_408 = arith.constant 96 : index
        %swap3A_409 = tpu.vector_load %arg7[%swap3A_407, %swap3A_408] {strides = array<i32>} : memref<128x128xf32, #tpu.memory_space<vmem>>, vector<1x16xf32>,
        %swap3A_410 = vector.shape_cast %swap3A_409 : vector<1x16xf32> to vector<16xf32>
        %swap3A_411 = vector.shape_cast %mul3A_406 : vector<16xf32> to vector<1x16xf32>
        tpu.vector_store %arg7[%swap3A_407, %swap3A_408], %swap3A_411 {strides = array<i32>} : memref<128x128xf32, #tpu.memory_space<vmem>>, vector<1x16xf32>,
        %get3A_412 = arith.index_cast %scan3A_327 : i32 to index
        %get3A_413 = arith.constant 112 : index
        %get3A_414 = tpu.vector_load %arg7[%get3A_412, %get3A_413] {strides = array<i32>} : memref<128x128xf32, #tpu.memory_space<vmem>>, vector<1x16xf32>,
        %get3A_415 = vector.shape_cast %get3A_414 : vector<1x16xf32> to vector<16xf32>
        %mul3A_416 = arith.constant 11.3137083 : f32
        %mul3A_417 = vector.broadcast %mul3A_416 : f32 to vector<16xf32>
        %mul3A_418 = arith.mulf %get3A_415, %mul3A_417 : vector<16xf32>
        %swap3A_419 = arith.index_cast %scan3A_327 : i32 to index
        %swap3A_420 = arith.constant 112 : index
        %swap3A_421 = tpu.vector_load %arg7[%swap3A_419, %swap3A_420] {strides = array<i32>} : memref<128x128xf32, #tpu.memory_space<vmem>>, vector<1x16xf32>,
        %swap3A_422 = vector.shape_cast %swap3A_421 : vector<1x16xf32> to vector<16xf32>
        %swap3A_423 = vector.shape_cast %mul3A_418 : vector<16xf32> to vector<1x16xf32>
        tpu.vector_store %arg7[%swap3A_419, %swap3A_420], %swap3A_423 {strides = array<i32>} : memref<128x128xf32, #tpu.memory_space<vmem>>, vector<1x16xf32>,
        %scan3A_424 = arith.constant 2 : i32
        %scan3A_425 = arith.addi %scan3A_231, %scan3A_424 : i32
        %get3A_426 = arith.index_cast %scan3A_425 : i32 to index
        %get3A_427 = arith.constant 0 : index
        %get3A_428 = tpu.vector_load %arg7[%get3A_426, %get3A_427] {strides = array<i32>} : memref<128x128xf32, #tpu.memory_space<vmem>>, vector<1x16xf32>,
        %get3A_429 = vector.shape_cast %get3A_428 : vector<1x16xf32> to vector<16xf32>
        %mul3A_430 = arith.constant 11.3137083 : f32
        %mul3A_431 = vector.broadcast %mul3A_430 : f32 to vector<16xf32>
        %mul3A_432 = arith.mulf %get3A_429, %mul3A_431 : vector<16xf32>
        %swap3A_433 = arith.index_cast %scan3A_425 : i32 to index
        %swap3A_434 = arith.constant 0 : index
        %swap3A_435 = tpu.vector_load %arg7[%swap3A_433, %swap3A_434] {strides = array<i32>} : memref<128x128xf32, #tpu.memory_space<vmem>>, vector<1x16xf32>,
        %swap3A_436 = vector.shape_cast %swap3A_435 : vector<1x16xf32> to vector<16xf32>
        %swap3A_437 = vector.shape_cast %mul3A_432 : vector<16xf32> to vector<1x16xf32>
        tpu.vector_store %arg7[%swap3A_433, %swap3A_434], %swap3A_437 {strides = array<i32>} : memref<128x128xf32, #tpu.memory_space<vmem>>, vector<1x16xf32>,
        %get3A_438 = arith.index_cast %scan3A_425 : i32 to index
        %get3A_439 = arith.constant 16 : index
        %get3A_440 = tpu.vector_load %arg7[%get3A_438, %get3A_439] {strides = array<i32>} : memref<128x128xf32, #tpu.memory_space<vmem>>, vector<1x16xf32>,
        %get3A_441 = vector.shape_cast %get3A_440 : vector<1x16xf32> to vector<16xf32>
        %mul3A_442 = arith.constant 11.3137083 : f32
        %mul3A_443 = vector.broadcast %mul3A_442 : f32 to vector<16xf32>
        %mul3A_444 = arith.mulf %get3A_441, %mul3A_443 : vector<16xf32>
        %swap3A_445 = arith.index_cast %scan3A_425 : i32 to index
        %swap3A_446 = arith.constant 16 : index
        %swap3A_447 = tpu.vector_load %arg7[%swap3A_445, %swap3A_446] {strides = array<i32>} : memref<128x128xf32, #tpu.memory_space<vmem>>, vector<1x16xf32>,
        %swap3A_448 = vector.shape_cast %swap3A_447 : vector<1x16xf32> to vector<16xf32>
        %swap3A_449 = vector.shape_cast %mul3A_444 : vector<16xf32> to vector<1x16xf32>
        tpu.vector_store %arg7[%swap3A_445, %swap3A_446], %swap3A_449 {strides = array<i32>} : memref<128x128xf32, #tpu.memory_space<vmem>>, vector<1x16xf32>,
        %get3A_450 = arith.index_cast %scan3A_425 : i32 to index
        %get3A_451 = arith.constant 32 : index
        %get3A_452 = tpu.vector_load %arg7[%get3A_450, %get3A_451] {strides = array<i32>} : memref<128x128xf32, #tpu.memory_space<vmem>>, vector<1x16xf32>,
        %get3A_453 = vector.shape_cast %get3A_452 : vector<1x16xf32> to vector<16xf32>
        %mul3A_454 = arith.constant 11.3137083 : f32
        %mul3A_455 = vector.broadcast %mul3A_454 : f32 to vector<16xf32>
        %mul3A_456 = arith.mulf %get3A_453, %mul3A_455 : vector<16xf32>
        %swap3A_457 = arith.index_cast %scan3A_425 : i32 to index
        %swap3A_458 = arith.constant 32 : index
        %swap3A_459 = tpu.vector_load %arg7[%swap3A_457, %swap3A_458] {strides = array<i32>} : memref<128x128xf32, #tpu.memory_space<vmem>>, vector<1x16xf32>,
        %swap3A_460 = vector.shape_cast %swap3A_459 : vector<1x16xf32> to vector<16xf32>
        %swap3A_461 = vector.shape_cast %mul3A_456 : vector<16xf32> to vector<1x16xf32>
        tpu.vector_store %arg7[%swap3A_457, %swap3A_458], %swap3A_461 {strides = array<i32>} : memref<128x128xf32, #tpu.memory_space<vmem>>, vector<1x16xf32>,
        %get3A_462 = arith.index_cast %scan3A_425 : i32 to index
        %get3A_463 = arith.constant 48 : index
        %get3A_464 = tpu.vector_load %arg7[%get3A_462, %get3A_463] {strides = array<i32>} : memref<128x128xf32, #tpu.memory_space<vmem>>, vector<1x16xf32>,
        %get3A_465 = vector.shape_cast %get3A_464 : vector<1x16xf32> to vector<16xf32>
        %mul3A_466 = arith.constant 11.3137083 : f32
        %mul3A_467 = vector.broadcast %mul3A_466 : f32 to vector<16xf32>
        %mul3A_468 = arith.mulf %get3A_465, %mul3A_467 : vector<16xf32>
        %swap3A_469 = arith.index_cast %scan3A_425 : i32 to index
        %swap3A_470 = arith.constant 48 : index
        %swap3A_471 = tpu.vector_load %arg7[%swap3A_469, %swap3A_470] {strides = array<i32>} : memref<128x128xf32, #tpu.memory_space<vmem>>, vector<1x16xf32>,
        %swap3A_472 = vector.shape_cast %swap3A_471 : vector<1x16xf32> to vector<16xf32>
        %swap3A_473 = vector.shape_cast %mul3A_468 : vector<16xf32> to vector<1x16xf32>
        tpu.vector_store %arg7[%swap3A_469, %swap3A_470], %swap3A_473 {strides = array<i32>} : memref<128x128xf32, #tpu.memory_space<vmem>>, vector<1x16xf32>,
        %get3A_474 = arith.index_cast %scan3A_425 : i32 to index
        %get3A_475 = arith.constant 64 : index
        %get3A_476 = tpu.vector_load %arg7[%get3A_474, %get3A_475] {strides = array<i32>} : memref<128x128xf32, #tpu.memory_space<vmem>>, vector<1x16xf32>,
        %get3A_477 = vector.shape_cast %get3A_476 : vector<1x16xf32> to vector<16xf32>
        %mul3A_478 = arith.constant 11.3137083 : f32
        %mul3A_479 = vector.broadcast %mul3A_478 : f32 to vector<16xf32>
        %mul3A_480 = arith.mulf %get3A_477, %mul3A_479 : vector<16xf32>
        %swap3A_481 = arith.index_cast %scan3A_425 : i32 to index
        %swap3A_482 = arith.constant 64 : index
        %swap3A_483 = tpu.vector_load %arg7[%swap3A_481, %swap3A_482] {strides = array<i32>} : memref<128x128xf32, #tpu.memory_space<vmem>>, vector<1x16xf32>,
        %swap3A_484 = vector.shape_cast %swap3A_483 : vector<1x16xf32> to vector<16xf32>
        %swap3A_485 = vector.shape_cast %mul3A_480 : vector<16xf32> to vector<1x16xf32>
        tpu.vector_store %arg7[%swap3A_481, %swap3A_482], %swap3A_485 {strides = array<i32>} : memref<128x128xf32, #tpu.memory_space<vmem>>, vector<1x16xf32>,
        %get3A_486 = arith.index_cast %scan3A_425 : i32 to index
        %get3A_487 = arith.constant 80 : index
        %get3A_488 = tpu.vector_load %arg7[%get3A_486, %get3A_487] {strides = array<i32>} : memref<128x128xf32, #tpu.memory_space<vmem>>, vector<1x16xf32>,
        %get3A_489 = vector.shape_cast %get3A_488 : vector<1x16xf32> to vector<16xf32>
        %mul3A_490 = arith.constant 11.3137083 : f32
        %mul3A_491 = vector.broadcast %mul3A_490 : f32 to vector<16xf32>
        %mul3A_492 = arith.mulf %get3A_489, %mul3A_491 : vector<16xf32>
        %swap3A_493 = arith.index_cast %scan3A_425 : i32 to index
        %swap3A_494 = arith.constant 80 : index
        %swap3A_495 = tpu.vector_load %arg7[%swap3A_493, %swap3A_494] {strides = array<i32>} : memref<128x128xf32, #tpu.memory_space<vmem>>, vector<1x16xf32>,
        %swap3A_496 = vector.shape_cast %swap3A_495 : vector<1x16xf32> to vector<16xf32>
        %swap3A_497 = vector.shape_cast %mul3A_492 : vector<16xf32> to vector<1x16xf32>
        tpu.vector_store %arg7[%swap3A_493, %swap3A_494], %swap3A_497 {strides = array<i32>} : memref<128x128xf32, #tpu.memory_space<vmem>>, vector<1x16xf32>,
        %get3A_498 = arith.index_cast %scan3A_425 : i32 to index
        %get3A_499 = arith.constant 96 : index
        %get3A_500 = tpu.vector_load %arg7[%get3A_498, %get3A_499] {strides = array<i32>} : memref<128x128xf32, #tpu.memory_space<vmem>>, vector<1x16xf32>,
        %get3A_501 = vector.shape_cast %get3A_500 : vector<1x16xf32> to vector<16xf32>
        %mul3A_502 = arith.constant 11.3137083 : f32
        %mul3A_503 = vector.broadcast %mul3A_502 : f32 to vector<16xf32>
        %mul3A_504 = arith.mulf %get3A_501, %mul3A_503 : vector<16xf32>
        %swap3A_505 = arith.index_cast %scan3A_425 : i32 to index
        %swap3A_506 = arith.constant 96 : index
        %swap3A_507 = tpu.vector_load %arg7[%swap3A_505, %swap3A_506] {strides = array<i32>} : memref<128x128xf32, #tpu.memory_space<vmem>>, vector<1x16xf32>,
        %swap3A_508 = vector.shape_cast %swap3A_507 : vector<1x16xf32> to vector<16xf32>
        %swap3A_509 = vector.shape_cast %mul3A_504 : vector<16xf32> to vector<1x16xf32>
        tpu.vector_store %arg7[%swap3A_505, %swap3A_506], %swap3A_509 {strides = array<i32>} : memref<128x128xf32, #tpu.memory_space<vmem>>, vector<1x16xf32>,
        %get3A_510 = arith.index_cast %scan3A_425 : i32 to index
        %get3A_511 = arith.constant 112 : index
        %get3A_512 = tpu.vector_load %arg7[%get3A_510, %get3A_511] {strides = array<i32>} : memref<128x128xf32, #tpu.memory_space<vmem>>, vector<1x16xf32>,
        %get3A_513 = vector.shape_cast %get3A_512 : vector<1x16xf32> to vector<16xf32>
        %mul3A_514 = arith.constant 11.3137083 : f32
        %mul3A_515 = vector.broadcast %mul3A_514 : f32 to vector<16xf32>
        %mul3A_516 = arith.mulf %get3A_513, %mul3A_515 : vector<16xf32>
        %swap3A_517 = arith.index_cast %scan3A_425 : i32 to index
        %swap3A_518 = arith.constant 112 : index
        %swap3A_519 = tpu.vector_load %arg7[%swap3A_517, %swap3A_518] {strides = array<i32>} : memref<128x128xf32, #tpu.memory_space<vmem>>, vector<1x16xf32>,
        %swap3A_520 = vector.shape_cast %swap3A_519 : vector<1x16xf32> to vector<16xf32>
        %swap3A_521 = vector.shape_cast %mul3A_516 : vector<16xf32> to vector<1x16xf32>
        tpu.vector_store %arg7[%swap3A_517, %swap3A_518], %swap3A_521 {strides = array<i32>} : memref<128x128xf32, #tpu.memory_space<vmem>>, vector<1x16xf32>,
        %scan3A_522 = arith.constant 3 : i32
        %scan3A_523 = arith.addi %scan3A_231, %scan3A_522 : i32
        %get3A_524 = arith.index_cast %scan3A_523 : i32 to index
        %get3A_525 = arith.constant 0 : index
        %get3A_526 = tpu.vector_load %arg7[%get3A_524, %get3A_525] {strides = array<i32>} : memref<128x128xf32, #tpu.memory_space<vmem>>, vector<1x16xf32>,
        %get3A_527 = vector.shape_cast %get3A_526 : vector<1x16xf32> to vector<16xf32>
        %mul3A_528 = arith.constant 11.3137083 : f32
        %mul3A_529 = vector.broadcast %mul3A_528 : f32 to vector<16xf32>
        %mul3A_530 = arith.mulf %get3A_527, %mul3A_529 : vector<16xf32>
        %swap3A_531 = arith.index_cast %scan3A_523 : i32 to index
        %swap3A_532 = arith.constant 0 : index
        %swap3A_533 = tpu.vector_load %arg7[%swap3A_531, %swap3A_532] {strides = array<i32>} : memref<128x128xf32, #tpu.memory_space<vmem>>, vector<1x16xf32>,
        %swap3A_534 = vector.shape_cast %swap3A_533 : vector<1x16xf32> to vector<16xf32>
        %swap3A_535 = vector.shape_cast %mul3A_530 : vector<16xf32> to vector<1x16xf32>
        tpu.vector_store %arg7[%swap3A_531, %swap3A_532], %swap3A_535 {strides = array<i32>} : memref<128x128xf32, #tpu.memory_space<vmem>>, vector<1x16xf32>,
        %get3A_536 = arith.index_cast %scan3A_523 : i32 to index
        %get3A_537 = arith.constant 16 : index
        %get3A_538 = tpu.vector_load %arg7[%get3A_536, %get3A_537] {strides = array<i32>} : memref<128x128xf32, #tpu.memory_space<vmem>>, vector<1x16xf32>,
        %get3A_539 = vector.shape_cast %get3A_538 : vector<1x16xf32> to vector<16xf32>
        %mul3A_540 = arith.constant 11.3137083 : f32
        %mul3A_541 = vector.broadcast %mul3A_540 : f32 to vector<16xf32>
        %mul3A_542 = arith.mulf %get3A_539, %mul3A_541 : vector<16xf32>
        %swap3A_543 = arith.index_cast %scan3A_523 : i32 to index
        %swap3A_544 = arith.constant 16 : index
        %swap3A_545 = tpu.vector_load %arg7[%swap3A_543, %swap3A_544] {strides = array<i32>} : memref<128x128xf32, #tpu.memory_space<vmem>>, vector<1x16xf32>,
        %swap3A_546 = vector.shape_cast %swap3A_545 : vector<1x16xf32> to vector<16xf32>
        %swap3A_547 = vector.shape_cast %mul3A_542 : vector<16xf32> to vector<1x16xf32>
        tpu.vector_store %arg7[%swap3A_543, %swap3A_544], %swap3A_547 {strides = array<i32>} : memref<128x128xf32, #tpu.memory_space<vmem>>, vector<1x16xf32>,
        %get3A_548 = arith.index_cast %scan3A_523 : i32 to index
        %get3A_549 = arith.constant 32 : index
        %get3A_550 = tpu.vector_load %arg7[%get3A_548, %get3A_549] {strides = array<i32>} : memref<128x128xf32, #tpu.memory_space<vmem>>, vector<1x16xf32>,
        %get3A_551 = vector.shape_cast %get3A_550 : vector<1x16xf32> to vector<16xf32>
        %mul3A_552 = arith.constant 11.3137083 : f32
        %mul3A_553 = vector.broadcast %mul3A_552 : f32 to vector<16xf32>
        %mul3A_554 = arith.mulf %get3A_551, %mul3A_553 : vector<16xf32>
        %swap3A_555 = arith.index_cast %scan3A_523 : i32 to index
        %swap3A_556 = arith.constant 32 : index
        %swap3A_557 = tpu.vector_load %arg7[%swap3A_555, %swap3A_556] {strides = array<i32>} : memref<128x128xf32, #tpu.memory_space<vmem>>, vector<1x16xf32>,
        %swap3A_558 = vector.shape_cast %swap3A_557 : vector<1x16xf32> to vector<16xf32>
        %swap3A_559 = vector.shape_cast %mul3A_554 : vector<16xf32> to vector<1x16xf32>
        tpu.vector_store %arg7[%swap3A_555, %swap3A_556], %swap3A_559 {strides = array<i32>} : memref<128x128xf32, #tpu.memory_space<vmem>>, vector<1x16xf32>,
        %get3A_560 = arith.index_cast %scan3A_523 : i32 to index
        %get3A_561 = arith.constant 48 : index
        %get3A_562 = tpu.vector_load %arg7[%get3A_560, %get3A_561] {strides = array<i32>} : memref<128x128xf32, #tpu.memory_space<vmem>>, vector<1x16xf32>,
        %get3A_563 = vector.shape_cast %get3A_562 : vector<1x16xf32> to vector<16xf32>
        %mul3A_564 = arith.constant 11.3137083 : f32
        %mul3A_565 = vector.broadcast %mul3A_564 : f32 to vector<16xf32>
        %mul3A_566 = arith.mulf %get3A_563, %mul3A_565 : vector<16xf32>
        %swap3A_567 = arith.index_cast %scan3A_523 : i32 to index
        %swap3A_568 = arith.constant 48 : index
        %swap3A_569 = tpu.vector_load %arg7[%swap3A_567, %swap3A_568] {strides = array<i32>} : memref<128x128xf32, #tpu.memory_space<vmem>>, vector<1x16xf32>,
        %swap3A_570 = vector.shape_cast %swap3A_569 : vector<1x16xf32> to vector<16xf32>
        %swap3A_571 = vector.shape_cast %mul3A_566 : vector<16xf32> to vector<1x16xf32>
        tpu.vector_store %arg7[%swap3A_567, %swap3A_568], %swap3A_571 {strides = array<i32>} : memref<128x128xf32, #tpu.memory_space<vmem>>, vector<1x16xf32>,
        %get3A_572 = arith.index_cast %scan3A_523 : i32 to index
        %get3A_573 = arith.constant 64 : index
        %get3A_574 = tpu.vector_load %arg7[%get3A_572, %get3A_573] {strides = array<i32>} : memref<128x128xf32, #tpu.memory_space<vmem>>, vector<1x16xf32>,
        %get3A_575 = vector.shape_cast %get3A_574 : vector<1x16xf32> to vector<16xf32>
        %mul3A_576 = arith.constant 11.3137083 : f32
        %mul3A_577 = vector.broadcast %mul3A_576 : f32 to vector<16xf32>
        %mul3A_578 = arith.mulf %get3A_575, %mul3A_577 : vector<16xf32>
        %swap3A_579 = arith.index_cast %scan3A_523 : i32 to index
        %swap3A_580 = arith.constant 64 : index
        %swap3A_581 = tpu.vector_load %arg7[%swap3A_579, %swap3A_580] {strides = array<i32>} : memref<128x128xf32, #tpu.memory_space<vmem>>, vector<1x16xf32>,
        %swap3A_582 = vector.shape_cast %swap3A_581 : vector<1x16xf32> to vector<16xf32>
        %swap3A_583 = vector.shape_cast %mul3A_578 : vector<16xf32> to vector<1x16xf32>
        tpu.vector_store %arg7[%swap3A_579, %swap3A_580], %swap3A_583 {strides = array<i32>} : memref<128x128xf32, #tpu.memory_space<vmem>>, vector<1x16xf32>,
        %get3A_584 = arith.index_cast %scan3A_523 : i32 to index
        %get3A_585 = arith.constant 80 : index
        %get3A_586 = tpu.vector_load %arg7[%get3A_584, %get3A_585] {strides = array<i32>} : memref<128x128xf32, #tpu.memory_space<vmem>>, vector<1x16xf32>,
        %get3A_587 = vector.shape_cast %get3A_586 : vector<1x16xf32> to vector<16xf32>
        %mul3A_588 = arith.constant 11.3137083 : f32
        %mul3A_589 = vector.broadcast %mul3A_588 : f32 to vector<16xf32>
        %mul3A_590 = arith.mulf %get3A_587, %mul3A_589 : vector<16xf32>
        %swap3A_591 = arith.index_cast %scan3A_523 : i32 to index
        %swap3A_592 = arith.constant 80 : index
        %swap3A_593 = tpu.vector_load %arg7[%swap3A_591, %swap3A_592] {strides = array<i32>} : memref<128x128xf32, #tpu.memory_space<vmem>>, vector<1x16xf32>,
        %swap3A_594 = vector.shape_cast %swap3A_593 : vector<1x16xf32> to vector<16xf32>
        %swap3A_595 = vector.shape_cast %mul3A_590 : vector<16xf32> to vector<1x16xf32>
        tpu.vector_store %arg7[%swap3A_591, %swap3A_592], %swap3A_595 {strides = array<i32>} : memref<128x128xf32, #tpu.memory_space<vmem>>, vector<1x16xf32>,
        %get3A_596 = arith.index_cast %scan3A_523 : i32 to index
        %get3A_597 = arith.constant 96 : index
        %get3A_598 = tpu.vector_load %arg7[%get3A_596, %get3A_597] {strides = array<i32>} : memref<128x128xf32, #tpu.memory_space<vmem>>, vector<1x16xf32>,
        %get3A_599 = vector.shape_cast %get3A_598 : vector<1x16xf32> to vector<16xf32>
        %mul3A_600 = arith.constant 11.3137083 : f32
        %mul3A_601 = vector.broadcast %mul3A_600 : f32 to vector<16xf32>
        %mul3A_602 = arith.mulf %get3A_599, %mul3A_601 : vector<16xf32>
        %swap3A_603 = arith.index_cast %scan3A_523 : i32 to index
        %swap3A_604 = arith.constant 96 : index
        %swap3A_605 = tpu.vector_load %arg7[%swap3A_603, %swap3A_604] {strides = array<i32>} : memref<128x128xf32, #tpu.memory_space<vmem>>, vector<1x16xf32>,
        %swap3A_606 = vector.shape_cast %swap3A_605 : vector<1x16xf32> to vector<16xf32>
        %swap3A_607 = vector.shape_cast %mul3A_602 : vector<16xf32> to vector<1x16xf32>
        tpu.vector_store %arg7[%swap3A_603, %swap3A_604], %swap3A_607 {strides = array<i32>} : memref<128x128xf32, #tpu.memory_space<vmem>>, vector<1x16xf32>,
        %get3A_608 = arith.index_cast %scan3A_523 : i32 to index
        %get3A_609 = arith.constant 112 : index
        %get3A_610 = tpu.vector_load %arg7[%get3A_608, %get3A_609] {strides = array<i32>} : memref<128x128xf32, #tpu.memory_space<vmem>>, vector<1x16xf32>,
        %get3A_611 = vector.shape_cast %get3A_610 : vector<1x16xf32> to vector<16xf32>
        %mul3A_612 = arith.constant 11.3137083 : f32
        %mul3A_613 = vector.broadcast %mul3A_612 : f32 to vector<16xf32>
        %mul3A_614 = arith.mulf %get3A_611, %mul3A_613 : vector<16xf32>
        %swap3A_615 = arith.index_cast %scan3A_523 : i32 to index
        %swap3A_616 = arith.constant 112 : index
        %swap3A_617 = tpu.vector_load %arg7[%swap3A_615, %swap3A_616] {strides = array<i32>} : memref<128x128xf32, #tpu.memory_space<vmem>>, vector<1x16xf32>,
        %swap3A_618 = vector.shape_cast %swap3A_617 : vector<1x16xf32> to vector<16xf32>
        %swap3A_619 = vector.shape_cast %mul3A_614 : vector<16xf32> to vector<1x16xf32>
        tpu.vector_store %arg7[%swap3A_615, %swap3A_616], %swap3A_619 {strides = array<i32>} : memref<128x128xf32, #tpu.memory_space<vmem>>, vector<1x16xf32>,
      }
      %scan3A_90 = arith.constant 128 : i32
      %mul3A_91 = arith.constant 128 : i32
      %mul3A_92 = arith.muli %add3A_78, %mul3A_91 : i32
      %add3A_93 = arith.addi %mul3A_2, %mul3A_92 : i32
      %dma_start3A_94 = arith.constant 0 : i32
      %dma_start3A_95 = tpu.memref_slice %arg4[%add3A_93, %dma_start3A_94] : memref<204800x128xf32, #tpu.memory_space<hbm>> -> memref<128x128xf32, #tpu.memory_space<hbm>>
      %dma_start3A_96 = arith.constant 0 : i32
      %dma_start3A_97 = tpu.memref_slice %arg4[%add3A_93, %dma_start3A_96] : memref<204800x128xf32, #tpu.memory_space<hbm>> -> memref<128x128xf32, #tpu.memory_space<hbm>>
      tpu.enqueue_dma source(%arg7 : memref<128x128xf32, #tpu.memory_space<vmem>>) target(%dma_start3A_97 : memref<128x128xf32, #tpu.memory_space<hbm>>) target_semaphore(%arg17 : memref<!tpu.dma_semaphore, #tpu.memory_space<semaphore_mem>>)
      %add3A_98 = arith.constant 4 : i32
      %add3A_99 = arith.addi %add3A_78, %add3A_98 : i32
      %sub3A_100 = arith.constant 5 : i32
      %sub3A_101 = arith.subi %add3A_99, %sub3A_100 : i32
      %ge3A_102 = arith.constant 0 : i32
      %ge3A_103 = arith.cmpi sge, %sub3A_101, %ge3A_102 : i32
      %convert_element_type3A_104 = arith.extui %ge3A_103 : i1 to i32
      %cond3A_105 = arith.constant 0 : i32
      %cond3A_106 = arith.cmpi ne, %convert_element_type3A_104, %cond3A_105 : i32
      scf.if %cond3A_106 {
        %add3A_231 = arith.constant 4 : i32
        %add3A_232 = arith.addi %add3A_78, %add3A_231 : i32
        %sub3A_233 = arith.constant 5 : i32
        %sub3A_234 = arith.subi %add3A_232, %sub3A_233 : i32
        %mul3A_235 = arith.constant 128 : i32
        %mul3A_236 = arith.muli %sub3A_234, %mul3A_235 : i32
        %add3A_237 = arith.addi %mul3A_2, %mul3A_236 : i32
        %dma_wait3A_238 = arith.constant 0 : i32
        %dma_wait3A_239 = tpu.memref_slice %arg4[%add3A_237, %dma_wait3A_238] : memref<204800x128xf32, #tpu.memory_space<hbm>> -> memref<128x128xf32, #tpu.memory_space<hbm>>
        %dma_wait3A_240 = arith.constant 0 : i32
        %dma_wait3A_241 = tpu.memref_slice %arg4[%add3A_237, %dma_wait3A_240] : memref<204800x128xf32, #tpu.memory_space<hbm>> -> memref<128x128xf32, #tpu.memory_space<hbm>>
        tpu.wait_dma2 semaphore(%arg16 : memref<!tpu.dma_semaphore, #tpu.memory_space<semaphore_mem>>) src(%arg6 : memref<128x128xf32, #tpu.memory_space<vmem>>) dst(%dma_wait3A_241 : memref<128x128xf32, #tpu.memory_space<hbm>>)
      } else {
      }
      %add3A_107 = arith.constant 4 : i32
      %add3A_108 = arith.addi %add3A_78, %add3A_107 : i32
      %lt3A_109 = arith.constant 50 : i32
      %lt3A_110 = arith.cmpi slt, %add3A_108, %lt3A_109 : i32
      %convert_element_type3A_111 = arith.extui %lt3A_110 : i1 to i32
      %cond3A_112 = arith.constant 0 : i32
      %cond3A_113 = arith.cmpi ne, %convert_element_type3A_111, %cond3A_112 : i32
      scf.if %cond3A_113 {
        %add3A_231 = arith.constant 4 : i32
        %add3A_232 = arith.addi %add3A_78, %add3A_231 : i32
        %dma_start3A_233 = arith.constant 0 : i32
        %dma_start3A_234 = tpu.memref_slice %arg5[%add3A_232, %dma_start3A_233] : memref<50x128xi32, #tpu.memory_space<vmem>> -> memref<1x128xi32, #tpu.memory_space<vmem>>
        %dma_start3A_235 = tpu.memref_squeeze %dma_start3A_234 : memref<1x128xi32, #tpu.memory_space<vmem>> -> memref<128xi32, #tpu.memory_space<vmem>>
        %dma_start3A_236 = arith.constant 0 : i32
        %dma_start3A_237 = arith.constant 0 : i32
        %dma_start3A_238 = tpu.memref_slice %arg3[%dma_start3A_236, %dma_start3A_237] : memref<1000000x128xf32, #tpu.memory_space<hbm>> -> memref<1000000x128xf32, #tpu.memory_space<hbm>>
        tpu.enqueue_indirect_dma source(%dma_start3A_238 : memref<1000000x128xf32, #tpu.memory_space<hbm>>) target(%arg6 : memref<128x128xf32, #tpu.memory_space<vmem>>) offsets(%dma_start3A_235 : memref<128xi32, #tpu.memory_space<vmem>>) semaphore(%arg11 : memref<!tpu.dma_semaphore, #tpu.memory_space<semaphore_mem>>)
      } else {
      }
      %mul3A_114 = arith.constant 5 : i32
      %mul3A_115 = arith.muli %scan3A_40, %mul3A_114 : i32
      %add3A_116 = arith.constant 2 : i32
      %add3A_117 = arith.addi %mul3A_115, %add3A_116 : i32
      %dma_wait3A_118 = arith.constant 0 : i32
      %dma_wait3A_119 = tpu.memref_slice %arg5[%add3A_117, %dma_wait3A_118] : memref<50x128xi32, #tpu.memory_space<vmem>> -> memref<1x128xi32, #tpu.memory_space<vmem>>
      %dma_wait3A_120 = tpu.memref_squeeze %dma_wait3A_119 : memref<1x128xi32, #tpu.memory_space<vmem>> -> memref<128xi32, #tpu.memory_space<vmem>>
      %dma_wait3A_121 = arith.constant 0 : i32
      %dma_wait3A_122 = arith.constant 0 : i32
      %dma_wait3A_123 = tpu.memref_slice %arg3[%dma_wait3A_121, %dma_wait3A_122] : memref<1000000x128xf32, #tpu.memory_space<hbm>> -> memref<1000000x128xf32, #tpu.memory_space<hbm>>
      tpu.wait_indirect_dma semaphore(%arg13 : memref<!tpu.dma_semaphore, #tpu.memory_space<semaphore_mem>>) src(%dma_wait3A_123 : memref<1000000x128xf32, #tpu.memory_space<hbm>>) dst(%arg8 : memref<128x128xf32, #tpu.memory_space<vmem>>)
      %scan3A_124 = arith.constant 0 : i32
      %scan3A_125 = arith.constant 0 : i32
      %scan3A_126 = arith.constant 128 : i32
      %scan3A_127 = arith.addi %scan3A_125, %scan3A_126 : i32
      %scan3A_128 = arith.constant 4 : i32
      scf.for %scan3A_231 = %scan3A_125 to %scan3A_127 step %scan3A_128  : i32 {
        %get3A = arith.index_cast %scan3A_231 : i32 to index
        %get3A_232 = arith.constant 0 : index
        %get3A_233 = tpu.vector_load %arg8[%get3A, %get3A_232] {strides = array<i32>} : memref<128x128xf32, #tpu.memory_space<vmem>>, vector<1x16xf32>,
        %get3A_234 = vector.shape_cast %get3A_233 : vector<1x16xf32> to vector<16xf32>
        %mul3A_235 = arith.constant 11.3137083 : f32
        %mul3A_236 = vector.broadcast %mul3A_235 : f32 to vector<16xf32>
        %mul3A_237 = arith.mulf %get3A_234, %mul3A_236 : vector<16xf32>
        %swap3A = arith.index_cast %scan3A_231 : i32 to index
        %swap3A_238 = arith.constant 0 : index
        %swap3A_239 = tpu.vector_load %arg8[%swap3A, %swap3A_238] {strides = array<i32>} : memref<128x128xf32, #tpu.memory_space<vmem>>, vector<1x16xf32>,
        %swap3A_240 = vector.shape_cast %swap3A_239 : vector<1x16xf32> to vector<16xf32>
        %swap3A_241 = vector.shape_cast %mul3A_237 : vector<16xf32> to vector<1x16xf32>
        tpu.vector_store %arg8[%swap3A, %swap3A_238], %swap3A_241 {strides = array<i32>} : memref<128x128xf32, #tpu.memory_space<vmem>>, vector<1x16xf32>,
        %get3A_242 = arith.index_cast %scan3A_231 : i32 to index
        %get3A_243 = arith.constant 16 : index
        %get3A_244 = tpu.vector_load %arg8[%get3A_242, %get3A_243] {strides = array<i32>} : memref<128x128xf32, #tpu.memory_space<vmem>>, vector<1x16xf32>,
        %get3A_245 = vector.shape_cast %get3A_244 : vector<1x16xf32> to vector<16xf32>
        %mul3A_246 = arith.constant 11.3137083 : f32
        %mul3A_247 = vector.broadcast %mul3A_246 : f32 to vector<16xf32>
        %mul3A_248 = arith.mulf %get3A_245, %mul3A_247 : vector<16xf32>
        %swap3A_249 = arith.index_cast %scan3A_231 : i32 to index
        %swap3A_250 = arith.constant 16 : index
        %swap3A_251 = tpu.vector_load %arg8[%swap3A_249, %swap3A_250] {strides = array<i32>} : memref<128x128xf32, #tpu.memory_space<vmem>>, vector<1x16xf32>,
        %swap3A_252 = vector.shape_cast %swap3A_251 : vector<1x16xf32> to vector<16xf32>
        %swap3A_253 = vector.shape_cast %mul3A_248 : vector<16xf32> to vector<1x16xf32>
        tpu.vector_store %arg8[%swap3A_249, %swap3A_250], %swap3A_253 {strides = array<i32>} : memref<128x128xf32, #tpu.memory_space<vmem>>, vector<1x16xf32>,
        %get3A_254 = arith.index_cast %scan3A_231 : i32 to index
        %get3A_255 = arith.constant 32 : index
        %get3A_256 = tpu.vector_load %arg8[%get3A_254, %get3A_255] {strides = array<i32>} : memref<128x128xf32, #tpu.memory_space<vmem>>, vector<1x16xf32>,
        %get3A_257 = vector.shape_cast %get3A_256 : vector<1x16xf32> to vector<16xf32>
        %mul3A_258 = arith.constant 11.3137083 : f32
        %mul3A_259 = vector.broadcast %mul3A_258 : f32 to vector<16xf32>
        %mul3A_260 = arith.mulf %get3A_257, %mul3A_259 : vector<16xf32>
        %swap3A_261 = arith.index_cast %scan3A_231 : i32 to index
        %swap3A_262 = arith.constant 32 : index
        %swap3A_263 = tpu.vector_load %arg8[%swap3A_261, %swap3A_262] {strides = array<i32>} : memref<128x128xf32, #tpu.memory_space<vmem>>, vector<1x16xf32>,
        %swap3A_264 = vector.shape_cast %swap3A_263 : vector<1x16xf32> to vector<16xf32>
        %swap3A_265 = vector.shape_cast %mul3A_260 : vector<16xf32> to vector<1x16xf32>
        tpu.vector_store %arg8[%swap3A_261, %swap3A_262], %swap3A_265 {strides = array<i32>} : memref<128x128xf32, #tpu.memory_space<vmem>>, vector<1x16xf32>,
        %get3A_266 = arith.index_cast %scan3A_231 : i32 to index
        %get3A_267 = arith.constant 48 : index
        %get3A_268 = tpu.vector_load %arg8[%get3A_266, %get3A_267] {strides = array<i32>} : memref<128x128xf32, #tpu.memory_space<vmem>>, vector<1x16xf32>,
        %get3A_269 = vector.shape_cast %get3A_268 : vector<1x16xf32> to vector<16xf32>
        %mul3A_270 = arith.constant 11.3137083 : f32
        %mul3A_271 = vector.broadcast %mul3A_270 : f32 to vector<16xf32>
        %mul3A_272 = arith.mulf %get3A_269, %mul3A_271 : vector<16xf32>
        %swap3A_273 = arith.index_cast %scan3A_231 : i32 to index
        %swap3A_274 = arith.constant 48 : index
        %swap3A_275 = tpu.vector_load %arg8[%swap3A_273, %swap3A_274] {strides = array<i32>} : memref<128x128xf32, #tpu.memory_space<vmem>>, vector<1x16xf32>,
        %swap3A_276 = vector.shape_cast %swap3A_275 : vector<1x16xf32> to vector<16xf32>
        %swap3A_277 = vector.shape_cast %mul3A_272 : vector<16xf32> to vector<1x16xf32>
        tpu.vector_store %arg8[%swap3A_273, %swap3A_274], %swap3A_277 {strides = array<i32>} : memref<128x128xf32, #tpu.memory_space<vmem>>, vector<1x16xf32>,
        %get3A_278 = arith.index_cast %scan3A_231 : i32 to index
        %get3A_279 = arith.constant 64 : index
        %get3A_280 = tpu.vector_load %arg8[%get3A_278, %get3A_279] {strides = array<i32>} : memref<128x128xf32, #tpu.memory_space<vmem>>, vector<1x16xf32>,
        %get3A_281 = vector.shape_cast %get3A_280 : vector<1x16xf32> to vector<16xf32>
        %mul3A_282 = arith.constant 11.3137083 : f32
        %mul3A_283 = vector.broadcast %mul3A_282 : f32 to vector<16xf32>
        %mul3A_284 = arith.mulf %get3A_281, %mul3A_283 : vector<16xf32>
        %swap3A_285 = arith.index_cast %scan3A_231 : i32 to index
        %swap3A_286 = arith.constant 64 : index
        %swap3A_287 = tpu.vector_load %arg8[%swap3A_285, %swap3A_286] {strides = array<i32>} : memref<128x128xf32, #tpu.memory_space<vmem>>, vector<1x16xf32>,
        %swap3A_288 = vector.shape_cast %swap3A_287 : vector<1x16xf32> to vector<16xf32>
        %swap3A_289 = vector.shape_cast %mul3A_284 : vector<16xf32> to vector<1x16xf32>
        tpu.vector_store %arg8[%swap3A_285, %swap3A_286], %swap3A_289 {strides = array<i32>} : memref<128x128xf32, #tpu.memory_space<vmem>>, vector<1x16xf32>,
        %get3A_290 = arith.index_cast %scan3A_231 : i32 to index
        %get3A_291 = arith.constant 80 : index
        %get3A_292 = tpu.vector_load %arg8[%get3A_290, %get3A_291] {strides = array<i32>} : memref<128x128xf32, #tpu.memory_space<vmem>>, vector<1x16xf32>,
        %get3A_293 = vector.shape_cast %get3A_292 : vector<1x16xf32> to vector<16xf32>
        %mul3A_294 = arith.constant 11.3137083 : f32
        %mul3A_295 = vector.broadcast %mul3A_294 : f32 to vector<16xf32>
        %mul3A_296 = arith.mulf %get3A_293, %mul3A_295 : vector<16xf32>
        %swap3A_297 = arith.index_cast %scan3A_231 : i32 to index
        %swap3A_298 = arith.constant 80 : index
        %swap3A_299 = tpu.vector_load %arg8[%swap3A_297, %swap3A_298] {strides = array<i32>} : memref<128x128xf32, #tpu.memory_space<vmem>>, vector<1x16xf32>,
        %swap3A_300 = vector.shape_cast %swap3A_299 : vector<1x16xf32> to vector<16xf32>
        %swap3A_301 = vector.shape_cast %mul3A_296 : vector<16xf32> to vector<1x16xf32>
        tpu.vector_store %arg8[%swap3A_297, %swap3A_298], %swap3A_301 {strides = array<i32>} : memref<128x128xf32, #tpu.memory_space<vmem>>, vector<1x16xf32>,
        %get3A_302 = arith.index_cast %scan3A_231 : i32 to index
        %get3A_303 = arith.constant 96 : index
        %get3A_304 = tpu.vector_load %arg8[%get3A_302, %get3A_303] {strides = array<i32>} : memref<128x128xf32, #tpu.memory_space<vmem>>, vector<1x16xf32>,
        %get3A_305 = vector.shape_cast %get3A_304 : vector<1x16xf32> to vector<16xf32>
        %mul3A_306 = arith.constant 11.3137083 : f32
        %mul3A_307 = vector.broadcast %mul3A_306 : f32 to vector<16xf32>
        %mul3A_308 = arith.mulf %get3A_305, %mul3A_307 : vector<16xf32>
        %swap3A_309 = arith.index_cast %scan3A_231 : i32 to index
        %swap3A_310 = arith.constant 96 : index
        %swap3A_311 = tpu.vector_load %arg8[%swap3A_309, %swap3A_310] {strides = array<i32>} : memref<128x128xf32, #tpu.memory_space<vmem>>, vector<1x16xf32>,
        %swap3A_312 = vector.shape_cast %swap3A_311 : vector<1x16xf32> to vector<16xf32>
        %swap3A_313 = vector.shape_cast %mul3A_308 : vector<16xf32> to vector<1x16xf32>
        tpu.vector_store %arg8[%swap3A_309, %swap3A_310], %swap3A_313 {strides = array<i32>} : memref<128x128xf32, #tpu.memory_space<vmem>>, vector<1x16xf32>,
        %get3A_314 = arith.index_cast %scan3A_231 : i32 to index
        %get3A_315 = arith.constant 112 : index
        %get3A_316 = tpu.vector_load %arg8[%get3A_314, %get3A_315] {strides = array<i32>} : memref<128x128xf32, #tpu.memory_space<vmem>>, vector<1x16xf32>,
        %get3A_317 = vector.shape_cast %get3A_316 : vector<1x16xf32> to vector<16xf32>
        %mul3A_318 = arith.constant 11.3137083 : f32
        %mul3A_319 = vector.broadcast %mul3A_318 : f32 to vector<16xf32>
        %mul3A_320 = arith.mulf %get3A_317, %mul3A_319 : vector<16xf32>
        %swap3A_321 = arith.index_cast %scan3A_231 : i32 to index
        %swap3A_322 = arith.constant 112 : index
        %swap3A_323 = tpu.vector_load %arg8[%swap3A_321, %swap3A_322] {strides = array<i32>} : memref<128x128xf32, #tpu.memory_space<vmem>>, vector<1x16xf32>,
        %swap3A_324 = vector.shape_cast %swap3A_323 : vector<1x16xf32> to vector<16xf32>
        %swap3A_325 = vector.shape_cast %mul3A_320 : vector<16xf32> to vector<1x16xf32>
        tpu.vector_store %arg8[%swap3A_321, %swap3A_322], %swap3A_325 {strides = array<i32>} : memref<128x128xf32, #tpu.memory_space<vmem>>, vector<1x16xf32>,
        %scan3A_326 = arith.constant 1 : i32
        %scan3A_327 = arith.addi %scan3A_231, %scan3A_326 : i32
        %get3A_328 = arith.index_cast %scan3A_327 : i32 to index
        %get3A_329 = arith.constant 0 : index
        %get3A_330 = tpu.vector_load %arg8[%get3A_328, %get3A_329] {strides = array<i32>} : memref<128x128xf32, #tpu.memory_space<vmem>>, vector<1x16xf32>,
        %get3A_331 = vector.shape_cast %get3A_330 : vector<1x16xf32> to vector<16xf32>
        %mul3A_332 = arith.constant 11.3137083 : f32
        %mul3A_333 = vector.broadcast %mul3A_332 : f32 to vector<16xf32>
        %mul3A_334 = arith.mulf %get3A_331, %mul3A_333 : vector<16xf32>
        %swap3A_335 = arith.index_cast %scan3A_327 : i32 to index
        %swap3A_336 = arith.constant 0 : index
        %swap3A_337 = tpu.vector_load %arg8[%swap3A_335, %swap3A_336] {strides = array<i32>} : memref<128x128xf32, #tpu.memory_space<vmem>>, vector<1x16xf32>,
        %swap3A_338 = vector.shape_cast %swap3A_337 : vector<1x16xf32> to vector<16xf32>
        %swap3A_339 = vector.shape_cast %mul3A_334 : vector<16xf32> to vector<1x16xf32>
        tpu.vector_store %arg8[%swap3A_335, %swap3A_336], %swap3A_339 {strides = array<i32>} : memref<128x128xf32, #tpu.memory_space<vmem>>, vector<1x16xf32>,
        %get3A_340 = arith.index_cast %scan3A_327 : i32 to index
        %get3A_341 = arith.constant 16 : index
        %get3A_342 = tpu.vector_load %arg8[%get3A_340, %get3A_341] {strides = array<i32>} : memref<128x128xf32, #tpu.memory_space<vmem>>, vector<1x16xf32>,
        %get3A_343 = vector.shape_cast %get3A_342 : vector<1x16xf32> to vector<16xf32>
        %mul3A_344 = arith.constant 11.3137083 : f32
        %mul3A_345 = vector.broadcast %mul3A_344 : f32 to vector<16xf32>
        %mul3A_346 = arith.mulf %get3A_343, %mul3A_345 : vector<16xf32>
        %swap3A_347 = arith.index_cast %scan3A_327 : i32 to index
        %swap3A_348 = arith.constant 16 : index
        %swap3A_349 = tpu.vector_load %arg8[%swap3A_347, %swap3A_348] {strides = array<i32>} : memref<128x128xf32, #tpu.memory_space<vmem>>, vector<1x16xf32>,
        %swap3A_350 = vector.shape_cast %swap3A_349 : vector<1x16xf32> to vector<16xf32>
        %swap3A_351 = vector.shape_cast %mul3A_346 : vector<16xf32> to vector<1x16xf32>
        tpu.vector_store %arg8[%swap3A_347, %swap3A_348], %swap3A_351 {strides = array<i32>} : memref<128x128xf32, #tpu.memory_space<vmem>>, vector<1x16xf32>,
        %get3A_352 = arith.index_cast %scan3A_327 : i32 to index
        %get3A_353 = arith.constant 32 : index
        %get3A_354 = tpu.vector_load %arg8[%get3A_352, %get3A_353] {strides = array<i32>} : memref<128x128xf32, #tpu.memory_space<vmem>>, vector<1x16xf32>,
        %get3A_355 = vector.shape_cast %get3A_354 : vector<1x16xf32> to vector<16xf32>
        %mul3A_356 = arith.constant 11.3137083 : f32
        %mul3A_357 = vector.broadcast %mul3A_356 : f32 to vector<16xf32>
        %mul3A_358 = arith.mulf %get3A_355, %mul3A_357 : vector<16xf32>
        %swap3A_359 = arith.index_cast %scan3A_327 : i32 to index
        %swap3A_360 = arith.constant 32 : index
        %swap3A_361 = tpu.vector_load %arg8[%swap3A_359, %swap3A_360] {strides = array<i32>} : memref<128x128xf32, #tpu.memory_space<vmem>>, vector<1x16xf32>,
        %swap3A_362 = vector.shape_cast %swap3A_361 : vector<1x16xf32> to vector<16xf32>
        %swap3A_363 = vector.shape_cast %mul3A_358 : vector<16xf32> to vector<1x16xf32>
        tpu.vector_store %arg8[%swap3A_359, %swap3A_360], %swap3A_363 {strides = array<i32>} : memref<128x128xf32, #tpu.memory_space<vmem>>, vector<1x16xf32>,
        %get3A_364 = arith.index_cast %scan3A_327 : i32 to index
        %get3A_365 = arith.constant 48 : index
        %get3A_366 = tpu.vector_load %arg8[%get3A_364, %get3A_365] {strides = array<i32>} : memref<128x128xf32, #tpu.memory_space<vmem>>, vector<1x16xf32>,
        %get3A_367 = vector.shape_cast %get3A_366 : vector<1x16xf32> to vector<16xf32>
        %mul3A_368 = arith.constant 11.3137083 : f32
        %mul3A_369 = vector.broadcast %mul3A_368 : f32 to vector<16xf32>
        %mul3A_370 = arith.mulf %get3A_367, %mul3A_369 : vector<16xf32>
        %swap3A_371 = arith.index_cast %scan3A_327 : i32 to index
        %swap3A_372 = arith.constant 48 : index
        %swap3A_373 = tpu.vector_load %arg8[%swap3A_371, %swap3A_372] {strides = array<i32>} : memref<128x128xf32, #tpu.memory_space<vmem>>, vector<1x16xf32>,
        %swap3A_374 = vector.shape_cast %swap3A_373 : vector<1x16xf32> to vector<16xf32>
        %swap3A_375 = vector.shape_cast %mul3A_370 : vector<16xf32> to vector<1x16xf32>
        tpu.vector_store %arg8[%swap3A_371, %swap3A_372], %swap3A_375 {strides = array<i32>} : memref<128x128xf32, #tpu.memory_space<vmem>>, vector<1x16xf32>,
        %get3A_376 = arith.index_cast %scan3A_327 : i32 to index
        %get3A_377 = arith.constant 64 : index
        %get3A_378 = tpu.vector_load %arg8[%get3A_376, %get3A_377] {strides = array<i32>} : memref<128x128xf32, #tpu.memory_space<vmem>>, vector<1x16xf32>,
        %get3A_379 = vector.shape_cast %get3A_378 : vector<1x16xf32> to vector<16xf32>
        %mul3A_380 = arith.constant 11.3137083 : f32
        %mul3A_381 = vector.broadcast %mul3A_380 : f32 to vector<16xf32>
        %mul3A_382 = arith.mulf %get3A_379, %mul3A_381 : vector<16xf32>
        %swap3A_383 = arith.index_cast %scan3A_327 : i32 to index
        %swap3A_384 = arith.constant 64 : index
        %swap3A_385 = tpu.vector_load %arg8[%swap3A_383, %swap3A_384] {strides = array<i32>} : memref<128x128xf32, #tpu.memory_space<vmem>>, vector<1x16xf32>,
        %swap3A_386 = vector.shape_cast %swap3A_385 : vector<1x16xf32> to vector<16xf32>
        %swap3A_387 = vector.shape_cast %mul3A_382 : vector<16xf32> to vector<1x16xf32>
        tpu.vector_store %arg8[%swap3A_383, %swap3A_384], %swap3A_387 {strides = array<i32>} : memref<128x128xf32, #tpu.memory_space<vmem>>, vector<1x16xf32>,
        %get3A_388 = arith.index_cast %scan3A_327 : i32 to index
        %get3A_389 = arith.constant 80 : index
        %get3A_390 = tpu.vector_load %arg8[%get3A_388, %get3A_389] {strides = array<i32>} : memref<128x128xf32, #tpu.memory_space<vmem>>, vector<1x16xf32>,
        %get3A_391 = vector.shape_cast %get3A_390 : vector<1x16xf32> to vector<16xf32>
        %mul3A_392 = arith.constant 11.3137083 : f32
        %mul3A_393 = vector.broadcast %mul3A_392 : f32 to vector<16xf32>
        %mul3A_394 = arith.mulf %get3A_391, %mul3A_393 : vector<16xf32>
        %swap3A_395 = arith.index_cast %scan3A_327 : i32 to index
        %swap3A_396 = arith.constant 80 : index
        %swap3A_397 = tpu.vector_load %arg8[%swap3A_395, %swap3A_396] {strides = array<i32>} : memref<128x128xf32, #tpu.memory_space<vmem>>, vector<1x16xf32>,
        %swap3A_398 = vector.shape_cast %swap3A_397 : vector<1x16xf32> to vector<16xf32>
        %swap3A_399 = vector.shape_cast %mul3A_394 : vector<16xf32> to vector<1x16xf32>
        tpu.vector_store %arg8[%swap3A_395, %swap3A_396], %swap3A_399 {strides = array<i32>} : memref<128x128xf32, #tpu.memory_space<vmem>>, vector<1x16xf32>,
        %get3A_400 = arith.index_cast %scan3A_327 : i32 to index
        %get3A_401 = arith.constant 96 : index
        %get3A_402 = tpu.vector_load %arg8[%get3A_400, %get3A_401] {strides = array<i32>} : memref<128x128xf32, #tpu.memory_space<vmem>>, vector<1x16xf32>,
        %get3A_403 = vector.shape_cast %get3A_402 : vector<1x16xf32> to vector<16xf32>
        %mul3A_404 = arith.constant 11.3137083 : f32
        %mul3A_405 = vector.broadcast %mul3A_404 : f32 to vector<16xf32>
        %mul3A_406 = arith.mulf %get3A_403, %mul3A_405 : vector<16xf32>
        %swap3A_407 = arith.index_cast %scan3A_327 : i32 to index
        %swap3A_408 = arith.constant 96 : index
        %swap3A_409 = tpu.vector_load %arg8[%swap3A_407, %swap3A_408] {strides = array<i32>} : memref<128x128xf32, #tpu.memory_space<vmem>>, vector<1x16xf32>,
        %swap3A_410 = vector.shape_cast %swap3A_409 : vector<1x16xf32> to vector<16xf32>
        %swap3A_411 = vector.shape_cast %mul3A_406 : vector<16xf32> to vector<1x16xf32>
        tpu.vector_store %arg8[%swap3A_407, %swap3A_408], %swap3A_411 {strides = array<i32>} : memref<128x128xf32, #tpu.memory_space<vmem>>, vector<1x16xf32>,
        %get3A_412 = arith.index_cast %scan3A_327 : i32 to index
        %get3A_413 = arith.constant 112 : index
        %get3A_414 = tpu.vector_load %arg8[%get3A_412, %get3A_413] {strides = array<i32>} : memref<128x128xf32, #tpu.memory_space<vmem>>, vector<1x16xf32>,
        %get3A_415 = vector.shape_cast %get3A_414 : vector<1x16xf32> to vector<16xf32>
        %mul3A_416 = arith.constant 11.3137083 : f32
        %mul3A_417 = vector.broadcast %mul3A_416 : f32 to vector<16xf32>
        %mul3A_418 = arith.mulf %get3A_415, %mul3A_417 : vector<16xf32>
        %swap3A_419 = arith.index_cast %scan3A_327 : i32 to index
        %swap3A_420 = arith.constant 112 : index
        %swap3A_421 = tpu.vector_load %arg8[%swap3A_419, %swap3A_420] {strides = array<i32>} : memref<128x128xf32, #tpu.memory_space<vmem>>, vector<1x16xf32>,
        %swap3A_422 = vector.shape_cast %swap3A_421 : vector<1x16xf32> to vector<16xf32>
        %swap3A_423 = vector.shape_cast %mul3A_418 : vector<16xf32> to vector<1x16xf32>
        tpu.vector_store %arg8[%swap3A_419, %swap3A_420], %swap3A_423 {strides = array<i32>} : memref<128x128xf32, #tpu.memory_space<vmem>>, vector<1x16xf32>,
        %scan3A_424 = arith.constant 2 : i32
        %scan3A_425 = arith.addi %scan3A_231, %scan3A_424 : i32
        %get3A_426 = arith.index_cast %scan3A_425 : i32 to index
        %get3A_427 = arith.constant 0 : index
        %get3A_428 = tpu.vector_load %arg8[%get3A_426, %get3A_427] {strides = array<i32>} : memref<128x128xf32, #tpu.memory_space<vmem>>, vector<1x16xf32>,
        %get3A_429 = vector.shape_cast %get3A_428 : vector<1x16xf32> to vector<16xf32>
        %mul3A_430 = arith.constant 11.3137083 : f32
        %mul3A_431 = vector.broadcast %mul3A_430 : f32 to vector<16xf32>
        %mul3A_432 = arith.mulf %get3A_429, %mul3A_431 : vector<16xf32>
        %swap3A_433 = arith.index_cast %scan3A_425 : i32 to index
        %swap3A_434 = arith.constant 0 : index
        %swap3A_435 = tpu.vector_load %arg8[%swap3A_433, %swap3A_434] {strides = array<i32>} : memref<128x128xf32, #tpu.memory_space<vmem>>, vector<1x16xf32>,
        %swap3A_436 = vector.shape_cast %swap3A_435 : vector<1x16xf32> to vector<16xf32>
        %swap3A_437 = vector.shape_cast %mul3A_432 : vector<16xf32> to vector<1x16xf32>
        tpu.vector_store %arg8[%swap3A_433, %swap3A_434], %swap3A_437 {strides = array<i32>} : memref<128x128xf32, #tpu.memory_space<vmem>>, vector<1x16xf32>,
        %get3A_438 = arith.index_cast %scan3A_425 : i32 to index
        %get3A_439 = arith.constant 16 : index
        %get3A_440 = tpu.vector_load %arg8[%get3A_438, %get3A_439] {strides = array<i32>} : memref<128x128xf32, #tpu.memory_space<vmem>>, vector<1x16xf32>,
        %get3A_441 = vector.shape_cast %get3A_440 : vector<1x16xf32> to vector<16xf32>
        %mul3A_442 = arith.constant 11.3137083 : f32
        %mul3A_443 = vector.broadcast %mul3A_442 : f32 to vector<16xf32>
        %mul3A_444 = arith.mulf %get3A_441, %mul3A_443 : vector<16xf32>
        %swap3A_445 = arith.index_cast %scan3A_425 : i32 to index
        %swap3A_446 = arith.constant 16 : index
        %swap3A_447 = tpu.vector_load %arg8[%swap3A_445, %swap3A_446] {strides = array<i32>} : memref<128x128xf32, #tpu.memory_space<vmem>>, vector<1x16xf32>,
        %swap3A_448 = vector.shape_cast %swap3A_447 : vector<1x16xf32> to vector<16xf32>
        %swap3A_449 = vector.shape_cast %mul3A_444 : vector<16xf32> to vector<1x16xf32>
        tpu.vector_store %arg8[%swap3A_445, %swap3A_446], %swap3A_449 {strides = array<i32>} : memref<128x128xf32, #tpu.memory_space<vmem>>, vector<1x16xf32>,
        %get3A_450 = arith.index_cast %scan3A_425 : i32 to index
        %get3A_451 = arith.constant 32 : index
        %get3A_452 = tpu.vector_load %arg8[%get3A_450, %get3A_451] {strides = array<i32>} : memref<128x128xf32, #tpu.memory_space<vmem>>, vector<1x16xf32>,
        %get3A_453 = vector.shape_cast %get3A_452 : vector<1x16xf32> to vector<16xf32>
        %mul3A_454 = arith.constant 11.3137083 : f32
        %mul3A_455 = vector.broadcast %mul3A_454 : f32 to vector<16xf32>
        %mul3A_456 = arith.mulf %get3A_453, %mul3A_455 : vector<16xf32>
        %swap3A_457 = arith.index_cast %scan3A_425 : i32 to index
        %swap3A_458 = arith.constant 32 : index
        %swap3A_459 = tpu.vector_load %arg8[%swap3A_457, %swap3A_458] {strides = array<i32>} : memref<128x128xf32, #tpu.memory_space<vmem>>, vector<1x16xf32>,
        %swap3A_460 = vector.shape_cast %swap3A_459 : vector<1x16xf32> to vector<16xf32>
        %swap3A_461 = vector.shape_cast %mul3A_456 : vector<16xf32> to vector<1x16xf32>
        tpu.vector_store %arg8[%swap3A_457, %swap3A_458], %swap3A_461 {strides = array<i32>} : memref<128x128xf32, #tpu.memory_space<vmem>>, vector<1x16xf32>,
        %get3A_462 = arith.index_cast %scan3A_425 : i32 to index
        %get3A_463 = arith.constant 48 : index
        %get3A_464 = tpu.vector_load %arg8[%get3A_462, %get3A_463] {strides = array<i32>} : memref<128x128xf32, #tpu.memory_space<vmem>>, vector<1x16xf32>,
        %get3A_465 = vector.shape_cast %get3A_464 : vector<1x16xf32> to vector<16xf32>
        %mul3A_466 = arith.constant 11.3137083 : f32
        %mul3A_467 = vector.broadcast %mul3A_466 : f32 to vector<16xf32>
        %mul3A_468 = arith.mulf %get3A_465, %mul3A_467 : vector<16xf32>
        %swap3A_469 = arith.index_cast %scan3A_425 : i32 to index
        %swap3A_470 = arith.constant 48 : index
        %swap3A_471 = tpu.vector_load %arg8[%swap3A_469, %swap3A_470] {strides = array<i32>} : memref<128x128xf32, #tpu.memory_space<vmem>>, vector<1x16xf32>,
        %swap3A_472 = vector.shape_cast %swap3A_471 : vector<1x16xf32> to vector<16xf32>
        %swap3A_473 = vector.shape_cast %mul3A_468 : vector<16xf32> to vector<1x16xf32>
        tpu.vector_store %arg8[%swap3A_469, %swap3A_470], %swap3A_473 {strides = array<i32>} : memref<128x128xf32, #tpu.memory_space<vmem>>, vector<1x16xf32>,
        %get3A_474 = arith.index_cast %scan3A_425 : i32 to index
        %get3A_475 = arith.constant 64 : index
        %get3A_476 = tpu.vector_load %arg8[%get3A_474, %get3A_475] {strides = array<i32>} : memref<128x128xf32, #tpu.memory_space<vmem>>, vector<1x16xf32>,
        %get3A_477 = vector.shape_cast %get3A_476 : vector<1x16xf32> to vector<16xf32>
        %mul3A_478 = arith.constant 11.3137083 : f32
        %mul3A_479 = vector.broadcast %mul3A_478 : f32 to vector<16xf32>
        %mul3A_480 = arith.mulf %get3A_477, %mul3A_479 : vector<16xf32>
        %swap3A_481 = arith.index_cast %scan3A_425 : i32 to index
        %swap3A_482 = arith.constant 64 : index
        %swap3A_483 = tpu.vector_load %arg8[%swap3A_481, %swap3A_482] {strides = array<i32>} : memref<128x128xf32, #tpu.memory_space<vmem>>, vector<1x16xf32>,
        %swap3A_484 = vector.shape_cast %swap3A_483 : vector<1x16xf32> to vector<16xf32>
        %swap3A_485 = vector.shape_cast %mul3A_480 : vector<16xf32> to vector<1x16xf32>
        tpu.vector_store %arg8[%swap3A_481, %swap3A_482], %swap3A_485 {strides = array<i32>} : memref<128x128xf32, #tpu.memory_space<vmem>>, vector<1x16xf32>,
        %get3A_486 = arith.index_cast %scan3A_425 : i32 to index
        %get3A_487 = arith.constant 80 : index
        %get3A_488 = tpu.vector_load %arg8[%get3A_486, %get3A_487] {strides = array<i32>} : memref<128x128xf32, #tpu.memory_space<vmem>>, vector<1x16xf32>,
        %get3A_489 = vector.shape_cast %get3A_488 : vector<1x16xf32> to vector<16xf32>
        %mul3A_490 = arith.constant 11.3137083 : f32
        %mul3A_491 = vector.broadcast %mul3A_490 : f32 to vector<16xf32>
        %mul3A_492 = arith.mulf %get3A_489, %mul3A_491 : vector<16xf32>
        %swap3A_493 = arith.index_cast %scan3A_425 : i32 to index
        %swap3A_494 = arith.constant 80 : index
        %swap3A_495 = tpu.vector_load %arg8[%swap3A_493, %swap3A_494] {strides = array<i32>} : memref<128x128xf32, #tpu.memory_space<vmem>>, vector<1x16xf32>,
        %swap3A_496 = vector.shape_cast %swap3A_495 : vector<1x16xf32> to vector<16xf32>
        %swap3A_497 = vector.shape_cast %mul3A_492 : vector<16xf32> to vector<1x16xf32>
        tpu.vector_store %arg8[%swap3A_493, %swap3A_494], %swap3A_497 {strides = array<i32>} : memref<128x128xf32, #tpu.memory_space<vmem>>, vector<1x16xf32>,
        %get3A_498 = arith.index_cast %scan3A_425 : i32 to index
        %get3A_499 = arith.constant 96 : index
        %get3A_500 = tpu.vector_load %arg8[%get3A_498, %get3A_499] {strides = array<i32>} : memref<128x128xf32, #tpu.memory_space<vmem>>, vector<1x16xf32>,
        %get3A_501 = vector.shape_cast %get3A_500 : vector<1x16xf32> to vector<16xf32>
        %mul3A_502 = arith.constant 11.3137083 : f32
        %mul3A_503 = vector.broadcast %mul3A_502 : f32 to vector<16xf32>
        %mul3A_504 = arith.mulf %get3A_501, %mul3A_503 : vector<16xf32>
        %swap3A_505 = arith.index_cast %scan3A_425 : i32 to index
        %swap3A_506 = arith.constant 96 : index
        %swap3A_507 = tpu.vector_load %arg8[%swap3A_505, %swap3A_506] {strides = array<i32>} : memref<128x128xf32, #tpu.memory_space<vmem>>, vector<1x16xf32>,
        %swap3A_508 = vector.shape_cast %swap3A_507 : vector<1x16xf32> to vector<16xf32>
        %swap3A_509 = vector.shape_cast %mul3A_504 : vector<16xf32> to vector<1x16xf32>
        tpu.vector_store %arg8[%swap3A_505, %swap3A_506], %swap3A_509 {strides = array<i32>} : memref<128x128xf32, #tpu.memory_space<vmem>>, vector<1x16xf32>,
        %get3A_510 = arith.index_cast %scan3A_425 : i32 to index
        %get3A_511 = arith.constant 112 : index
        %get3A_512 = tpu.vector_load %arg8[%get3A_510, %get3A_511] {strides = array<i32>} : memref<128x128xf32, #tpu.memory_space<vmem>>, vector<1x16xf32>,
        %get3A_513 = vector.shape_cast %get3A_512 : vector<1x16xf32> to vector<16xf32>
        %mul3A_514 = arith.constant 11.3137083 : f32
        %mul3A_515 = vector.broadcast %mul3A_514 : f32 to vector<16xf32>
        %mul3A_516 = arith.mulf %get3A_513, %mul3A_515 : vector<16xf32>
        %swap3A_517 = arith.index_cast %scan3A_425 : i32 to index
        %swap3A_518 = arith.constant 112 : index
        %swap3A_519 = tpu.vector_load %arg8[%swap3A_517, %swap3A_518] {strides = array<i32>} : memref<128x128xf32, #tpu.memory_space<vmem>>, vector<1x16xf32>,
        %swap3A_520 = vector.shape_cast %swap3A_519 : vector<1x16xf32> to vector<16xf32>
        %swap3A_521 = vector.shape_cast %mul3A_516 : vector<16xf32> to vector<1x16xf32>
        tpu.vector_store %arg8[%swap3A_517, %swap3A_518], %swap3A_521 {strides = array<i32>} : memref<128x128xf32, #tpu.memory_space<vmem>>, vector<1x16xf32>,
        %scan3A_522 = arith.constant 3 : i32
        %scan3A_523 = arith.addi %scan3A_231, %scan3A_522 : i32
        %get3A_524 = arith.index_cast %scan3A_523 : i32 to index
        %get3A_525 = arith.constant 0 : index
        %get3A_526 = tpu.vector_load %arg8[%get3A_524, %get3A_525] {strides = array<i32>} : memref<128x128xf32, #tpu.memory_space<vmem>>, vector<1x16xf32>,
        %get3A_527 = vector.shape_cast %get3A_526 : vector<1x16xf32> to vector<16xf32>
        %mul3A_528 = arith.constant 11.3137083 : f32
        %mul3A_529 = vector.broadcast %mul3A_528 : f32 to vector<16xf32>
        %mul3A_530 = arith.mulf %get3A_527, %mul3A_529 : vector<16xf32>
        %swap3A_531 = arith.index_cast %scan3A_523 : i32 to index
        %swap3A_532 = arith.constant 0 : index
        %swap3A_533 = tpu.vector_load %arg8[%swap3A_531, %swap3A_532] {strides = array<i32>} : memref<128x128xf32, #tpu.memory_space<vmem>>, vector<1x16xf32>,
        %swap3A_534 = vector.shape_cast %swap3A_533 : vector<1x16xf32> to vector<16xf32>
        %swap3A_535 = vector.shape_cast %mul3A_530 : vector<16xf32> to vector<1x16xf32>
        tpu.vector_store %arg8[%swap3A_531, %swap3A_532], %swap3A_535 {strides = array<i32>} : memref<128x128xf32, #tpu.memory_space<vmem>>, vector<1x16xf32>,
        %get3A_536 = arith.index_cast %scan3A_523 : i32 to index
        %get3A_537 = arith.constant 16 : index
        %get3A_538 = tpu.vector_load %arg8[%get3A_536, %get3A_537] {strides = array<i32>} : memref<128x128xf32, #tpu.memory_space<vmem>>, vector<1x16xf32>,
        %get3A_539 = vector.shape_cast %get3A_538 : vector<1x16xf32> to vector<16xf32>
        %mul3A_540 = arith.constant 11.3137083 : f32
        %mul3A_541 = vector.broadcast %mul3A_540 : f32 to vector<16xf32>
        %mul3A_542 = arith.mulf %get3A_539, %mul3A_541 : vector<16xf32>
        %swap3A_543 = arith.index_cast %scan3A_523 : i32 to index
        %swap3A_544 = arith.constant 16 : index
        %swap3A_545 = tpu.vector_load %arg8[%swap3A_543, %swap3A_544] {strides = array<i32>} : memref<128x128xf32, #tpu.memory_space<vmem>>, vector<1x16xf32>,
        %swap3A_546 = vector.shape_cast %swap3A_545 : vector<1x16xf32> to vector<16xf32>
        %swap3A_547 = vector.shape_cast %mul3A_542 : vector<16xf32> to vector<1x16xf32>
        tpu.vector_store %arg8[%swap3A_543, %swap3A_544], %swap3A_547 {strides = array<i32>} : memref<128x128xf32, #tpu.memory_space<vmem>>, vector<1x16xf32>,
        %get3A_548 = arith.index_cast %scan3A_523 : i32 to index
        %get3A_549 = arith.constant 32 : index
        %get3A_550 = tpu.vector_load %arg8[%get3A_548, %get3A_549] {strides = array<i32>} : memref<128x128xf32, #tpu.memory_space<vmem>>, vector<1x16xf32>,
        %get3A_551 = vector.shape_cast %get3A_550 : vector<1x16xf32> to vector<16xf32>
        %mul3A_552 = arith.constant 11.3137083 : f32
        %mul3A_553 = vector.broadcast %mul3A_552 : f32 to vector<16xf32>
        %mul3A_554 = arith.mulf %get3A_551, %mul3A_553 : vector<16xf32>
        %swap3A_555 = arith.index_cast %scan3A_523 : i32 to index
        %swap3A_556 = arith.constant 32 : index
        %swap3A_557 = tpu.vector_load %arg8[%swap3A_555, %swap3A_556] {strides = array<i32>} : memref<128x128xf32, #tpu.memory_space<vmem>>, vector<1x16xf32>,
        %swap3A_558 = vector.shape_cast %swap3A_557 : vector<1x16xf32> to vector<16xf32>
        %swap3A_559 = vector.shape_cast %mul3A_554 : vector<16xf32> to vector<1x16xf32>
        tpu.vector_store %arg8[%swap3A_555, %swap3A_556], %swap3A_559 {strides = array<i32>} : memref<128x128xf32, #tpu.memory_space<vmem>>, vector<1x16xf32>,
        %get3A_560 = arith.index_cast %scan3A_523 : i32 to index
        %get3A_561 = arith.constant 48 : index
        %get3A_562 = tpu.vector_load %arg8[%get3A_560, %get3A_561] {strides = array<i32>} : memref<128x128xf32, #tpu.memory_space<vmem>>, vector<1x16xf32>,
        %get3A_563 = vector.shape_cast %get3A_562 : vector<1x16xf32> to vector<16xf32>
        %mul3A_564 = arith.constant 11.3137083 : f32
        %mul3A_565 = vector.broadcast %mul3A_564 : f32 to vector<16xf32>
        %mul3A_566 = arith.mulf %get3A_563, %mul3A_565 : vector<16xf32>
        %swap3A_567 = arith.index_cast %scan3A_523 : i32 to index
        %swap3A_568 = arith.constant 48 : index
        %swap3A_569 = tpu.vector_load %arg8[%swap3A_567, %swap3A_568] {strides = array<i32>} : memref<128x128xf32, #tpu.memory_space<vmem>>, vector<1x16xf32>,
        %swap3A_570 = vector.shape_cast %swap3A_569 : vector<1x16xf32> to vector<16xf32>
        %swap3A_571 = vector.shape_cast %mul3A_566 : vector<16xf32> to vector<1x16xf32>
        tpu.vector_store %arg8[%swap3A_567, %swap3A_568], %swap3A_571 {strides = array<i32>} : memref<128x128xf32, #tpu.memory_space<vmem>>, vector<1x16xf32>,
        %get3A_572 = arith.index_cast %scan3A_523 : i32 to index
        %get3A_573 = arith.constant 64 : index
        %get3A_574 = tpu.vector_load %arg8[%get3A_572, %get3A_573] {strides = array<i32>} : memref<128x128xf32, #tpu.memory_space<vmem>>, vector<1x16xf32>,
        %get3A_575 = vector.shape_cast %get3A_574 : vector<1x16xf32> to vector<16xf32>
        %mul3A_576 = arith.constant 11.3137083 : f32
        %mul3A_577 = vector.broadcast %mul3A_576 : f32 to vector<16xf32>
        %mul3A_578 = arith.mulf %get3A_575, %mul3A_577 : vector<16xf32>
        %swap3A_579 = arith.index_cast %scan3A_523 : i32 to index
        %swap3A_580 = arith.constant 64 : index
        %swap3A_581 = tpu.vector_load %arg8[%swap3A_579, %swap3A_580] {strides = array<i32>} : memref<128x128xf32, #tpu.memory_space<vmem>>, vector<1x16xf32>,
        %swap3A_582 = vector.shape_cast %swap3A_581 : vector<1x16xf32> to vector<16xf32>
        %swap3A_583 = vector.shape_cast %mul3A_578 : vector<16xf32> to vector<1x16xf32>
        tpu.vector_store %arg8[%swap3A_579, %swap3A_580], %swap3A_583 {strides = array<i32>} : memref<128x128xf32, #tpu.memory_space<vmem>>, vector<1x16xf32>,
        %get3A_584 = arith.index_cast %scan3A_523 : i32 to index
        %get3A_585 = arith.constant 80 : index
        %get3A_586 = tpu.vector_load %arg8[%get3A_584, %get3A_585] {strides = array<i32>} : memref<128x128xf32, #tpu.memory_space<vmem>>, vector<1x16xf32>,
        %get3A_587 = vector.shape_cast %get3A_586 : vector<1x16xf32> to vector<16xf32>
        %mul3A_588 = arith.constant 11.3137083 : f32
        %mul3A_589 = vector.broadcast %mul3A_588 : f32 to vector<16xf32>
        %mul3A_590 = arith.mulf %get3A_587, %mul3A_589 : vector<16xf32>
        %swap3A_591 = arith.index_cast %scan3A_523 : i32 to index
        %swap3A_592 = arith.constant 80 : index
        %swap3A_593 = tpu.vector_load %arg8[%swap3A_591, %swap3A_592] {strides = array<i32>} : memref<128x128xf32, #tpu.memory_space<vmem>>, vector<1x16xf32>,
        %swap3A_594 = vector.shape_cast %swap3A_593 : vector<1x16xf32> to vector<16xf32>
        %swap3A_595 = vector.shape_cast %mul3A_590 : vector<16xf32> to vector<1x16xf32>
        tpu.vector_store %arg8[%swap3A_591, %swap3A_592], %swap3A_595 {strides = array<i32>} : memref<128x128xf32, #tpu.memory_space<vmem>>, vector<1x16xf32>,
        %get3A_596 = arith.index_cast %scan3A_523 : i32 to index
        %get3A_597 = arith.constant 96 : index
        %get3A_598 = tpu.vector_load %arg8[%get3A_596, %get3A_597] {strides = array<i32>} : memref<128x128xf32, #tpu.memory_space<vmem>>, vector<1x16xf32>,
        %get3A_599 = vector.shape_cast %get3A_598 : vector<1x16xf32> to vector<16xf32>
        %mul3A_600 = arith.constant 11.3137083 : f32
        %mul3A_601 = vector.broadcast %mul3A_600 : f32 to vector<16xf32>
        %mul3A_602 = arith.mulf %get3A_599, %mul3A_601 : vector<16xf32>
        %swap3A_603 = arith.index_cast %scan3A_523 : i32 to index
        %swap3A_604 = arith.constant 96 : index
        %swap3A_605 = tpu.vector_load %arg8[%swap3A_603, %swap3A_604] {strides = array<i32>} : memref<128x128xf32, #tpu.memory_space<vmem>>, vector<1x16xf32>,
        %swap3A_606 = vector.shape_cast %swap3A_605 : vector<1x16xf32> to vector<16xf32>
        %swap3A_607 = vector.shape_cast %mul3A_602 : vector<16xf32> to vector<1x16xf32>
        tpu.vector_store %arg8[%swap3A_603, %swap3A_604], %swap3A_607 {strides = array<i32>} : memref<128x128xf32, #tpu.memory_space<vmem>>, vector<1x16xf32>,
        %get3A_608 = arith.index_cast %scan3A_523 : i32 to index
        %get3A_609 = arith.constant 112 : index
        %get3A_610 = tpu.vector_load %arg8[%get3A_608, %get3A_609] {strides = array<i32>} : memref<128x128xf32, #tpu.memory_space<vmem>>, vector<1x16xf32>,
        %get3A_611 = vector.shape_cast %get3A_610 : vector<1x16xf32> to vector<16xf32>
        %mul3A_612 = arith.constant 11.3137083 : f32
        %mul3A_613 = vector.broadcast %mul3A_612 : f32 to vector<16xf32>
        %mul3A_614 = arith.mulf %get3A_611, %mul3A_613 : vector<16xf32>
        %swap3A_615 = arith.index_cast %scan3A_523 : i32 to index
        %swap3A_616 = arith.constant 112 : index
        %swap3A_617 = tpu.vector_load %arg8[%swap3A_615, %swap3A_616] {strides = array<i32>} : memref<128x128xf32, #tpu.memory_space<vmem>>, vector<1x16xf32>,
        %swap3A_618 = vector.shape_cast %swap3A_617 : vector<1x16xf32> to vector<16xf32>
        %swap3A_619 = vector.shape_cast %mul3A_614 : vector<16xf32> to vector<1x16xf32>
        tpu.vector_store %arg8[%swap3A_615, %swap3A_616], %swap3A_619 {strides = array<i32>} : memref<128x128xf32, #tpu.memory_space<vmem>>, vector<1x16xf32>,
      }
      %scan3A_129 = arith.constant 128 : i32
      %mul3A_130 = arith.constant 128 : i32
      %mul3A_131 = arith.muli %add3A_117, %mul3A_130 : i32
      %add3A_132 = arith.addi %mul3A_2, %mul3A_131 : i32
      %dma_start3A_133 = arith.constant 0 : i32
      %dma_start3A_134 = tpu.memref_slice %arg4[%add3A_132, %dma_start3A_133] : memref<204800x128xf32, #tpu.memory_space<hbm>> -> memref<128x128xf32, #tpu.memory_space<hbm>>
      %dma_start3A_135 = arith.constant 0 : i32
      %dma_start3A_136 = tpu.memref_slice %arg4[%add3A_132, %dma_start3A_135] : memref<204800x128xf32, #tpu.memory_space<hbm>> -> memref<128x128xf32, #tpu.memory_space<hbm>>
      tpu.enqueue_dma source(%arg8 : memref<128x128xf32, #tpu.memory_space<vmem>>) target(%dma_start3A_136 : memref<128x128xf32, #tpu.memory_space<hbm>>) target_semaphore(%arg18 : memref<!tpu.dma_semaphore, #tpu.memory_space<semaphore_mem>>)
      %add3A_137 = arith.constant 4 : i32
      %add3A_138 = arith.addi %add3A_117, %add3A_137 : i32
      %sub3A_139 = arith.constant 5 : i32
      %sub3A_140 = arith.subi %add3A_138, %sub3A_139 : i32
      %ge3A_141 = arith.constant 0 : i32
      %ge3A_142 = arith.cmpi sge, %sub3A_140, %ge3A_141 : i32
      %convert_element_type3A_143 = arith.extui %ge3A_142 : i1 to i32
      %cond3A_144 = arith.constant 0 : i32
      %cond3A_145 = arith.cmpi ne, %convert_element_type3A_143, %cond3A_144 : i32
      scf.if %cond3A_145 {
        %add3A_231 = arith.constant 4 : i32
        %add3A_232 = arith.addi %add3A_117, %add3A_231 : i32
        %sub3A_233 = arith.constant 5 : i32
        %sub3A_234 = arith.subi %add3A_232, %sub3A_233 : i32
        %mul3A_235 = arith.constant 128 : i32
        %mul3A_236 = arith.muli %sub3A_234, %mul3A_235 : i32
        %add3A_237 = arith.addi %mul3A_2, %mul3A_236 : i32
        %dma_wait3A_238 = arith.constant 0 : i32
        %dma_wait3A_239 = tpu.memref_slice %arg4[%add3A_237, %dma_wait3A_238] : memref<204800x128xf32, #tpu.memory_space<hbm>> -> memref<128x128xf32, #tpu.memory_space<hbm>>
        %dma_wait3A_240 = arith.constant 0 : i32
        %dma_wait3A_241 = tpu.memref_slice %arg4[%add3A_237, %dma_wait3A_240] : memref<204800x128xf32, #tpu.memory_space<hbm>> -> memref<128x128xf32, #tpu.memory_space<hbm>>
        tpu.wait_dma2 semaphore(%arg17 : memref<!tpu.dma_semaphore, #tpu.memory_space<semaphore_mem>>) src(%arg7 : memref<128x128xf32, #tpu.memory_space<vmem>>) dst(%dma_wait3A_241 : memref<128x128xf32, #tpu.memory_space<hbm>>)
      } else {
      }
      %add3A_146 = arith.constant 4 : i32
      %add3A_147 = arith.addi %add3A_117, %add3A_146 : i32
      %lt3A_148 = arith.constant 50 : i32
      %lt3A_149 = arith.cmpi slt, %add3A_147, %lt3A_148 : i32
      %convert_element_type3A_150 = arith.extui %lt3A_149 : i1 to i32
      %cond3A_151 = arith.constant 0 : i32
      %cond3A_152 = arith.cmpi ne, %convert_element_type3A_150, %cond3A_151 : i32
      scf.if %cond3A_152 {
        %add3A_231 = arith.constant 4 : i32
        %add3A_232 = arith.addi %add3A_117, %add3A_231 : i32
        %dma_start3A_233 = arith.constant 0 : i32
        %dma_start3A_234 = tpu.memref_slice %arg5[%add3A_232, %dma_start3A_233] : memref<50x128xi32, #tpu.memory_space<vmem>> -> memref<1x128xi32, #tpu.memory_space<vmem>>
        %dma_start3A_235 = tpu.memref_squeeze %dma_start3A_234 : memref<1x128xi32, #tpu.memory_space<vmem>> -> memref<128xi32, #tpu.memory_space<vmem>>
        %dma_start3A_236 = arith.constant 0 : i32
        %dma_start3A_237 = arith.constant 0 : i32
        %dma_start3A_238 = tpu.memref_slice %arg3[%dma_start3A_236, %dma_start3A_237] : memref<1000000x128xf32, #tpu.memory_space<hbm>> -> memref<1000000x128xf32, #tpu.memory_space<hbm>>
        tpu.enqueue_indirect_dma source(%dma_start3A_238 : memref<1000000x128xf32, #tpu.memory_space<hbm>>) target(%arg7 : memref<128x128xf32, #tpu.memory_space<vmem>>) offsets(%dma_start3A_235 : memref<128xi32, #tpu.memory_space<vmem>>) semaphore(%arg12 : memref<!tpu.dma_semaphore, #tpu.memory_space<semaphore_mem>>)
      } else {
      }
      %mul3A_153 = arith.constant 5 : i32
      %mul3A_154 = arith.muli %scan3A_40, %mul3A_153 : i32
      %add3A_155 = arith.constant 3 : i32
      %add3A_156 = arith.addi %mul3A_154, %add3A_155 : i32
      %dma_wait3A_157 = arith.constant 0 : i32
      %dma_wait3A_158 = tpu.memref_slice %arg5[%add3A_156, %dma_wait3A_157] : memref<50x128xi32, #tpu.memory_space<vmem>> -> memref<1x128xi32, #tpu.memory_space<vmem>>
      %dma_wait3A_159 = tpu.memref_squeeze %dma_wait3A_158 : memref<1x128xi32, #tpu.memory_space<vmem>> -> memref<128xi32, #tpu.memory_space<vmem>>
      %dma_wait3A_160 = arith.constant 0 : i32
      %dma_wait3A_161 = arith.constant 0 : i32
      %dma_wait3A_162 = tpu.memref_slice %arg3[%dma_wait3A_160, %dma_wait3A_161] : memref<1000000x128xf32, #tpu.memory_space<hbm>> -> memref<1000000x128xf32, #tpu.memory_space<hbm>>
      tpu.wait_indirect_dma semaphore(%arg14 : memref<!tpu.dma_semaphore, #tpu.memory_space<semaphore_mem>>) src(%dma_wait3A_162 : memref<1000000x128xf32, #tpu.memory_space<hbm>>) dst(%arg9 : memref<128x128xf32, #tpu.memory_space<vmem>>)
      %scan3A_163 = arith.constant 0 : i32
      %scan3A_164 = arith.constant 0 : i32
      %scan3A_165 = arith.constant 128 : i32
      %scan3A_166 = arith.addi %scan3A_164, %scan3A_165 : i32
      %scan3A_167 = arith.constant 4 : i32
      scf.for %scan3A_231 = %scan3A_164 to %scan3A_166 step %scan3A_167  : i32 {
        %get3A = arith.index_cast %scan3A_231 : i32 to index
        %get3A_232 = arith.constant 0 : index
        %get3A_233 = tpu.vector_load %arg9[%get3A, %get3A_232] {strides = array<i32>} : memref<128x128xf32, #tpu.memory_space<vmem>>, vector<1x16xf32>,
        %get3A_234 = vector.shape_cast %get3A_233 : vector<1x16xf32> to vector<16xf32>
        %mul3A_235 = arith.constant 11.3137083 : f32
        %mul3A_236 = vector.broadcast %mul3A_235 : f32 to vector<16xf32>
        %mul3A_237 = arith.mulf %get3A_234, %mul3A_236 : vector<16xf32>
        %swap3A = arith.index_cast %scan3A_231 : i32 to index
        %swap3A_238 = arith.constant 0 : index
        %swap3A_239 = tpu.vector_load %arg9[%swap3A, %swap3A_238] {strides = array<i32>} : memref<128x128xf32, #tpu.memory_space<vmem>>, vector<1x16xf32>,
        %swap3A_240 = vector.shape_cast %swap3A_239 : vector<1x16xf32> to vector<16xf32>
        %swap3A_241 = vector.shape_cast %mul3A_237 : vector<16xf32> to vector<1x16xf32>
        tpu.vector_store %arg9[%swap3A, %swap3A_238], %swap3A_241 {strides = array<i32>} : memref<128x128xf32, #tpu.memory_space<vmem>>, vector<1x16xf32>,
        %get3A_242 = arith.index_cast %scan3A_231 : i32 to index
        %get3A_243 = arith.constant 16 : index
        %get3A_244 = tpu.vector_load %arg9[%get3A_242, %get3A_243] {strides = array<i32>} : memref<128x128xf32, #tpu.memory_space<vmem>>, vector<1x16xf32>,
        %get3A_245 = vector.shape_cast %get3A_244 : vector<1x16xf32> to vector<16xf32>
        %mul3A_246 = arith.constant 11.3137083 : f32
        %mul3A_247 = vector.broadcast %mul3A_246 : f32 to vector<16xf32>
        %mul3A_248 = arith.mulf %get3A_245, %mul3A_247 : vector<16xf32>
        %swap3A_249 = arith.index_cast %scan3A_231 : i32 to index
        %swap3A_250 = arith.constant 16 : index
        %swap3A_251 = tpu.vector_load %arg9[%swap3A_249, %swap3A_250] {strides = array<i32>} : memref<128x128xf32, #tpu.memory_space<vmem>>, vector<1x16xf32>,
        %swap3A_252 = vector.shape_cast %swap3A_251 : vector<1x16xf32> to vector<16xf32>
        %swap3A_253 = vector.shape_cast %mul3A_248 : vector<16xf32> to vector<1x16xf32>
        tpu.vector_store %arg9[%swap3A_249, %swap3A_250], %swap3A_253 {strides = array<i32>} : memref<128x128xf32, #tpu.memory_space<vmem>>, vector<1x16xf32>,
        %get3A_254 = arith.index_cast %scan3A_231 : i32 to index
        %get3A_255 = arith.constant 32 : index
        %get3A_256 = tpu.vector_load %arg9[%get3A_254, %get3A_255] {strides = array<i32>} : memref<128x128xf32, #tpu.memory_space<vmem>>, vector<1x16xf32>,
        %get3A_257 = vector.shape_cast %get3A_256 : vector<1x16xf32> to vector<16xf32>
        %mul3A_258 = arith.constant 11.3137083 : f32
        %mul3A_259 = vector.broadcast %mul3A_258 : f32 to vector<16xf32>
        %mul3A_260 = arith.mulf %get3A_257, %mul3A_259 : vector<16xf32>
        %swap3A_261 = arith.index_cast %scan3A_231 : i32 to index
        %swap3A_262 = arith.constant 32 : index
        %swap3A_263 = tpu.vector_load %arg9[%swap3A_261, %swap3A_262] {strides = array<i32>} : memref<128x128xf32, #tpu.memory_space<vmem>>, vector<1x16xf32>,
        %swap3A_264 = vector.shape_cast %swap3A_263 : vector<1x16xf32> to vector<16xf32>
        %swap3A_265 = vector.shape_cast %mul3A_260 : vector<16xf32> to vector<1x16xf32>
        tpu.vector_store %arg9[%swap3A_261, %swap3A_262], %swap3A_265 {strides = array<i32>} : memref<128x128xf32, #tpu.memory_space<vmem>>, vector<1x16xf32>,
        %get3A_266 = arith.index_cast %scan3A_231 : i32 to index
        %get3A_267 = arith.constant 48 : index
        %get3A_268 = tpu.vector_load %arg9[%get3A_266, %get3A_267] {strides = array<i32>} : memref<128x128xf32, #tpu.memory_space<vmem>>, vector<1x16xf32>,
        %get3A_269 = vector.shape_cast %get3A_268 : vector<1x16xf32> to vector<16xf32>
        %mul3A_270 = arith.constant 11.3137083 : f32
        %mul3A_271 = vector.broadcast %mul3A_270 : f32 to vector<16xf32>
        %mul3A_272 = arith.mulf %get3A_269, %mul3A_271 : vector<16xf32>
        %swap3A_273 = arith.index_cast %scan3A_231 : i32 to index
        %swap3A_274 = arith.constant 48 : index
        %swap3A_275 = tpu.vector_load %arg9[%swap3A_273, %swap3A_274] {strides = array<i32>} : memref<128x128xf32, #tpu.memory_space<vmem>>, vector<1x16xf32>,
        %swap3A_276 = vector.shape_cast %swap3A_275 : vector<1x16xf32> to vector<16xf32>
        %swap3A_277 = vector.shape_cast %mul3A_272 : vector<16xf32> to vector<1x16xf32>
        tpu.vector_store %arg9[%swap3A_273, %swap3A_274], %swap3A_277 {strides = array<i32>} : memref<128x128xf32, #tpu.memory_space<vmem>>, vector<1x16xf32>,
        %get3A_278 = arith.index_cast %scan3A_231 : i32 to index
        %get3A_279 = arith.constant 64 : index
        %get3A_280 = tpu.vector_load %arg9[%get3A_278, %get3A_279] {strides = array<i32>} : memref<128x128xf32, #tpu.memory_space<vmem>>, vector<1x16xf32>,
        %get3A_281 = vector.shape_cast %get3A_280 : vector<1x16xf32> to vector<16xf32>
        %mul3A_282 = arith.constant 11.3137083 : f32
        %mul3A_283 = vector.broadcast %mul3A_282 : f32 to vector<16xf32>
        %mul3A_284 = arith.mulf %get3A_281, %mul3A_283 : vector<16xf32>
        %swap3A_285 = arith.index_cast %scan3A_231 : i32 to index
        %swap3A_286 = arith.constant 64 : index
        %swap3A_287 = tpu.vector_load %arg9[%swap3A_285, %swap3A_286] {strides = array<i32>} : memref<128x128xf32, #tpu.memory_space<vmem>>, vector<1x16xf32>,
        %swap3A_288 = vector.shape_cast %swap3A_287 : vector<1x16xf32> to vector<16xf32>
        %swap3A_289 = vector.shape_cast %mul3A_284 : vector<16xf32> to vector<1x16xf32>
        tpu.vector_store %arg9[%swap3A_285, %swap3A_286], %swap3A_289 {strides = array<i32>} : memref<128x128xf32, #tpu.memory_space<vmem>>, vector<1x16xf32>,
        %get3A_290 = arith.index_cast %scan3A_231 : i32 to index
        %get3A_291 = arith.constant 80 : index
        %get3A_292 = tpu.vector_load %arg9[%get3A_290, %get3A_291] {strides = array<i32>} : memref<128x128xf32, #tpu.memory_space<vmem>>, vector<1x16xf32>,
        %get3A_293 = vector.shape_cast %get3A_292 : vector<1x16xf32> to vector<16xf32>
        %mul3A_294 = arith.constant 11.3137083 : f32
        %mul3A_295 = vector.broadcast %mul3A_294 : f32 to vector<16xf32>
        %mul3A_296 = arith.mulf %get3A_293, %mul3A_295 : vector<16xf32>
        %swap3A_297 = arith.index_cast %scan3A_231 : i32 to index
        %swap3A_298 = arith.constant 80 : index
        %swap3A_299 = tpu.vector_load %arg9[%swap3A_297, %swap3A_298] {strides = array<i32>} : memref<128x128xf32, #tpu.memory_space<vmem>>, vector<1x16xf32>,
        %swap3A_300 = vector.shape_cast %swap3A_299 : vector<1x16xf32> to vector<16xf32>
        %swap3A_301 = vector.shape_cast %mul3A_296 : vector<16xf32> to vector<1x16xf32>
        tpu.vector_store %arg9[%swap3A_297, %swap3A_298], %swap3A_301 {strides = array<i32>} : memref<128x128xf32, #tpu.memory_space<vmem>>, vector<1x16xf32>,
        %get3A_302 = arith.index_cast %scan3A_231 : i32 to index
        %get3A_303 = arith.constant 96 : index
        %get3A_304 = tpu.vector_load %arg9[%get3A_302, %get3A_303] {strides = array<i32>} : memref<128x128xf32, #tpu.memory_space<vmem>>, vector<1x16xf32>,
        %get3A_305 = vector.shape_cast %get3A_304 : vector<1x16xf32> to vector<16xf32>
        %mul3A_306 = arith.constant 11.3137083 : f32
        %mul3A_307 = vector.broadcast %mul3A_306 : f32 to vector<16xf32>
        %mul3A_308 = arith.mulf %get3A_305, %mul3A_307 : vector<16xf32>
        %swap3A_309 = arith.index_cast %scan3A_231 : i32 to index
        %swap3A_310 = arith.constant 96 : index
        %swap3A_311 = tpu.vector_load %arg9[%swap3A_309, %swap3A_310] {strides = array<i32>} : memref<128x128xf32, #tpu.memory_space<vmem>>, vector<1x16xf32>,
        %swap3A_312 = vector.shape_cast %swap3A_311 : vector<1x16xf32> to vector<16xf32>
        %swap3A_313 = vector.shape_cast %mul3A_308 : vector<16xf32> to vector<1x16xf32>
        tpu.vector_store %arg9[%swap3A_309, %swap3A_310], %swap3A_313 {strides = array<i32>} : memref<128x128xf32, #tpu.memory_space<vmem>>, vector<1x16xf32>,
        %get3A_314 = arith.index_cast %scan3A_231 : i32 to index
        %get3A_315 = arith.constant 112 : index
        %get3A_316 = tpu.vector_load %arg9[%get3A_314, %get3A_315] {strides = array<i32>} : memref<128x128xf32, #tpu.memory_space<vmem>>, vector<1x16xf32>,
        %get3A_317 = vector.shape_cast %get3A_316 : vector<1x16xf32> to vector<16xf32>
        %mul3A_318 = arith.constant 11.3137083 : f32
        %mul3A_319 = vector.broadcast %mul3A_318 : f32 to vector<16xf32>
        %mul3A_320 = arith.mulf %get3A_317, %mul3A_319 : vector<16xf32>
        %swap3A_321 = arith.index_cast %scan3A_231 : i32 to index
        %swap3A_322 = arith.constant 112 : index
        %swap3A_323 = tpu.vector_load %arg9[%swap3A_321, %swap3A_322] {strides = array<i32>} : memref<128x128xf32, #tpu.memory_space<vmem>>, vector<1x16xf32>,
        %swap3A_324 = vector.shape_cast %swap3A_323 : vector<1x16xf32> to vector<16xf32>
        %swap3A_325 = vector.shape_cast %mul3A_320 : vector<16xf32> to vector<1x16xf32>
        tpu.vector_store %arg9[%swap3A_321, %swap3A_322], %swap3A_325 {strides = array<i32>} : memref<128x128xf32, #tpu.memory_space<vmem>>, vector<1x16xf32>,
        %scan3A_326 = arith.constant 1 : i32
        %scan3A_327 = arith.addi %scan3A_231, %scan3A_326 : i32
        %get3A_328 = arith.index_cast %scan3A_327 : i32 to index
        %get3A_329 = arith.constant 0 : index
        %get3A_330 = tpu.vector_load %arg9[%get3A_328, %get3A_329] {strides = array<i32>} : memref<128x128xf32, #tpu.memory_space<vmem>>, vector<1x16xf32>,
        %get3A_331 = vector.shape_cast %get3A_330 : vector<1x16xf32> to vector<16xf32>
        %mul3A_332 = arith.constant 11.3137083 : f32
        %mul3A_333 = vector.broadcast %mul3A_332 : f32 to vector<16xf32>
        %mul3A_334 = arith.mulf %get3A_331, %mul3A_333 : vector<16xf32>
        %swap3A_335 = arith.index_cast %scan3A_327 : i32 to index
        %swap3A_336 = arith.constant 0 : index
        %swap3A_337 = tpu.vector_load %arg9[%swap3A_335, %swap3A_336] {strides = array<i32>} : memref<128x128xf32, #tpu.memory_space<vmem>>, vector<1x16xf32>,
        %swap3A_338 = vector.shape_cast %swap3A_337 : vector<1x16xf32> to vector<16xf32>
        %swap3A_339 = vector.shape_cast %mul3A_334 : vector<16xf32> to vector<1x16xf32>
        tpu.vector_store %arg9[%swap3A_335, %swap3A_336], %swap3A_339 {strides = array<i32>} : memref<128x128xf32, #tpu.memory_space<vmem>>, vector<1x16xf32>,
        %get3A_340 = arith.index_cast %scan3A_327 : i32 to index
        %get3A_341 = arith.constant 16 : index
        %get3A_342 = tpu.vector_load %arg9[%get3A_340, %get3A_341] {strides = array<i32>} : memref<128x128xf32, #tpu.memory_space<vmem>>, vector<1x16xf32>,
        %get3A_343 = vector.shape_cast %get3A_342 : vector<1x16xf32> to vector<16xf32>
        %mul3A_344 = arith.constant 11.3137083 : f32
        %mul3A_345 = vector.broadcast %mul3A_344 : f32 to vector<16xf32>
        %mul3A_346 = arith.mulf %get3A_343, %mul3A_345 : vector<16xf32>
        %swap3A_347 = arith.index_cast %scan3A_327 : i32 to index
        %swap3A_348 = arith.constant 16 : index
        %swap3A_349 = tpu.vector_load %arg9[%swap3A_347, %swap3A_348] {strides = array<i32>} : memref<128x128xf32, #tpu.memory_space<vmem>>, vector<1x16xf32>,
        %swap3A_350 = vector.shape_cast %swap3A_349 : vector<1x16xf32> to vector<16xf32>
        %swap3A_351 = vector.shape_cast %mul3A_346 : vector<16xf32> to vector<1x16xf32>
        tpu.vector_store %arg9[%swap3A_347, %swap3A_348], %swap3A_351 {strides = array<i32>} : memref<128x128xf32, #tpu.memory_space<vmem>>, vector<1x16xf32>,
        %get3A_352 = arith.index_cast %scan3A_327 : i32 to index
        %get3A_353 = arith.constant 32 : index
        %get3A_354 = tpu.vector_load %arg9[%get3A_352, %get3A_353] {strides = array<i32>} : memref<128x128xf32, #tpu.memory_space<vmem>>, vector<1x16xf32>,
        %get3A_355 = vector.shape_cast %get3A_354 : vector<1x16xf32> to vector<16xf32>
        %mul3A_356 = arith.constant 11.3137083 : f32
        %mul3A_357 = vector.broadcast %mul3A_356 : f32 to vector<16xf32>
        %mul3A_358 = arith.mulf %get3A_355, %mul3A_357 : vector<16xf32>
        %swap3A_359 = arith.index_cast %scan3A_327 : i32 to index
        %swap3A_360 = arith.constant 32 : index
        %swap3A_361 = tpu.vector_load %arg9[%swap3A_359, %swap3A_360] {strides = array<i32>} : memref<128x128xf32, #tpu.memory_space<vmem>>, vector<1x16xf32>,
        %swap3A_362 = vector.shape_cast %swap3A_361 : vector<1x16xf32> to vector<16xf32>
        %swap3A_363 = vector.shape_cast %mul3A_358 : vector<16xf32> to vector<1x16xf32>
        tpu.vector_store %arg9[%swap3A_359, %swap3A_360], %swap3A_363 {strides = array<i32>} : memref<128x128xf32, #tpu.memory_space<vmem>>, vector<1x16xf32>,
        %get3A_364 = arith.index_cast %scan3A_327 : i32 to index
        %get3A_365 = arith.constant 48 : index
        %get3A_366 = tpu.vector_load %arg9[%get3A_364, %get3A_365] {strides = array<i32>} : memref<128x128xf32, #tpu.memory_space<vmem>>, vector<1x16xf32>,
        %get3A_367 = vector.shape_cast %get3A_366 : vector<1x16xf32> to vector<16xf32>
        %mul3A_368 = arith.constant 11.3137083 : f32
        %mul3A_369 = vector.broadcast %mul3A_368 : f32 to vector<16xf32>
        %mul3A_370 = arith.mulf %get3A_367, %mul3A_369 : vector<16xf32>
        %swap3A_371 = arith.index_cast %scan3A_327 : i32 to index
        %swap3A_372 = arith.constant 48 : index
        %swap3A_373 = tpu.vector_load %arg9[%swap3A_371, %swap3A_372] {strides = array<i32>} : memref<128x128xf32, #tpu.memory_space<vmem>>, vector<1x16xf32>,
        %swap3A_374 = vector.shape_cast %swap3A_373 : vector<1x16xf32> to vector<16xf32>
        %swap3A_375 = vector.shape_cast %mul3A_370 : vector<16xf32> to vector<1x16xf32>
        tpu.vector_store %arg9[%swap3A_371, %swap3A_372], %swap3A_375 {strides = array<i32>} : memref<128x128xf32, #tpu.memory_space<vmem>>, vector<1x16xf32>,
        %get3A_376 = arith.index_cast %scan3A_327 : i32 to index
        %get3A_377 = arith.constant 64 : index
        %get3A_378 = tpu.vector_load %arg9[%get3A_376, %get3A_377] {strides = array<i32>} : memref<128x128xf32, #tpu.memory_space<vmem>>, vector<1x16xf32>,
        %get3A_379 = vector.shape_cast %get3A_378 : vector<1x16xf32> to vector<16xf32>
        %mul3A_380 = arith.constant 11.3137083 : f32
        %mul3A_381 = vector.broadcast %mul3A_380 : f32 to vector<16xf32>
        %mul3A_382 = arith.mulf %get3A_379, %mul3A_381 : vector<16xf32>
        %swap3A_383 = arith.index_cast %scan3A_327 : i32 to index
        %swap3A_384 = arith.constant 64 : index
        %swap3A_385 = tpu.vector_load %arg9[%swap3A_383, %swap3A_384] {strides = array<i32>} : memref<128x128xf32, #tpu.memory_space<vmem>>, vector<1x16xf32>,
        %swap3A_386 = vector.shape_cast %swap3A_385 : vector<1x16xf32> to vector<16xf32>
        %swap3A_387 = vector.shape_cast %mul3A_382 : vector<16xf32> to vector<1x16xf32>
        tpu.vector_store %arg9[%swap3A_383, %swap3A_384], %swap3A_387 {strides = array<i32>} : memref<128x128xf32, #tpu.memory_space<vmem>>, vector<1x16xf32>,
        %get3A_388 = arith.index_cast %scan3A_327 : i32 to index
        %get3A_389 = arith.constant 80 : index
        %get3A_390 = tpu.vector_load %arg9[%get3A_388, %get3A_389] {strides = array<i32>} : memref<128x128xf32, #tpu.memory_space<vmem>>, vector<1x16xf32>,
        %get3A_391 = vector.shape_cast %get3A_390 : vector<1x16xf32> to vector<16xf32>
        %mul3A_392 = arith.constant 11.3137083 : f32
        %mul3A_393 = vector.broadcast %mul3A_392 : f32 to vector<16xf32>
        %mul3A_394 = arith.mulf %get3A_391, %mul3A_393 : vector<16xf32>
        %swap3A_395 = arith.index_cast %scan3A_327 : i32 to index
        %swap3A_396 = arith.constant 80 : index
        %swap3A_397 = tpu.vector_load %arg9[%swap3A_395, %swap3A_396] {strides = array<i32>} : memref<128x128xf32, #tpu.memory_space<vmem>>, vector<1x16xf32>,
        %swap3A_398 = vector.shape_cast %swap3A_397 : vector<1x16xf32> to vector<16xf32>
        %swap3A_399 = vector.shape_cast %mul3A_394 : vector<16xf32> to vector<1x16xf32>
        tpu.vector_store %arg9[%swap3A_395, %swap3A_396], %swap3A_399 {strides = array<i32>} : memref<128x128xf32, #tpu.memory_space<vmem>>, vector<1x16xf32>,
        %get3A_400 = arith.index_cast %scan3A_327 : i32 to index
        %get3A_401 = arith.constant 96 : index
        %get3A_402 = tpu.vector_load %arg9[%get3A_400, %get3A_401] {strides = array<i32>} : memref<128x128xf32, #tpu.memory_space<vmem>>, vector<1x16xf32>,
        %get3A_403 = vector.shape_cast %get3A_402 : vector<1x16xf32> to vector<16xf32>
        %mul3A_404 = arith.constant 11.3137083 : f32
        %mul3A_405 = vector.broadcast %mul3A_404 : f32 to vector<16xf32>
        %mul3A_406 = arith.mulf %get3A_403, %mul3A_405 : vector<16xf32>
        %swap3A_407 = arith.index_cast %scan3A_327 : i32 to index
        %swap3A_408 = arith.constant 96 : index
        %swap3A_409 = tpu.vector_load %arg9[%swap3A_407, %swap3A_408] {strides = array<i32>} : memref<128x128xf32, #tpu.memory_space<vmem>>, vector<1x16xf32>,
        %swap3A_410 = vector.shape_cast %swap3A_409 : vector<1x16xf32> to vector<16xf32>
        %swap3A_411 = vector.shape_cast %mul3A_406 : vector<16xf32> to vector<1x16xf32>
        tpu.vector_store %arg9[%swap3A_407, %swap3A_408], %swap3A_411 {strides = array<i32>} : memref<128x128xf32, #tpu.memory_space<vmem>>, vector<1x16xf32>,
        %get3A_412 = arith.index_cast %scan3A_327 : i32 to index
        %get3A_413 = arith.constant 112 : index
        %get3A_414 = tpu.vector_load %arg9[%get3A_412, %get3A_413] {strides = array<i32>} : memref<128x128xf32, #tpu.memory_space<vmem>>, vector<1x16xf32>,
        %get3A_415 = vector.shape_cast %get3A_414 : vector<1x16xf32> to vector<16xf32>
        %mul3A_416 = arith.constant 11.3137083 : f32
        %mul3A_417 = vector.broadcast %mul3A_416 : f32 to vector<16xf32>
        %mul3A_418 = arith.mulf %get3A_415, %mul3A_417 : vector<16xf32>
        %swap3A_419 = arith.index_cast %scan3A_327 : i32 to index
        %swap3A_420 = arith.constant 112 : index
        %swap3A_421 = tpu.vector_load %arg9[%swap3A_419, %swap3A_420] {strides = array<i32>} : memref<128x128xf32, #tpu.memory_space<vmem>>, vector<1x16xf32>,
        %swap3A_422 = vector.shape_cast %swap3A_421 : vector<1x16xf32> to vector<16xf32>
        %swap3A_423 = vector.shape_cast %mul3A_418 : vector<16xf32> to vector<1x16xf32>
        tpu.vector_store %arg9[%swap3A_419, %swap3A_420], %swap3A_423 {strides = array<i32>} : memref<128x128xf32, #tpu.memory_space<vmem>>, vector<1x16xf32>,
        %scan3A_424 = arith.constant 2 : i32
        %scan3A_425 = arith.addi %scan3A_231, %scan3A_424 : i32
        %get3A_426 = arith.index_cast %scan3A_425 : i32 to index
        %get3A_427 = arith.constant 0 : index
        %get3A_428 = tpu.vector_load %arg9[%get3A_426, %get3A_427] {strides = array<i32>} : memref<128x128xf32, #tpu.memory_space<vmem>>, vector<1x16xf32>,
        %get3A_429 = vector.shape_cast %get3A_428 : vector<1x16xf32> to vector<16xf32>
        %mul3A_430 = arith.constant 11.3137083 : f32
        %mul3A_431 = vector.broadcast %mul3A_430 : f32 to vector<16xf32>
        %mul3A_432 = arith.mulf %get3A_429, %mul3A_431 : vector<16xf32>
        %swap3A_433 = arith.index_cast %scan3A_425 : i32 to index
        %swap3A_434 = arith.constant 0 : index
        %swap3A_435 = tpu.vector_load %arg9[%swap3A_433, %swap3A_434] {strides = array<i32>} : memref<128x128xf32, #tpu.memory_space<vmem>>, vector<1x16xf32>,
        %swap3A_436 = vector.shape_cast %swap3A_435 : vector<1x16xf32> to vector<16xf32>
        %swap3A_437 = vector.shape_cast %mul3A_432 : vector<16xf32> to vector<1x16xf32>
        tpu.vector_store %arg9[%swap3A_433, %swap3A_434], %swap3A_437 {strides = array<i32>} : memref<128x128xf32, #tpu.memory_space<vmem>>, vector<1x16xf32>,
        %get3A_438 = arith.index_cast %scan3A_425 : i32 to index
        %get3A_439 = arith.constant 16 : index
        %get3A_440 = tpu.vector_load %arg9[%get3A_438, %get3A_439] {strides = array<i32>} : memref<128x128xf32, #tpu.memory_space<vmem>>, vector<1x16xf32>,
        %get3A_441 = vector.shape_cast %get3A_440 : vector<1x16xf32> to vector<16xf32>
        %mul3A_442 = arith.constant 11.3137083 : f32
        %mul3A_443 = vector.broadcast %mul3A_442 : f32 to vector<16xf32>
        %mul3A_444 = arith.mulf %get3A_441, %mul3A_443 : vector<16xf32>
        %swap3A_445 = arith.index_cast %scan3A_425 : i32 to index
        %swap3A_446 = arith.constant 16 : index
        %swap3A_447 = tpu.vector_load %arg9[%swap3A_445, %swap3A_446] {strides = array<i32>} : memref<128x128xf32, #tpu.memory_space<vmem>>, vector<1x16xf32>,
        %swap3A_448 = vector.shape_cast %swap3A_447 : vector<1x16xf32> to vector<16xf32>
        %swap3A_449 = vector.shape_cast %mul3A_444 : vector<16xf32> to vector<1x16xf32>
        tpu.vector_store %arg9[%swap3A_445, %swap3A_446], %swap3A_449 {strides = array<i32>} : memref<128x128xf32, #tpu.memory_space<vmem>>, vector<1x16xf32>,
        %get3A_450 = arith.index_cast %scan3A_425 : i32 to index
        %get3A_451 = arith.constant 32 : index
        %get3A_452 = tpu.vector_load %arg9[%get3A_450, %get3A_451] {strides = array<i32>} : memref<128x128xf32, #tpu.memory_space<vmem>>, vector<1x16xf32>,
        %get3A_453 = vector.shape_cast %get3A_452 : vector<1x16xf32> to vector<16xf32>
        %mul3A_454 = arith.constant 11.3137083 : f32
        %mul3A_455 = vector.broadcast %mul3A_454 : f32 to vector<16xf32>
        %mul3A_456 = arith.mulf %get3A_453, %mul3A_455 : vector<16xf32>
        %swap3A_457 = arith.index_cast %scan3A_425 : i32 to index
        %swap3A_458 = arith.constant 32 : index
        %swap3A_459 = tpu.vector_load %arg9[%swap3A_457, %swap3A_458] {strides = array<i32>} : memref<128x128xf32, #tpu.memory_space<vmem>>, vector<1x16xf32>,
        %swap3A_460 = vector.shape_cast %swap3A_459 : vector<1x16xf32> to vector<16xf32>
        %swap3A_461 = vector.shape_cast %mul3A_456 : vector<16xf32> to vector<1x16xf32>
        tpu.vector_store %arg9[%swap3A_457, %swap3A_458], %swap3A_461 {strides = array<i32>} : memref<128x128xf32, #tpu.memory_space<vmem>>, vector<1x16xf32>,
        %get3A_462 = arith.index_cast %scan3A_425 : i32 to index
        %get3A_463 = arith.constant 48 : index
        %get3A_464 = tpu.vector_load %arg9[%get3A_462, %get3A_463] {strides = array<i32>} : memref<128x128xf32, #tpu.memory_space<vmem>>, vector<1x16xf32>,
        %get3A_465 = vector.shape_cast %get3A_464 : vector<1x16xf32> to vector<16xf32>
        %mul3A_466 = arith.constant 11.3137083 : f32
        %mul3A_467 = vector.broadcast %mul3A_466 : f32 to vector<16xf32>
        %mul3A_468 = arith.mulf %get3A_465, %mul3A_467 : vector<16xf32>
        %swap3A_469 = arith.index_cast %scan3A_425 : i32 to index
        %swap3A_470 = arith.constant 48 : index
        %swap3A_471 = tpu.vector_load %arg9[%swap3A_469, %swap3A_470] {strides = array<i32>} : memref<128x128xf32, #tpu.memory_space<vmem>>, vector<1x16xf32>,
        %swap3A_472 = vector.shape_cast %swap3A_471 : vector<1x16xf32> to vector<16xf32>
        %swap3A_473 = vector.shape_cast %mul3A_468 : vector<16xf32> to vector<1x16xf32>
        tpu.vector_store %arg9[%swap3A_469, %swap3A_470], %swap3A_473 {strides = array<i32>} : memref<128x128xf32, #tpu.memory_space<vmem>>, vector<1x16xf32>,
        %get3A_474 = arith.index_cast %scan3A_425 : i32 to index
        %get3A_475 = arith.constant 64 : index
        %get3A_476 = tpu.vector_load %arg9[%get3A_474, %get3A_475] {strides = array<i32>} : memref<128x128xf32, #tpu.memory_space<vmem>>, vector<1x16xf32>,
        %get3A_477 = vector.shape_cast %get3A_476 : vector<1x16xf32> to vector<16xf32>
        %mul3A_478 = arith.constant 11.3137083 : f32
        %mul3A_479 = vector.broadcast %mul3A_478 : f32 to vector<16xf32>
        %mul3A_480 = arith.mulf %get3A_477, %mul3A_479 : vector<16xf32>
        %swap3A_481 = arith.index_cast %scan3A_425 : i32 to index
        %swap3A_482 = arith.constant 64 : index
        %swap3A_483 = tpu.vector_load %arg9[%swap3A_481, %swap3A_482] {strides = array<i32>} : memref<128x128xf32, #tpu.memory_space<vmem>>, vector<1x16xf32>,
        %swap3A_484 = vector.shape_cast %swap3A_483 : vector<1x16xf32> to vector<16xf32>
        %swap3A_485 = vector.shape_cast %mul3A_480 : vector<16xf32> to vector<1x16xf32>
        tpu.vector_store %arg9[%swap3A_481, %swap3A_482], %swap3A_485 {strides = array<i32>} : memref<128x128xf32, #tpu.memory_space<vmem>>, vector<1x16xf32>,
        %get3A_486 = arith.index_cast %scan3A_425 : i32 to index
        %get3A_487 = arith.constant 80 : index
        %get3A_488 = tpu.vector_load %arg9[%get3A_486, %get3A_487] {strides = array<i32>} : memref<128x128xf32, #tpu.memory_space<vmem>>, vector<1x16xf32>,
        %get3A_489 = vector.shape_cast %get3A_488 : vector<1x16xf32> to vector<16xf32>
        %mul3A_490 = arith.constant 11.3137083 : f32
        %mul3A_491 = vector.broadcast %mul3A_490 : f32 to vector<16xf32>
        %mul3A_492 = arith.mulf %get3A_489, %mul3A_491 : vector<16xf32>
        %swap3A_493 = arith.index_cast %scan3A_425 : i32 to index
        %swap3A_494 = arith.constant 80 : index
        %swap3A_495 = tpu.vector_load %arg9[%swap3A_493, %swap3A_494] {strides = array<i32>} : memref<128x128xf32, #tpu.memory_space<vmem>>, vector<1x16xf32>,
        %swap3A_496 = vector.shape_cast %swap3A_495 : vector<1x16xf32> to vector<16xf32>
        %swap3A_497 = vector.shape_cast %mul3A_492 : vector<16xf32> to vector<1x16xf32>
        tpu.vector_store %arg9[%swap3A_493, %swap3A_494], %swap3A_497 {strides = array<i32>} : memref<128x128xf32, #tpu.memory_space<vmem>>, vector<1x16xf32>,
        %get3A_498 = arith.index_cast %scan3A_425 : i32 to index
        %get3A_499 = arith.constant 96 : index
        %get3A_500 = tpu.vector_load %arg9[%get3A_498, %get3A_499] {strides = array<i32>} : memref<128x128xf32, #tpu.memory_space<vmem>>, vector<1x16xf32>,
        %get3A_501 = vector.shape_cast %get3A_500 : vector<1x16xf32> to vector<16xf32>
        %mul3A_502 = arith.constant 11.3137083 : f32
        %mul3A_503 = vector.broadcast %mul3A_502 : f32 to vector<16xf32>
        %mul3A_504 = arith.mulf %get3A_501, %mul3A_503 : vector<16xf32>
        %swap3A_505 = arith.index_cast %scan3A_425 : i32 to index
        %swap3A_506 = arith.constant 96 : index
        %swap3A_507 = tpu.vector_load %arg9[%swap3A_505, %swap3A_506] {strides = array<i32>} : memref<128x128xf32, #tpu.memory_space<vmem>>, vector<1x16xf32>,
        %swap3A_508 = vector.shape_cast %swap3A_507 : vector<1x16xf32> to vector<16xf32>
        %swap3A_509 = vector.shape_cast %mul3A_504 : vector<16xf32> to vector<1x16xf32>
        tpu.vector_store %arg9[%swap3A_505, %swap3A_506], %swap3A_509 {strides = array<i32>} : memref<128x128xf32, #tpu.memory_space<vmem>>, vector<1x16xf32>,
        %get3A_510 = arith.index_cast %scan3A_425 : i32 to index
        %get3A_511 = arith.constant 112 : index
        %get3A_512 = tpu.vector_load %arg9[%get3A_510, %get3A_511] {strides = array<i32>} : memref<128x128xf32, #tpu.memory_space<vmem>>, vector<1x16xf32>,
        %get3A_513 = vector.shape_cast %get3A_512 : vector<1x16xf32> to vector<16xf32>
        %mul3A_514 = arith.constant 11.3137083 : f32
        %mul3A_515 = vector.broadcast %mul3A_514 : f32 to vector<16xf32>
        %mul3A_516 = arith.mulf %get3A_513, %mul3A_515 : vector<16xf32>
        %swap3A_517 = arith.index_cast %scan3A_425 : i32 to index
        %swap3A_518 = arith.constant 112 : index
        %swap3A_519 = tpu.vector_load %arg9[%swap3A_517, %swap3A_518] {strides = array<i32>} : memref<128x128xf32, #tpu.memory_space<vmem>>, vector<1x16xf32>,
        %swap3A_520 = vector.shape_cast %swap3A_519 : vector<1x16xf32> to vector<16xf32>
        %swap3A_521 = vector.shape_cast %mul3A_516 : vector<16xf32> to vector<1x16xf32>
        tpu.vector_store %arg9[%swap3A_517, %swap3A_518], %swap3A_521 {strides = array<i32>} : memref<128x128xf32, #tpu.memory_space<vmem>>, vector<1x16xf32>,
        %scan3A_522 = arith.constant 3 : i32
        %scan3A_523 = arith.addi %scan3A_231, %scan3A_522 : i32
        %get3A_524 = arith.index_cast %scan3A_523 : i32 to index
        %get3A_525 = arith.constant 0 : index
        %get3A_526 = tpu.vector_load %arg9[%get3A_524, %get3A_525] {strides = array<i32>} : memref<128x128xf32, #tpu.memory_space<vmem>>, vector<1x16xf32>,
        %get3A_527 = vector.shape_cast %get3A_526 : vector<1x16xf32> to vector<16xf32>
        %mul3A_528 = arith.constant 11.3137083 : f32
        %mul3A_529 = vector.broadcast %mul3A_528 : f32 to vector<16xf32>
        %mul3A_530 = arith.mulf %get3A_527, %mul3A_529 : vector<16xf32>
        %swap3A_531 = arith.index_cast %scan3A_523 : i32 to index
        %swap3A_532 = arith.constant 0 : index
        %swap3A_533 = tpu.vector_load %arg9[%swap3A_531, %swap3A_532] {strides = array<i32>} : memref<128x128xf32, #tpu.memory_space<vmem>>, vector<1x16xf32>,
        %swap3A_534 = vector.shape_cast %swap3A_533 : vector<1x16xf32> to vector<16xf32>
        %swap3A_535 = vector.shape_cast %mul3A_530 : vector<16xf32> to vector<1x16xf32>
        tpu.vector_store %arg9[%swap3A_531, %swap3A_532], %swap3A_535 {strides = array<i32>} : memref<128x128xf32, #tpu.memory_space<vmem>>, vector<1x16xf32>,
        %get3A_536 = arith.index_cast %scan3A_523 : i32 to index
        %get3A_537 = arith.constant 16 : index
        %get3A_538 = tpu.vector_load %arg9[%get3A_536, %get3A_537] {strides = array<i32>} : memref<128x128xf32, #tpu.memory_space<vmem>>, vector<1x16xf32>,
        %get3A_539 = vector.shape_cast %get3A_538 : vector<1x16xf32> to vector<16xf32>
        %mul3A_540 = arith.constant 11.3137083 : f32
        %mul3A_541 = vector.broadcast %mul3A_540 : f32 to vector<16xf32>
        %mul3A_542 = arith.mulf %get3A_539, %mul3A_541 : vector<16xf32>
        %swap3A_543 = arith.index_cast %scan3A_523 : i32 to index
        %swap3A_544 = arith.constant 16 : index
        %swap3A_545 = tpu.vector_load %arg9[%swap3A_543, %swap3A_544] {strides = array<i32>} : memref<128x128xf32, #tpu.memory_space<vmem>>, vector<1x16xf32>,
        %swap3A_546 = vector.shape_cast %swap3A_545 : vector<1x16xf32> to vector<16xf32>
        %swap3A_547 = vector.shape_cast %mul3A_542 : vector<16xf32> to vector<1x16xf32>
        tpu.vector_store %arg9[%swap3A_543, %swap3A_544], %swap3A_547 {strides = array<i32>} : memref<128x128xf32, #tpu.memory_space<vmem>>, vector<1x16xf32>,
        %get3A_548 = arith.index_cast %scan3A_523 : i32 to index
        %get3A_549 = arith.constant 32 : index
        %get3A_550 = tpu.vector_load %arg9[%get3A_548, %get3A_549] {strides = array<i32>} : memref<128x128xf32, #tpu.memory_space<vmem>>, vector<1x16xf32>,
        %get3A_551 = vector.shape_cast %get3A_550 : vector<1x16xf32> to vector<16xf32>
        %mul3A_552 = arith.constant 11.3137083 : f32
        %mul3A_553 = vector.broadcast %mul3A_552 : f32 to vector<16xf32>
        %mul3A_554 = arith.mulf %get3A_551, %mul3A_553 : vector<16xf32>
        %swap3A_555 = arith.index_cast %scan3A_523 : i32 to index
        %swap3A_556 = arith.constant 32 : index
        %swap3A_557 = tpu.vector_load %arg9[%swap3A_555, %swap3A_556] {strides = array<i32>} : memref<128x128xf32, #tpu.memory_space<vmem>>, vector<1x16xf32>,
        %swap3A_558 = vector.shape_cast %swap3A_557 : vector<1x16xf32> to vector<16xf32>
        %swap3A_559 = vector.shape_cast %mul3A_554 : vector<16xf32> to vector<1x16xf32>
        tpu.vector_store %arg9[%swap3A_555, %swap3A_556], %swap3A_559 {strides = array<i32>} : memref<128x128xf32, #tpu.memory_space<vmem>>, vector<1x16xf32>,
        %get3A_560 = arith.index_cast %scan3A_523 : i32 to index
        %get3A_561 = arith.constant 48 : index
        %get3A_562 = tpu.vector_load %arg9[%get3A_560, %get3A_561] {strides = array<i32>} : memref<128x128xf32, #tpu.memory_space<vmem>>, vector<1x16xf32>,
        %get3A_563 = vector.shape_cast %get3A_562 : vector<1x16xf32> to vector<16xf32>
        %mul3A_564 = arith.constant 11.3137083 : f32
        %mul3A_565 = vector.broadcast %mul3A_564 : f32 to vector<16xf32>
        %mul3A_566 = arith.mulf %get3A_563, %mul3A_565 : vector<16xf32>
        %swap3A_567 = arith.index_cast %scan3A_523 : i32 to index
        %swap3A_568 = arith.constant 48 : index
        %swap3A_569 = tpu.vector_load %arg9[%swap3A_567, %swap3A_568] {strides = array<i32>} : memref<128x128xf32, #tpu.memory_space<vmem>>, vector<1x16xf32>,
        %swap3A_570 = vector.shape_cast %swap3A_569 : vector<1x16xf32> to vector<16xf32>
        %swap3A_571 = vector.shape_cast %mul3A_566 : vector<16xf32> to vector<1x16xf32>
        tpu.vector_store %arg9[%swap3A_567, %swap3A_568], %swap3A_571 {strides = array<i32>} : memref<128x128xf32, #tpu.memory_space<vmem>>, vector<1x16xf32>,
        %get3A_572 = arith.index_cast %scan3A_523 : i32 to index
        %get3A_573 = arith.constant 64 : index
        %get3A_574 = tpu.vector_load %arg9[%get3A_572, %get3A_573] {strides = array<i32>} : memref<128x128xf32, #tpu.memory_space<vmem>>, vector<1x16xf32>,
        %get3A_575 = vector.shape_cast %get3A_574 : vector<1x16xf32> to vector<16xf32>
        %mul3A_576 = arith.constant 11.3137083 : f32
        %mul3A_577 = vector.broadcast %mul3A_576 : f32 to vector<16xf32>
        %mul3A_578 = arith.mulf %get3A_575, %mul3A_577 : vector<16xf32>
        %swap3A_579 = arith.index_cast %scan3A_523 : i32 to index
        %swap3A_580 = arith.constant 64 : index
        %swap3A_581 = tpu.vector_load %arg9[%swap3A_579, %swap3A_580] {strides = array<i32>} : memref<128x128xf32, #tpu.memory_space<vmem>>, vector<1x16xf32>,
        %swap3A_582 = vector.shape_cast %swap3A_581 : vector<1x16xf32> to vector<16xf32>
        %swap3A_583 = vector.shape_cast %mul3A_578 : vector<16xf32> to vector<1x16xf32>
        tpu.vector_store %arg9[%swap3A_579, %swap3A_580], %swap3A_583 {strides = array<i32>} : memref<128x128xf32, #tpu.memory_space<vmem>>, vector<1x16xf32>,
        %get3A_584 = arith.index_cast %scan3A_523 : i32 to index
        %get3A_585 = arith.constant 80 : index
        %get3A_586 = tpu.vector_load %arg9[%get3A_584, %get3A_585] {strides = array<i32>} : memref<128x128xf32, #tpu.memory_space<vmem>>, vector<1x16xf32>,
        %get3A_587 = vector.shape_cast %get3A_586 : vector<1x16xf32> to vector<16xf32>
        %mul3A_588 = arith.constant 11.3137083 : f32
        %mul3A_589 = vector.broadcast %mul3A_588 : f32 to vector<16xf32>
        %mul3A_590 = arith.mulf %get3A_587, %mul3A_589 : vector<16xf32>
        %swap3A_591 = arith.index_cast %scan3A_523 : i32 to index
        %swap3A_592 = arith.constant 80 : index
        %swap3A_593 = tpu.vector_load %arg9[%swap3A_591, %swap3A_592] {strides = array<i32>} : memref<128x128xf32, #tpu.memory_space<vmem>>, vector<1x16xf32>,
        %swap3A_594 = vector.shape_cast %swap3A_593 : vector<1x16xf32> to vector<16xf32>
        %swap3A_595 = vector.shape_cast %mul3A_590 : vector<16xf32> to vector<1x16xf32>
        tpu.vector_store %arg9[%swap3A_591, %swap3A_592], %swap3A_595 {strides = array<i32>} : memref<128x128xf32, #tpu.memory_space<vmem>>, vector<1x16xf32>,
        %get3A_596 = arith.index_cast %scan3A_523 : i32 to index
        %get3A_597 = arith.constant 96 : index
        %get3A_598 = tpu.vector_load %arg9[%get3A_596, %get3A_597] {strides = array<i32>} : memref<128x128xf32, #tpu.memory_space<vmem>>, vector<1x16xf32>,
        %get3A_599 = vector.shape_cast %get3A_598 : vector<1x16xf32> to vector<16xf32>
        %mul3A_600 = arith.constant 11.3137083 : f32
        %mul3A_601 = vector.broadcast %mul3A_600 : f32 to vector<16xf32>
        %mul3A_602 = arith.mulf %get3A_599, %mul3A_601 : vector<16xf32>
        %swap3A_603 = arith.index_cast %scan3A_523 : i32 to index
        %swap3A_604 = arith.constant 96 : index
        %swap3A_605 = tpu.vector_load %arg9[%swap3A_603, %swap3A_604] {strides = array<i32>} : memref<128x128xf32, #tpu.memory_space<vmem>>, vector<1x16xf32>,
        %swap3A_606 = vector.shape_cast %swap3A_605 : vector<1x16xf32> to vector<16xf32>
        %swap3A_607 = vector.shape_cast %mul3A_602 : vector<16xf32> to vector<1x16xf32>
        tpu.vector_store %arg9[%swap3A_603, %swap3A_604], %swap3A_607 {strides = array<i32>} : memref<128x128xf32, #tpu.memory_space<vmem>>, vector<1x16xf32>,
        %get3A_608 = arith.index_cast %scan3A_523 : i32 to index
        %get3A_609 = arith.constant 112 : index
        %get3A_610 = tpu.vector_load %arg9[%get3A_608, %get3A_609] {strides = array<i32>} : memref<128x128xf32, #tpu.memory_space<vmem>>, vector<1x16xf32>,
        %get3A_611 = vector.shape_cast %get3A_610 : vector<1x16xf32> to vector<16xf32>
        %mul3A_612 = arith.constant 11.3137083 : f32
        %mul3A_613 = vector.broadcast %mul3A_612 : f32 to vector<16xf32>
        %mul3A_614 = arith.mulf %get3A_611, %mul3A_613 : vector<16xf32>
        %swap3A_615 = arith.index_cast %scan3A_523 : i32 to index
        %swap3A_616 = arith.constant 112 : index
        %swap3A_617 = tpu.vector_load %arg9[%swap3A_615, %swap3A_616] {strides = array<i32>} : memref<128x128xf32, #tpu.memory_space<vmem>>, vector<1x16xf32>,
        %swap3A_618 = vector.shape_cast %swap3A_617 : vector<1x16xf32> to vector<16xf32>
        %swap3A_619 = vector.shape_cast %mul3A_614 : vector<16xf32> to vector<1x16xf32>
        tpu.vector_store %arg9[%swap3A_615, %swap3A_616], %swap3A_619 {strides = array<i32>} : memref<128x128xf32, #tpu.memory_space<vmem>>, vector<1x16xf32>,
      }
      %scan3A_168 = arith.constant 128 : i32
      %mul3A_169 = arith.constant 128 : i32
      %mul3A_170 = arith.muli %add3A_156, %mul3A_169 : i32
      %add3A_171 = arith.addi %mul3A_2, %mul3A_170 : i32
      %dma_start3A_172 = arith.constant 0 : i32
      %dma_start3A_173 = tpu.memref_slice %arg4[%add3A_171, %dma_start3A_172] : memref<204800x128xf32, #tpu.memory_space<hbm>> -> memref<128x128xf32, #tpu.memory_space<hbm>>
      %dma_start3A_174 = arith.constant 0 : i32
      %dma_start3A_175 = tpu.memref_slice %arg4[%add3A_171, %dma_start3A_174] : memref<204800x128xf32, #tpu.memory_space<hbm>> -> memref<128x128xf32, #tpu.memory_space<hbm>>
      tpu.enqueue_dma source(%arg9 : memref<128x128xf32, #tpu.memory_space<vmem>>) target(%dma_start3A_175 : memref<128x128xf32, #tpu.memory_space<hbm>>) target_semaphore(%arg19 : memref<!tpu.dma_semaphore, #tpu.memory_space<semaphore_mem>>)
      %add3A_176 = arith.constant 4 : i32
      %add3A_177 = arith.addi %add3A_156, %add3A_176 : i32
      %sub3A_178 = arith.constant 5 : i32
      %sub3A_179 = arith.subi %add3A_177, %sub3A_178 : i32
      %ge3A_180 = arith.constant 0 : i32
      %ge3A_181 = arith.cmpi sge, %sub3A_179, %ge3A_180 : i32
      %convert_element_type3A_182 = arith.extui %ge3A_181 : i1 to i32
      %cond3A_183 = arith.constant 0 : i32
      %cond3A_184 = arith.cmpi ne, %convert_element_type3A_182, %cond3A_183 : i32
      scf.if %cond3A_184 {
        %add3A_231 = arith.constant 4 : i32
        %add3A_232 = arith.addi %add3A_156, %add3A_231 : i32
        %sub3A_233 = arith.constant 5 : i32
        %sub3A_234 = arith.subi %add3A_232, %sub3A_233 : i32
        %mul3A_235 = arith.constant 128 : i32
        %mul3A_236 = arith.muli %sub3A_234, %mul3A_235 : i32
        %add3A_237 = arith.addi %mul3A_2, %mul3A_236 : i32
        %dma_wait3A_238 = arith.constant 0 : i32
        %dma_wait3A_239 = tpu.memref_slice %arg4[%add3A_237, %dma_wait3A_238] : memref<204800x128xf32, #tpu.memory_space<hbm>> -> memref<128x128xf32, #tpu.memory_space<hbm>>
        %dma_wait3A_240 = arith.constant 0 : i32
        %dma_wait3A_241 = tpu.memref_slice %arg4[%add3A_237, %dma_wait3A_240] : memref<204800x128xf32, #tpu.memory_space<hbm>> -> memref<128x128xf32, #tpu.memory_space<hbm>>
        tpu.wait_dma2 semaphore(%arg18 : memref<!tpu.dma_semaphore, #tpu.memory_space<semaphore_mem>>) src(%arg8 : memref<128x128xf32, #tpu.memory_space<vmem>>) dst(%dma_wait3A_241 : memref<128x128xf32, #tpu.memory_space<hbm>>)
      } else {
      }
      %add3A_185 = arith.constant 4 : i32
      %add3A_186 = arith.addi %add3A_156, %add3A_185 : i32
      %lt3A_187 = arith.constant 50 : i32
      %lt3A_188 = arith.cmpi slt, %add3A_186, %lt3A_187 : i32
      %convert_element_type3A_189 = arith.extui %lt3A_188 : i1 to i32
      %cond3A_190 = arith.constant 0 : i32
      %cond3A_191 = arith.cmpi ne, %convert_element_type3A_189, %cond3A_190 : i32
      scf.if %cond3A_191 {
        %add3A_231 = arith.constant 4 : i32
        %add3A_232 = arith.addi %add3A_156, %add3A_231 : i32
        %dma_start3A_233 = arith.constant 0 : i32
        %dma_start3A_234 = tpu.memref_slice %arg5[%add3A_232, %dma_start3A_233] : memref<50x128xi32, #tpu.memory_space<vmem>> -> memref<1x128xi32, #tpu.memory_space<vmem>>
        %dma_start3A_235 = tpu.memref_squeeze %dma_start3A_234 : memref<1x128xi32, #tpu.memory_space<vmem>> -> memref<128xi32, #tpu.memory_space<vmem>>
        %dma_start3A_236 = arith.constant 0 : i32
        %dma_start3A_237 = arith.constant 0 : i32
        %dma_start3A_238 = tpu.memref_slice %arg3[%dma_start3A_236, %dma_start3A_237] : memref<1000000x128xf32, #tpu.memory_space<hbm>> -> memref<1000000x128xf32, #tpu.memory_space<hbm>>
        tpu.enqueue_indirect_dma source(%dma_start3A_238 : memref<1000000x128xf32, #tpu.memory_space<hbm>>) target(%arg8 : memref<128x128xf32, #tpu.memory_space<vmem>>) offsets(%dma_start3A_235 : memref<128xi32, #tpu.memory_space<vmem>>) semaphore(%arg13 : memref<!tpu.dma_semaphore, #tpu.memory_space<semaphore_mem>>)
      } else {
      }
      %mul3A_192 = arith.constant 5 : i32
      %mul3A_193 = arith.muli %scan3A_40, %mul3A_192 : i32
      %add3A_194 = arith.constant 4 : i32
      %add3A_195 = arith.addi %mul3A_193, %add3A_194 : i32
      %dma_wait3A_196 = arith.constant 0 : i32
      %dma_wait3A_197 = tpu.memref_slice %arg5[%add3A_195, %dma_wait3A_196] : memref<50x128xi32, #tpu.memory_space<vmem>> -> memref<1x128xi32, #tpu.memory_space<vmem>>
      %dma_wait3A_198 = tpu.memref_squeeze %dma_wait3A_197 : memref<1x128xi32, #tpu.memory_space<vmem>> -> memref<128xi32, #tpu.memory_space<vmem>>
      %dma_wait3A_199 = arith.constant 0 : i32
      %dma_wait3A_200 = arith.constant 0 : i32
      %dma_wait3A_201 = tpu.memref_slice %arg3[%dma_wait3A_199, %dma_wait3A_200] : memref<1000000x128xf32, #tpu.memory_space<hbm>> -> memref<1000000x128xf32, #tpu.memory_space<hbm>>
      tpu.wait_indirect_dma semaphore(%arg15 : memref<!tpu.dma_semaphore, #tpu.memory_space<semaphore_mem>>) src(%dma_wait3A_201 : memref<1000000x128xf32, #tpu.memory_space<hbm>>) dst(%arg10 : memref<128x128xf32, #tpu.memory_space<vmem>>)
      %scan3A_202 = arith.constant 0 : i32
      %scan3A_203 = arith.constant 0 : i32
      %scan3A_204 = arith.constant 128 : i32
      %scan3A_205 = arith.addi %scan3A_203, %scan3A_204 : i32
      %scan3A_206 = arith.constant 4 : i32
      scf.for %scan3A_231 = %scan3A_203 to %scan3A_205 step %scan3A_206  : i32 {
        %get3A = arith.index_cast %scan3A_231 : i32 to index
        %get3A_232 = arith.constant 0 : index
        %get3A_233 = tpu.vector_load %arg10[%get3A, %get3A_232] {strides = array<i32>} : memref<128x128xf32, #tpu.memory_space<vmem>>, vector<1x16xf32>,
        %get3A_234 = vector.shape_cast %get3A_233 : vector<1x16xf32> to vector<16xf32>
        %mul3A_235 = arith.constant 11.3137083 : f32
        %mul3A_236 = vector.broadcast %mul3A_235 : f32 to vector<16xf32>
        %mul3A_237 = arith.mulf %get3A_234, %mul3A_236 : vector<16xf32>
        %swap3A = arith.index_cast %scan3A_231 : i32 to index
        %swap3A_238 = arith.constant 0 : index
        %swap3A_239 = tpu.vector_load %arg10[%swap3A, %swap3A_238] {strides = array<i32>} : memref<128x128xf32, #tpu.memory_space<vmem>>, vector<1x16xf32>,
        %swap3A_240 = vector.shape_cast %swap3A_239 : vector<1x16xf32> to vector<16xf32>
        %swap3A_241 = vector.shape_cast %mul3A_237 : vector<16xf32> to vector<1x16xf32>
        tpu.vector_store %arg10[%swap3A, %swap3A_238], %swap3A_241 {strides = array<i32>} : memref<128x128xf32, #tpu.memory_space<vmem>>, vector<1x16xf32>,
        %get3A_242 = arith.index_cast %scan3A_231 : i32 to index
        %get3A_243 = arith.constant 16 : index
        %get3A_244 = tpu.vector_load %arg10[%get3A_242, %get3A_243] {strides = array<i32>} : memref<128x128xf32, #tpu.memory_space<vmem>>, vector<1x16xf32>,
        %get3A_245 = vector.shape_cast %get3A_244 : vector<1x16xf32> to vector<16xf32>
        %mul3A_246 = arith.constant 11.3137083 : f32
        %mul3A_247 = vector.broadcast %mul3A_246 : f32 to vector<16xf32>
        %mul3A_248 = arith.mulf %get3A_245, %mul3A_247 : vector<16xf32>
        %swap3A_249 = arith.index_cast %scan3A_231 : i32 to index
        %swap3A_250 = arith.constant 16 : index
        %swap3A_251 = tpu.vector_load %arg10[%swap3A_249, %swap3A_250] {strides = array<i32>} : memref<128x128xf32, #tpu.memory_space<vmem>>, vector<1x16xf32>,
        %swap3A_252 = vector.shape_cast %swap3A_251 : vector<1x16xf32> to vector<16xf32>
        %swap3A_253 = vector.shape_cast %mul3A_248 : vector<16xf32> to vector<1x16xf32>
        tpu.vector_store %arg10[%swap3A_249, %swap3A_250], %swap3A_253 {strides = array<i32>} : memref<128x128xf32, #tpu.memory_space<vmem>>, vector<1x16xf32>,
        %get3A_254 = arith.index_cast %scan3A_231 : i32 to index
        %get3A_255 = arith.constant 32 : index
        %get3A_256 = tpu.vector_load %arg10[%get3A_254, %get3A_255] {strides = array<i32>} : memref<128x128xf32, #tpu.memory_space<vmem>>, vector<1x16xf32>,
        %get3A_257 = vector.shape_cast %get3A_256 : vector<1x16xf32> to vector<16xf32>
        %mul3A_258 = arith.constant 11.3137083 : f32
        %mul3A_259 = vector.broadcast %mul3A_258 : f32 to vector<16xf32>
        %mul3A_260 = arith.mulf %get3A_257, %mul3A_259 : vector<16xf32>
        %swap3A_261 = arith.index_cast %scan3A_231 : i32 to index
        %swap3A_262 = arith.constant 32 : index
        %swap3A_263 = tpu.vector_load %arg10[%swap3A_261, %swap3A_262] {strides = array<i32>} : memref<128x128xf32, #tpu.memory_space<vmem>>, vector<1x16xf32>,
        %swap3A_264 = vector.shape_cast %swap3A_263 : vector<1x16xf32> to vector<16xf32>
        %swap3A_265 = vector.shape_cast %mul3A_260 : vector<16xf32> to vector<1x16xf32>
        tpu.vector_store %arg10[%swap3A_261, %swap3A_262], %swap3A_265 {strides = array<i32>} : memref<128x128xf32, #tpu.memory_space<vmem>>, vector<1x16xf32>,
        %get3A_266 = arith.index_cast %scan3A_231 : i32 to index
        %get3A_267 = arith.constant 48 : index
        %get3A_268 = tpu.vector_load %arg10[%get3A_266, %get3A_267] {strides = array<i32>} : memref<128x128xf32, #tpu.memory_space<vmem>>, vector<1x16xf32>,
        %get3A_269 = vector.shape_cast %get3A_268 : vector<1x16xf32> to vector<16xf32>
        %mul3A_270 = arith.constant 11.3137083 : f32
        %mul3A_271 = vector.broadcast %mul3A_270 : f32 to vector<16xf32>
        %mul3A_272 = arith.mulf %get3A_269, %mul3A_271 : vector<16xf32>
        %swap3A_273 = arith.index_cast %scan3A_231 : i32 to index
        %swap3A_274 = arith.constant 48 : index
        %swap3A_275 = tpu.vector_load %arg10[%swap3A_273, %swap3A_274] {strides = array<i32>} : memref<128x128xf32, #tpu.memory_space<vmem>>, vector<1x16xf32>,
        %swap3A_276 = vector.shape_cast %swap3A_275 : vector<1x16xf32> to vector<16xf32>
        %swap3A_277 = vector.shape_cast %mul3A_272 : vector<16xf32> to vector<1x16xf32>
        tpu.vector_store %arg10[%swap3A_273, %swap3A_274], %swap3A_277 {strides = array<i32>} : memref<128x128xf32, #tpu.memory_space<vmem>>, vector<1x16xf32>,
        %get3A_278 = arith.index_cast %scan3A_231 : i32 to index
        %get3A_279 = arith.constant 64 : index
        %get3A_280 = tpu.vector_load %arg10[%get3A_278, %get3A_279] {strides = array<i32>} : memref<128x128xf32, #tpu.memory_space<vmem>>, vector<1x16xf32>,
        %get3A_281 = vector.shape_cast %get3A_280 : vector<1x16xf32> to vector<16xf32>
        %mul3A_282 = arith.constant 11.3137083 : f32
        %mul3A_283 = vector.broadcast %mul3A_282 : f32 to vector<16xf32>
        %mul3A_284 = arith.mulf %get3A_281, %mul3A_283 : vector<16xf32>
        %swap3A_285 = arith.index_cast %scan3A_231 : i32 to index
        %swap3A_286 = arith.constant 64 : index
        %swap3A_287 = tpu.vector_load %arg10[%swap3A_285, %swap3A_286] {strides = array<i32>} : memref<128x128xf32, #tpu.memory_space<vmem>>, vector<1x16xf32>,
        %swap3A_288 = vector.shape_cast %swap3A_287 : vector<1x16xf32> to vector<16xf32>
        %swap3A_289 = vector.shape_cast %mul3A_284 : vector<16xf32> to vector<1x16xf32>
        tpu.vector_store %arg10[%swap3A_285, %swap3A_286], %swap3A_289 {strides = array<i32>} : memref<128x128xf32, #tpu.memory_space<vmem>>, vector<1x16xf32>,
        %get3A_290 = arith.index_cast %scan3A_231 : i32 to index
        %get3A_291 = arith.constant 80 : index
        %get3A_292 = tpu.vector_load %arg10[%get3A_290, %get3A_291] {strides = array<i32>} : memref<128x128xf32, #tpu.memory_space<vmem>>, vector<1x16xf32>,
        %get3A_293 = vector.shape_cast %get3A_292 : vector<1x16xf32> to vector<16xf32>
        %mul3A_294 = arith.constant 11.3137083 : f32
        %mul3A_295 = vector.broadcast %mul3A_294 : f32 to vector<16xf32>
        %mul3A_296 = arith.mulf %get3A_293, %mul3A_295 : vector<16xf32>
        %swap3A_297 = arith.index_cast %scan3A_231 : i32 to index
        %swap3A_298 = arith.constant 80 : index
        %swap3A_299 = tpu.vector_load %arg10[%swap3A_297, %swap3A_298] {strides = array<i32>} : memref<128x128xf32, #tpu.memory_space<vmem>>, vector<1x16xf32>,
        %swap3A_300 = vector.shape_cast %swap3A_299 : vector<1x16xf32> to vector<16xf32>
        %swap3A_301 = vector.shape_cast %mul3A_296 : vector<16xf32> to vector<1x16xf32>
        tpu.vector_store %arg10[%swap3A_297, %swap3A_298], %swap3A_301 {strides = array<i32>} : memref<128x128xf32, #tpu.memory_space<vmem>>, vector<1x16xf32>,
        %get3A_302 = arith.index_cast %scan3A_231 : i32 to index
        %get3A_303 = arith.constant 96 : index
        %get3A_304 = tpu.vector_load %arg10[%get3A_302, %get3A_303] {strides = array<i32>} : memref<128x128xf32, #tpu.memory_space<vmem>>, vector<1x16xf32>,
        %get3A_305 = vector.shape_cast %get3A_304 : vector<1x16xf32> to vector<16xf32>
        %mul3A_306 = arith.constant 11.3137083 : f32
        %mul3A_307 = vector.broadcast %mul3A_306 : f32 to vector<16xf32>
        %mul3A_308 = arith.mulf %get3A_305, %mul3A_307 : vector<16xf32>
        %swap3A_309 = arith.index_cast %scan3A_231 : i32 to index
        %swap3A_310 = arith.constant 96 : index
        %swap3A_311 = tpu.vector_load %arg10[%swap3A_309, %swap3A_310] {strides = array<i32>} : memref<128x128xf32, #tpu.memory_space<vmem>>, vector<1x16xf32>,
        %swap3A_312 = vector.shape_cast %swap3A_311 : vector<1x16xf32> to vector<16xf32>
        %swap3A_313 = vector.shape_cast %mul3A_308 : vector<16xf32> to vector<1x16xf32>
        tpu.vector_store %arg10[%swap3A_309, %swap3A_310], %swap3A_313 {strides = array<i32>} : memref<128x128xf32, #tpu.memory_space<vmem>>, vector<1x16xf32>,
        %get3A_314 = arith.index_cast %scan3A_231 : i32 to index
        %get3A_315 = arith.constant 112 : index
        %get3A_316 = tpu.vector_load %arg10[%get3A_314, %get3A_315] {strides = array<i32>} : memref<128x128xf32, #tpu.memory_space<vmem>>, vector<1x16xf32>,
        %get3A_317 = vector.shape_cast %get3A_316 : vector<1x16xf32> to vector<16xf32>
        %mul3A_318 = arith.constant 11.3137083 : f32
        %mul3A_319 = vector.broadcast %mul3A_318 : f32 to vector<16xf32>
        %mul3A_320 = arith.mulf %get3A_317, %mul3A_319 : vector<16xf32>
        %swap3A_321 = arith.index_cast %scan3A_231 : i32 to index
        %swap3A_322 = arith.constant 112 : index
        %swap3A_323 = tpu.vector_load %arg10[%swap3A_321, %swap3A_322] {strides = array<i32>} : memref<128x128xf32, #tpu.memory_space<vmem>>, vector<1x16xf32>,
        %swap3A_324 = vector.shape_cast %swap3A_323 : vector<1x16xf32> to vector<16xf32>
        %swap3A_325 = vector.shape_cast %mul3A_320 : vector<16xf32> to vector<1x16xf32>
        tpu.vector_store %arg10[%swap3A_321, %swap3A_322], %swap3A_325 {strides = array<i32>} : memref<128x128xf32, #tpu.memory_space<vmem>>, vector<1x16xf32>,
        %scan3A_326 = arith.constant 1 : i32
        %scan3A_327 = arith.addi %scan3A_231, %scan3A_326 : i32
        %get3A_328 = arith.index_cast %scan3A_327 : i32 to index
        %get3A_329 = arith.constant 0 : index
        %get3A_330 = tpu.vector_load %arg10[%get3A_328, %get3A_329] {strides = array<i32>} : memref<128x128xf32, #tpu.memory_space<vmem>>, vector<1x16xf32>,
        %get3A_331 = vector.shape_cast %get3A_330 : vector<1x16xf32> to vector<16xf32>
        %mul3A_332 = arith.constant 11.3137083 : f32
        %mul3A_333 = vector.broadcast %mul3A_332 : f32 to vector<16xf32>
        %mul3A_334 = arith.mulf %get3A_331, %mul3A_333 : vector<16xf32>
        %swap3A_335 = arith.index_cast %scan3A_327 : i32 to index
        %swap3A_336 = arith.constant 0 : index
        %swap3A_337 = tpu.vector_load %arg10[%swap3A_335, %swap3A_336] {strides = array<i32>} : memref<128x128xf32, #tpu.memory_space<vmem>>, vector<1x16xf32>,
        %swap3A_338 = vector.shape_cast %swap3A_337 : vector<1x16xf32> to vector<16xf32>
        %swap3A_339 = vector.shape_cast %mul3A_334 : vector<16xf32> to vector<1x16xf32>
        tpu.vector_store %arg10[%swap3A_335, %swap3A_336], %swap3A_339 {strides = array<i32>} : memref<128x128xf32, #tpu.memory_space<vmem>>, vector<1x16xf32>,
        %get3A_340 = arith.index_cast %scan3A_327 : i32 to index
        %get3A_341 = arith.constant 16 : index
        %get3A_342 = tpu.vector_load %arg10[%get3A_340, %get3A_341] {strides = array<i32>} : memref<128x128xf32, #tpu.memory_space<vmem>>, vector<1x16xf32>,
        %get3A_343 = vector.shape_cast %get3A_342 : vector<1x16xf32> to vector<16xf32>
        %mul3A_344 = arith.constant 11.3137083 : f32
        %mul3A_345 = vector.broadcast %mul3A_344 : f32 to vector<16xf32>
        %mul3A_346 = arith.mulf %get3A_343, %mul3A_345 : vector<16xf32>
        %swap3A_347 = arith.index_cast %scan3A_327 : i32 to index
        %swap3A_348 = arith.constant 16 : index
        %swap3A_349 = tpu.vector_load %arg10[%swap3A_347, %swap3A_348] {strides = array<i32>} : memref<128x128xf32, #tpu.memory_space<vmem>>, vector<1x16xf32>,
        %swap3A_350 = vector.shape_cast %swap3A_349 : vector<1x16xf32> to vector<16xf32>
        %swap3A_351 = vector.shape_cast %mul3A_346 : vector<16xf32> to vector<1x16xf32>
        tpu.vector_store %arg10[%swap3A_347, %swap3A_348], %swap3A_351 {strides = array<i32>} : memref<128x128xf32, #tpu.memory_space<vmem>>, vector<1x16xf32>,
        %get3A_352 = arith.index_cast %scan3A_327 : i32 to index
        %get3A_353 = arith.constant 32 : index
        %get3A_354 = tpu.vector_load %arg10[%get3A_352, %get3A_353] {strides = array<i32>} : memref<128x128xf32, #tpu.memory_space<vmem>>, vector<1x16xf32>,
        %get3A_355 = vector.shape_cast %get3A_354 : vector<1x16xf32> to vector<16xf32>
        %mul3A_356 = arith.constant 11.3137083 : f32
        %mul3A_357 = vector.broadcast %mul3A_356 : f32 to vector<16xf32>
        %mul3A_358 = arith.mulf %get3A_355, %mul3A_357 : vector<16xf32>
        %swap3A_359 = arith.index_cast %scan3A_327 : i32 to index
        %swap3A_360 = arith.constant 32 : index
        %swap3A_361 = tpu.vector_load %arg10[%swap3A_359, %swap3A_360] {strides = array<i32>} : memref<128x128xf32, #tpu.memory_space<vmem>>, vector<1x16xf32>,
        %swap3A_362 = vector.shape_cast %swap3A_361 : vector<1x16xf32> to vector<16xf32>
        %swap3A_363 = vector.shape_cast %mul3A_358 : vector<16xf32> to vector<1x16xf32>
        tpu.vector_store %arg10[%swap3A_359, %swap3A_360], %swap3A_363 {strides = array<i32>} : memref<128x128xf32, #tpu.memory_space<vmem>>, vector<1x16xf32>,
        %get3A_364 = arith.index_cast %scan3A_327 : i32 to index
        %get3A_365 = arith.constant 48 : index
        %get3A_366 = tpu.vector_load %arg10[%get3A_364, %get3A_365] {strides = array<i32>} : memref<128x128xf32, #tpu.memory_space<vmem>>, vector<1x16xf32>,
        %get3A_367 = vector.shape_cast %get3A_366 : vector<1x16xf32> to vector<16xf32>
        %mul3A_368 = arith.constant 11.3137083 : f32
        %mul3A_369 = vector.broadcast %mul3A_368 : f32 to vector<16xf32>
        %mul3A_370 = arith.mulf %get3A_367, %mul3A_369 : vector<16xf32>
        %swap3A_371 = arith.index_cast %scan3A_327 : i32 to index
        %swap3A_372 = arith.constant 48 : index
        %swap3A_373 = tpu.vector_load %arg10[%swap3A_371, %swap3A_372] {strides = array<i32>} : memref<128x128xf32, #tpu.memory_space<vmem>>, vector<1x16xf32>,
        %swap3A_374 = vector.shape_cast %swap3A_373 : vector<1x16xf32> to vector<16xf32>
        %swap3A_375 = vector.shape_cast %mul3A_370 : vector<16xf32> to vector<1x16xf32>
        tpu.vector_store %arg10[%swap3A_371, %swap3A_372], %swap3A_375 {strides = array<i32>} : memref<128x128xf32, #tpu.memory_space<vmem>>, vector<1x16xf32>,
        %get3A_376 = arith.index_cast %scan3A_327 : i32 to index
        %get3A_377 = arith.constant 64 : index
        %get3A_378 = tpu.vector_load %arg10[%get3A_376, %get3A_377] {strides = array<i32>} : memref<128x128xf32, #tpu.memory_space<vmem>>, vector<1x16xf32>,
        %get3A_379 = vector.shape_cast %get3A_378 : vector<1x16xf32> to vector<16xf32>
        %mul3A_380 = arith.constant 11.3137083 : f32
        %mul3A_381 = vector.broadcast %mul3A_380 : f32 to vector<16xf32>
        %mul3A_382 = arith.mulf %get3A_379, %mul3A_381 : vector<16xf32>
        %swap3A_383 = arith.index_cast %scan3A_327 : i32 to index
        %swap3A_384 = arith.constant 64 : index
        %swap3A_385 = tpu.vector_load %arg10[%swap3A_383, %swap3A_384] {strides = array<i32>} : memref<128x128xf32, #tpu.memory_space<vmem>>, vector<1x16xf32>,
        %swap3A_386 = vector.shape_cast %swap3A_385 : vector<1x16xf32> to vector<16xf32>
        %swap3A_387 = vector.shape_cast %mul3A_382 : vector<16xf32> to vector<1x16xf32>
        tpu.vector_store %arg10[%swap3A_383, %swap3A_384], %swap3A_387 {strides = array<i32>} : memref<128x128xf32, #tpu.memory_space<vmem>>, vector<1x16xf32>,
        %get3A_388 = arith.index_cast %scan3A_327 : i32 to index
        %get3A_389 = arith.constant 80 : index
        %get3A_390 = tpu.vector_load %arg10[%get3A_388, %get3A_389] {strides = array<i32>} : memref<128x128xf32, #tpu.memory_space<vmem>>, vector<1x16xf32>,
        %get3A_391 = vector.shape_cast %get3A_390 : vector<1x16xf32> to vector<16xf32>
        %mul3A_392 = arith.constant 11.3137083 : f32
        %mul3A_393 = vector.broadcast %mul3A_392 : f32 to vector<16xf32>
        %mul3A_394 = arith.mulf %get3A_391, %mul3A_393 : vector<16xf32>
        %swap3A_395 = arith.index_cast %scan3A_327 : i32 to index
        %swap3A_396 = arith.constant 80 : index
        %swap3A_397 = tpu.vector_load %arg10[%swap3A_395, %swap3A_396] {strides = array<i32>} : memref<128x128xf32, #tpu.memory_space<vmem>>, vector<1x16xf32>,
        %swap3A_398 = vector.shape_cast %swap3A_397 : vector<1x16xf32> to vector<16xf32>
        %swap3A_399 = vector.shape_cast %mul3A_394 : vector<16xf32> to vector<1x16xf32>
        tpu.vector_store %arg10[%swap3A_395, %swap3A_396], %swap3A_399 {strides = array<i32>} : memref<128x128xf32, #tpu.memory_space<vmem>>, vector<1x16xf32>,
        %get3A_400 = arith.index_cast %scan3A_327 : i32 to index
        %get3A_401 = arith.constant 96 : index
        %get3A_402 = tpu.vector_load %arg10[%get3A_400, %get3A_401] {strides = array<i32>} : memref<128x128xf32, #tpu.memory_space<vmem>>, vector<1x16xf32>,
        %get3A_403 = vector.shape_cast %get3A_402 : vector<1x16xf32> to vector<16xf32>
        %mul3A_404 = arith.constant 11.3137083 : f32
        %mul3A_405 = vector.broadcast %mul3A_404 : f32 to vector<16xf32>
        %mul3A_406 = arith.mulf %get3A_403, %mul3A_405 : vector<16xf32>
        %swap3A_407 = arith.index_cast %scan3A_327 : i32 to index
        %swap3A_408 = arith.constant 96 : index
        %swap3A_409 = tpu.vector_load %arg10[%swap3A_407, %swap3A_408] {strides = array<i32>} : memref<128x128xf32, #tpu.memory_space<vmem>>, vector<1x16xf32>,
        %swap3A_410 = vector.shape_cast %swap3A_409 : vector<1x16xf32> to vector<16xf32>
        %swap3A_411 = vector.shape_cast %mul3A_406 : vector<16xf32> to vector<1x16xf32>
        tpu.vector_store %arg10[%swap3A_407, %swap3A_408], %swap3A_411 {strides = array<i32>} : memref<128x128xf32, #tpu.memory_space<vmem>>, vector<1x16xf32>,
        %get3A_412 = arith.index_cast %scan3A_327 : i32 to index
        %get3A_413 = arith.constant 112 : index
        %get3A_414 = tpu.vector_load %arg10[%get3A_412, %get3A_413] {strides = array<i32>} : memref<128x128xf32, #tpu.memory_space<vmem>>, vector<1x16xf32>,
        %get3A_415 = vector.shape_cast %get3A_414 : vector<1x16xf32> to vector<16xf32>
        %mul3A_416 = arith.constant 11.3137083 : f32
        %mul3A_417 = vector.broadcast %mul3A_416 : f32 to vector<16xf32>
        %mul3A_418 = arith.mulf %get3A_415, %mul3A_417 : vector<16xf32>
        %swap3A_419 = arith.index_cast %scan3A_327 : i32 to index
        %swap3A_420 = arith.constant 112 : index
        %swap3A_421 = tpu.vector_load %arg10[%swap3A_419, %swap3A_420] {strides = array<i32>} : memref<128x128xf32, #tpu.memory_space<vmem>>, vector<1x16xf32>,
        %swap3A_422 = vector.shape_cast %swap3A_421 : vector<1x16xf32> to vector<16xf32>
        %swap3A_423 = vector.shape_cast %mul3A_418 : vector<16xf32> to vector<1x16xf32>
        tpu.vector_store %arg10[%swap3A_419, %swap3A_420], %swap3A_423 {strides = array<i32>} : memref<128x128xf32, #tpu.memory_space<vmem>>, vector<1x16xf32>,
        %scan3A_424 = arith.constant 2 : i32
        %scan3A_425 = arith.addi %scan3A_231, %scan3A_424 : i32
        %get3A_426 = arith.index_cast %scan3A_425 : i32 to index
        %get3A_427 = arith.constant 0 : index
        %get3A_428 = tpu.vector_load %arg10[%get3A_426, %get3A_427] {strides = array<i32>} : memref<128x128xf32, #tpu.memory_space<vmem>>, vector<1x16xf32>,
        %get3A_429 = vector.shape_cast %get3A_428 : vector<1x16xf32> to vector<16xf32>
        %mul3A_430 = arith.constant 11.3137083 : f32
        %mul3A_431 = vector.broadcast %mul3A_430 : f32 to vector<16xf32>
        %mul3A_432 = arith.mulf %get3A_429, %mul3A_431 : vector<16xf32>
        %swap3A_433 = arith.index_cast %scan3A_425 : i32 to index
        %swap3A_434 = arith.constant 0 : index
        %swap3A_435 = tpu.vector_load %arg10[%swap3A_433, %swap3A_434] {strides = array<i32>} : memref<128x128xf32, #tpu.memory_space<vmem>>, vector<1x16xf32>,
        %swap3A_436 = vector.shape_cast %swap3A_435 : vector<1x16xf32> to vector<16xf32>
        %swap3A_437 = vector.shape_cast %mul3A_432 : vector<16xf32> to vector<1x16xf32>
        tpu.vector_store %arg10[%swap3A_433, %swap3A_434], %swap3A_437 {strides = array<i32>} : memref<128x128xf32, #tpu.memory_space<vmem>>, vector<1x16xf32>,
        %get3A_438 = arith.index_cast %scan3A_425 : i32 to index
        %get3A_439 = arith.constant 16 : index
        %get3A_440 = tpu.vector_load %arg10[%get3A_438, %get3A_439] {strides = array<i32>} : memref<128x128xf32, #tpu.memory_space<vmem>>, vector<1x16xf32>,
        %get3A_441 = vector.shape_cast %get3A_440 : vector<1x16xf32> to vector<16xf32>
        %mul3A_442 = arith.constant 11.3137083 : f32
        %mul3A_443 = vector.broadcast %mul3A_442 : f32 to vector<16xf32>
        %mul3A_444 = arith.mulf %get3A_441, %mul3A_443 : vector<16xf32>
        %swap3A_445 = arith.index_cast %scan3A_425 : i32 to index
        %swap3A_446 = arith.constant 16 : index
        %swap3A_447 = tpu.vector_load %arg10[%swap3A_445, %swap3A_446] {strides = array<i32>} : memref<128x128xf32, #tpu.memory_space<vmem>>, vector<1x16xf32>,
        %swap3A_448 = vector.shape_cast %swap3A_447 : vector<1x16xf32> to vector<16xf32>
        %swap3A_449 = vector.shape_cast %mul3A_444 : vector<16xf32> to vector<1x16xf32>
        tpu.vector_store %arg10[%swap3A_445, %swap3A_446], %swap3A_449 {strides = array<i32>} : memref<128x128xf32, #tpu.memory_space<vmem>>, vector<1x16xf32>,
        %get3A_450 = arith.index_cast %scan3A_425 : i32 to index
        %get3A_451 = arith.constant 32 : index
        %get3A_452 = tpu.vector_load %arg10[%get3A_450, %get3A_451] {strides = array<i32>} : memref<128x128xf32, #tpu.memory_space<vmem>>, vector<1x16xf32>,
        %get3A_453 = vector.shape_cast %get3A_452 : vector<1x16xf32> to vector<16xf32>
        %mul3A_454 = arith.constant 11.3137083 : f32
        %mul3A_455 = vector.broadcast %mul3A_454 : f32 to vector<16xf32>
        %mul3A_456 = arith.mulf %get3A_453, %mul3A_455 : vector<16xf32>
        %swap3A_457 = arith.index_cast %scan3A_425 : i32 to index
        %swap3A_458 = arith.constant 32 : index
        %swap3A_459 = tpu.vector_load %arg10[%swap3A_457, %swap3A_458] {strides = array<i32>} : memref<128x128xf32, #tpu.memory_space<vmem>>, vector<1x16xf32>,
        %swap3A_460 = vector.shape_cast %swap3A_459 : vector<1x16xf32> to vector<16xf32>
        %swap3A_461 = vector.shape_cast %mul3A_456 : vector<16xf32> to vector<1x16xf32>
        tpu.vector_store %arg10[%swap3A_457, %swap3A_458], %swap3A_461 {strides = array<i32>} : memref<128x128xf32, #tpu.memory_space<vmem>>, vector<1x16xf32>,
        %get3A_462 = arith.index_cast %scan3A_425 : i32 to index
        %get3A_463 = arith.constant 48 : index
        %get3A_464 = tpu.vector_load %arg10[%get3A_462, %get3A_463] {strides = array<i32>} : memref<128x128xf32, #tpu.memory_space<vmem>>, vector<1x16xf32>,
        %get3A_465 = vector.shape_cast %get3A_464 : vector<1x16xf32> to vector<16xf32>
        %mul3A_466 = arith.constant 11.3137083 : f32
        %mul3A_467 = vector.broadcast %mul3A_466 : f32 to vector<16xf32>
        %mul3A_468 = arith.mulf %get3A_465, %mul3A_467 : vector<16xf32>
        %swap3A_469 = arith.index_cast %scan3A_425 : i32 to index
        %swap3A_470 = arith.constant 48 : index
        %swap3A_471 = tpu.vector_load %arg10[%swap3A_469, %swap3A_470] {strides = array<i32>} : memref<128x128xf32, #tpu.memory_space<vmem>>, vector<1x16xf32>,
        %swap3A_472 = vector.shape_cast %swap3A_471 : vector<1x16xf32> to vector<16xf32>
        %swap3A_473 = vector.shape_cast %mul3A_468 : vector<16xf32> to vector<1x16xf32>
        tpu.vector_store %arg10[%swap3A_469, %swap3A_470], %swap3A_473 {strides = array<i32>} : memref<128x128xf32, #tpu.memory_space<vmem>>, vector<1x16xf32>,
        %get3A_474 = arith.index_cast %scan3A_425 : i32 to index
        %get3A_475 = arith.constant 64 : index
        %get3A_476 = tpu.vector_load %arg10[%get3A_474, %get3A_475] {strides = array<i32>} : memref<128x128xf32, #tpu.memory_space<vmem>>, vector<1x16xf32>,
        %get3A_477 = vector.shape_cast %get3A_476 : vector<1x16xf32> to vector<16xf32>
        %mul3A_478 = arith.constant 11.3137083 : f32
        %mul3A_479 = vector.broadcast %mul3A_478 : f32 to vector<16xf32>
        %mul3A_480 = arith.mulf %get3A_477, %mul3A_479 : vector<16xf32>
        %swap3A_481 = arith.index_cast %scan3A_425 : i32 to index
        %swap3A_482 = arith.constant 64 : index
        %swap3A_483 = tpu.vector_load %arg10[%swap3A_481, %swap3A_482] {strides = array<i32>} : memref<128x128xf32, #tpu.memory_space<vmem>>, vector<1x16xf32>,
        %swap3A_484 = vector.shape_cast %swap3A_483 : vector<1x16xf32> to vector<16xf32>
        %swap3A_485 = vector.shape_cast %mul3A_480 : vector<16xf32> to vector<1x16xf32>
        tpu.vector_store %arg10[%swap3A_481, %swap3A_482], %swap3A_485 {strides = array<i32>} : memref<128x128xf32, #tpu.memory_space<vmem>>, vector<1x16xf32>,
        %get3A_486 = arith.index_cast %scan3A_425 : i32 to index
        %get3A_487 = arith.constant 80 : index
        %get3A_488 = tpu.vector_load %arg10[%get3A_486, %get3A_487] {strides = array<i32>} : memref<128x128xf32, #tpu.memory_space<vmem>>, vector<1x16xf32>,
        %get3A_489 = vector.shape_cast %get3A_488 : vector<1x16xf32> to vector<16xf32>
        %mul3A_490 = arith.constant 11.3137083 : f32
        %mul3A_491 = vector.broadcast %mul3A_490 : f32 to vector<16xf32>
        %mul3A_492 = arith.mulf %get3A_489, %mul3A_491 : vector<16xf32>
        %swap3A_493 = arith.index_cast %scan3A_425 : i32 to index
        %swap3A_494 = arith.constant 80 : index
        %swap3A_495 = tpu.vector_load %arg10[%swap3A_493, %swap3A_494] {strides = array<i32>} : memref<128x128xf32, #tpu.memory_space<vmem>>, vector<1x16xf32>,
        %swap3A_496 = vector.shape_cast %swap3A_495 : vector<1x16xf32> to vector<16xf32>
        %swap3A_497 = vector.shape_cast %mul3A_492 : vector<16xf32> to vector<1x16xf32>
        tpu.vector_store %arg10[%swap3A_493, %swap3A_494], %swap3A_497 {strides = array<i32>} : memref<128x128xf32, #tpu.memory_space<vmem>>, vector<1x16xf32>,
        %get3A_498 = arith.index_cast %scan3A_425 : i32 to index
        %get3A_499 = arith.constant 96 : index
        %get3A_500 = tpu.vector_load %arg10[%get3A_498, %get3A_499] {strides = array<i32>} : memref<128x128xf32, #tpu.memory_space<vmem>>, vector<1x16xf32>,
        %get3A_501 = vector.shape_cast %get3A_500 : vector<1x16xf32> to vector<16xf32>
        %mul3A_502 = arith.constant 11.3137083 : f32
        %mul3A_503 = vector.broadcast %mul3A_502 : f32 to vector<16xf32>
        %mul3A_504 = arith.mulf %get3A_501, %mul3A_503 : vector<16xf32>
        %swap3A_505 = arith.index_cast %scan3A_425 : i32 to index
        %swap3A_506 = arith.constant 96 : index
        %swap3A_507 = tpu.vector_load %arg10[%swap3A_505, %swap3A_506] {strides = array<i32>} : memref<128x128xf32, #tpu.memory_space<vmem>>, vector<1x16xf32>,
        %swap3A_508 = vector.shape_cast %swap3A_507 : vector<1x16xf32> to vector<16xf32>
        %swap3A_509 = vector.shape_cast %mul3A_504 : vector<16xf32> to vector<1x16xf32>
        tpu.vector_store %arg10[%swap3A_505, %swap3A_506], %swap3A_509 {strides = array<i32>} : memref<128x128xf32, #tpu.memory_space<vmem>>, vector<1x16xf32>,
        %get3A_510 = arith.index_cast %scan3A_425 : i32 to index
        %get3A_511 = arith.constant 112 : index
        %get3A_512 = tpu.vector_load %arg10[%get3A_510, %get3A_511] {strides = array<i32>} : memref<128x128xf32, #tpu.memory_space<vmem>>, vector<1x16xf32>,
        %get3A_513 = vector.shape_cast %get3A_512 : vector<1x16xf32> to vector<16xf32>
        %mul3A_514 = arith.constant 11.3137083 : f32
        %mul3A_515 = vector.broadcast %mul3A_514 : f32 to vector<16xf32>
        %mul3A_516 = arith.mulf %get3A_513, %mul3A_515 : vector<16xf32>
        %swap3A_517 = arith.index_cast %scan3A_425 : i32 to index
        %swap3A_518 = arith.constant 112 : index
        %swap3A_519 = tpu.vector_load %arg10[%swap3A_517, %swap3A_518] {strides = array<i32>} : memref<128x128xf32, #tpu.memory_space<vmem>>, vector<1x16xf32>,
        %swap3A_520 = vector.shape_cast %swap3A_519 : vector<1x16xf32> to vector<16xf32>
        %swap3A_521 = vector.shape_cast %mul3A_516 : vector<16xf32> to vector<1x16xf32>
        tpu.vector_store %arg10[%swap3A_517, %swap3A_518], %swap3A_521 {strides = array<i32>} : memref<128x128xf32, #tpu.memory_space<vmem>>, vector<1x16xf32>,
        %scan3A_522 = arith.constant 3 : i32
        %scan3A_523 = arith.addi %scan3A_231, %scan3A_522 : i32
        %get3A_524 = arith.index_cast %scan3A_523 : i32 to index
        %get3A_525 = arith.constant 0 : index
        %get3A_526 = tpu.vector_load %arg10[%get3A_524, %get3A_525] {strides = array<i32>} : memref<128x128xf32, #tpu.memory_space<vmem>>, vector<1x16xf32>,
        %get3A_527 = vector.shape_cast %get3A_526 : vector<1x16xf32> to vector<16xf32>
        %mul3A_528 = arith.constant 11.3137083 : f32
        %mul3A_529 = vector.broadcast %mul3A_528 : f32 to vector<16xf32>
        %mul3A_530 = arith.mulf %get3A_527, %mul3A_529 : vector<16xf32>
        %swap3A_531 = arith.index_cast %scan3A_523 : i32 to index
        %swap3A_532 = arith.constant 0 : index
        %swap3A_533 = tpu.vector_load %arg10[%swap3A_531, %swap3A_532] {strides = array<i32>} : memref<128x128xf32, #tpu.memory_space<vmem>>, vector<1x16xf32>,
        %swap3A_534 = vector.shape_cast %swap3A_533 : vector<1x16xf32> to vector<16xf32>
        %swap3A_535 = vector.shape_cast %mul3A_530 : vector<16xf32> to vector<1x16xf32>
        tpu.vector_store %arg10[%swap3A_531, %swap3A_532], %swap3A_535 {strides = array<i32>} : memref<128x128xf32, #tpu.memory_space<vmem>>, vector<1x16xf32>,
        %get3A_536 = arith.index_cast %scan3A_523 : i32 to index
        %get3A_537 = arith.constant 16 : index
        %get3A_538 = tpu.vector_load %arg10[%get3A_536, %get3A_537] {strides = array<i32>} : memref<128x128xf32, #tpu.memory_space<vmem>>, vector<1x16xf32>,
        %get3A_539 = vector.shape_cast %get3A_538 : vector<1x16xf32> to vector<16xf32>
        %mul3A_540 = arith.constant 11.3137083 : f32
        %mul3A_541 = vector.broadcast %mul3A_540 : f32 to vector<16xf32>
        %mul3A_542 = arith.mulf %get3A_539, %mul3A_541 : vector<16xf32>
        %swap3A_543 = arith.index_cast %scan3A_523 : i32 to index
        %swap3A_544 = arith.constant 16 : index
        %swap3A_545 = tpu.vector_load %arg10[%swap3A_543, %swap3A_544] {strides = array<i32>} : memref<128x128xf32, #tpu.memory_space<vmem>>, vector<1x16xf32>,
        %swap3A_546 = vector.shape_cast %swap3A_545 : vector<1x16xf32> to vector<16xf32>
        %swap3A_547 = vector.shape_cast %mul3A_542 : vector<16xf32> to vector<1x16xf32>
        tpu.vector_store %arg10[%swap3A_543, %swap3A_544], %swap3A_547 {strides = array<i32>} : memref<128x128xf32, #tpu.memory_space<vmem>>, vector<1x16xf32>,
        %get3A_548 = arith.index_cast %scan3A_523 : i32 to index
        %get3A_549 = arith.constant 32 : index
        %get3A_550 = tpu.vector_load %arg10[%get3A_548, %get3A_549] {strides = array<i32>} : memref<128x128xf32, #tpu.memory_space<vmem>>, vector<1x16xf32>,
        %get3A_551 = vector.shape_cast %get3A_550 : vector<1x16xf32> to vector<16xf32>
        %mul3A_552 = arith.constant 11.3137083 : f32
        %mul3A_553 = vector.broadcast %mul3A_552 : f32 to vector<16xf32>
        %mul3A_554 = arith.mulf %get3A_551, %mul3A_553 : vector<16xf32>
        %swap3A_555 = arith.index_cast %scan3A_523 : i32 to index
        %swap3A_556 = arith.constant 32 : index
        %swap3A_557 = tpu.vector_load %arg10[%swap3A_555, %swap3A_556] {strides = array<i32>} : memref<128x128xf32, #tpu.memory_space<vmem>>, vector<1x16xf32>,
        %swap3A_558 = vector.shape_cast %swap3A_557 : vector<1x16xf32> to vector<16xf32>
        %swap3A_559 = vector.shape_cast %mul3A_554 : vector<16xf32> to vector<1x16xf32>
        tpu.vector_store %arg10[%swap3A_555, %swap3A_556], %swap3A_559 {strides = array<i32>} : memref<128x128xf32, #tpu.memory_space<vmem>>, vector<1x16xf32>,
        %get3A_560 = arith.index_cast %scan3A_523 : i32 to index
        %get3A_561 = arith.constant 48 : index
        %get3A_562 = tpu.vector_load %arg10[%get3A_560, %get3A_561] {strides = array<i32>} : memref<128x128xf32, #tpu.memory_space<vmem>>, vector<1x16xf32>,
        %get3A_563 = vector.shape_cast %get3A_562 : vector<1x16xf32> to vector<16xf32>
        %mul3A_564 = arith.constant 11.3137083 : f32
        %mul3A_565 = vector.broadcast %mul3A_564 : f32 to vector<16xf32>
        %mul3A_566 = arith.mulf %get3A_563, %mul3A_565 : vector<16xf32>
        %swap3A_567 = arith.index_cast %scan3A_523 : i32 to index
        %swap3A_568 = arith.constant 48 : index
        %swap3A_569 = tpu.vector_load %arg10[%swap3A_567, %swap3A_568] {strides = array<i32>} : memref<128x128xf32, #tpu.memory_space<vmem>>, vector<1x16xf32>,
        %swap3A_570 = vector.shape_cast %swap3A_569 : vector<1x16xf32> to vector<16xf32>
        %swap3A_571 = vector.shape_cast %mul3A_566 : vector<16xf32> to vector<1x16xf32>
        tpu.vector_store %arg10[%swap3A_567, %swap3A_568], %swap3A_571 {strides = array<i32>} : memref<128x128xf32, #tpu.memory_space<vmem>>, vector<1x16xf32>,
        %get3A_572 = arith.index_cast %scan3A_523 : i32 to index
        %get3A_573 = arith.constant 64 : index
        %get3A_574 = tpu.vector_load %arg10[%get3A_572, %get3A_573] {strides = array<i32>} : memref<128x128xf32, #tpu.memory_space<vmem>>, vector<1x16xf32>,
        %get3A_575 = vector.shape_cast %get3A_574 : vector<1x16xf32> to vector<16xf32>
        %mul3A_576 = arith.constant 11.3137083 : f32
        %mul3A_577 = vector.broadcast %mul3A_576 : f32 to vector<16xf32>
        %mul3A_578 = arith.mulf %get3A_575, %mul3A_577 : vector<16xf32>
        %swap3A_579 = arith.index_cast %scan3A_523 : i32 to index
        %swap3A_580 = arith.constant 64 : index
        %swap3A_581 = tpu.vector_load %arg10[%swap3A_579, %swap3A_580] {strides = array<i32>} : memref<128x128xf32, #tpu.memory_space<vmem>>, vector<1x16xf32>,
        %swap3A_582 = vector.shape_cast %swap3A_581 : vector<1x16xf32> to vector<16xf32>
        %swap3A_583 = vector.shape_cast %mul3A_578 : vector<16xf32> to vector<1x16xf32>
        tpu.vector_store %arg10[%swap3A_579, %swap3A_580], %swap3A_583 {strides = array<i32>} : memref<128x128xf32, #tpu.memory_space<vmem>>, vector<1x16xf32>,
        %get3A_584 = arith.index_cast %scan3A_523 : i32 to index
        %get3A_585 = arith.constant 80 : index
        %get3A_586 = tpu.vector_load %arg10[%get3A_584, %get3A_585] {strides = array<i32>} : memref<128x128xf32, #tpu.memory_space<vmem>>, vector<1x16xf32>,
        %get3A_587 = vector.shape_cast %get3A_586 : vector<1x16xf32> to vector<16xf32>
        %mul3A_588 = arith.constant 11.3137083 : f32
        %mul3A_589 = vector.broadcast %mul3A_588 : f32 to vector<16xf32>
        %mul3A_590 = arith.mulf %get3A_587, %mul3A_589 : vector<16xf32>
        %swap3A_591 = arith.index_cast %scan3A_523 : i32 to index
        %swap3A_592 = arith.constant 80 : index
        %swap3A_593 = tpu.vector_load %arg10[%swap3A_591, %swap3A_592] {strides = array<i32>} : memref<128x128xf32, #tpu.memory_space<vmem>>, vector<1x16xf32>,
        %swap3A_594 = vector.shape_cast %swap3A_593 : vector<1x16xf32> to vector<16xf32>
        %swap3A_595 = vector.shape_cast %mul3A_590 : vector<16xf32> to vector<1x16xf32>
        tpu.vector_store %arg10[%swap3A_591, %swap3A_592], %swap3A_595 {strides = array<i32>} : memref<128x128xf32, #tpu.memory_space<vmem>>, vector<1x16xf32>,
        %get3A_596 = arith.index_cast %scan3A_523 : i32 to index
        %get3A_597 = arith.constant 96 : index
        %get3A_598 = tpu.vector_load %arg10[%get3A_596, %get3A_597] {strides = array<i32>} : memref<128x128xf32, #tpu.memory_space<vmem>>, vector<1x16xf32>,
        %get3A_599 = vector.shape_cast %get3A_598 : vector<1x16xf32> to vector<16xf32>
        %mul3A_600 = arith.constant 11.3137083 : f32
        %mul3A_601 = vector.broadcast %mul3A_600 : f32 to vector<16xf32>
        %mul3A_602 = arith.mulf %get3A_599, %mul3A_601 : vector<16xf32>
        %swap3A_603 = arith.index_cast %scan3A_523 : i32 to index
        %swap3A_604 = arith.constant 96 : index
        %swap3A_605 = tpu.vector_load %arg10[%swap3A_603, %swap3A_604] {strides = array<i32>} : memref<128x128xf32, #tpu.memory_space<vmem>>, vector<1x16xf32>,
        %swap3A_606 = vector.shape_cast %swap3A_605 : vector<1x16xf32> to vector<16xf32>
        %swap3A_607 = vector.shape_cast %mul3A_602 : vector<16xf32> to vector<1x16xf32>
        tpu.vector_store %arg10[%swap3A_603, %swap3A_604], %swap3A_607 {strides = array<i32>} : memref<128x128xf32, #tpu.memory_space<vmem>>, vector<1x16xf32>,
        %get3A_608 = arith.index_cast %scan3A_523 : i32 to index
        %get3A_609 = arith.constant 112 : index
        %get3A_610 = tpu.vector_load %arg10[%get3A_608, %get3A_609] {strides = array<i32>} : memref<128x128xf32, #tpu.memory_space<vmem>>, vector<1x16xf32>,
        %get3A_611 = vector.shape_cast %get3A_610 : vector<1x16xf32> to vector<16xf32>
        %mul3A_612 = arith.constant 11.3137083 : f32
        %mul3A_613 = vector.broadcast %mul3A_612 : f32 to vector<16xf32>
        %mul3A_614 = arith.mulf %get3A_611, %mul3A_613 : vector<16xf32>
        %swap3A_615 = arith.index_cast %scan3A_523 : i32 to index
        %swap3A_616 = arith.constant 112 : index
        %swap3A_617 = tpu.vector_load %arg10[%swap3A_615, %swap3A_616] {strides = array<i32>} : memref<128x128xf32, #tpu.memory_space<vmem>>, vector<1x16xf32>,
        %swap3A_618 = vector.shape_cast %swap3A_617 : vector<1x16xf32> to vector<16xf32>
        %swap3A_619 = vector.shape_cast %mul3A_614 : vector<16xf32> to vector<1x16xf32>
        tpu.vector_store %arg10[%swap3A_615, %swap3A_616], %swap3A_619 {strides = array<i32>} : memref<128x128xf32, #tpu.memory_space<vmem>>, vector<1x16xf32>,
      }
      %scan3A_207 = arith.constant 128 : i32
      %mul3A_208 = arith.constant 128 : i32
      %mul3A_209 = arith.muli %add3A_195, %mul3A_208 : i32
      %add3A_210 = arith.addi %mul3A_2, %mul3A_209 : i32
      %dma_start3A_211 = arith.constant 0 : i32
      %dma_start3A_212 = tpu.memref_slice %arg4[%add3A_210, %dma_start3A_211] : memref<204800x128xf32, #tpu.memory_space<hbm>> -> memref<128x128xf32, #tpu.memory_space<hbm>>
      %dma_start3A_213 = arith.constant 0 : i32
      %dma_start3A_214 = tpu.memref_slice %arg4[%add3A_210, %dma_start3A_213] : memref<204800x128xf32, #tpu.memory_space<hbm>> -> memref<128x128xf32, #tpu.memory_space<hbm>>
      tpu.enqueue_dma source(%arg10 : memref<128x128xf32, #tpu.memory_space<vmem>>) target(%dma_start3A_214 : memref<128x128xf32, #tpu.memory_space<hbm>>) target_semaphore(%arg20 : memref<!tpu.dma_semaphore, #tpu.memory_space<semaphore_mem>>)
      %add3A_215 = arith.constant 4 : i32
      %add3A_216 = arith.addi %add3A_195, %add3A_215 : i32
      %sub3A_217 = arith.constant 5 : i32
      %sub3A_218 = arith.subi %add3A_216, %sub3A_217 : i32
      %ge3A_219 = arith.constant 0 : i32
      %ge3A_220 = arith.cmpi sge, %sub3A_218, %ge3A_219 : i32
      %convert_element_type3A_221 = arith.extui %ge3A_220 : i1 to i32
      %cond3A_222 = arith.constant 0 : i32
      %cond3A_223 = arith.cmpi ne, %convert_element_type3A_221, %cond3A_222 : i32
      scf.if %cond3A_223 {
        %add3A_231 = arith.constant 4 : i32
        %add3A_232 = arith.addi %add3A_195, %add3A_231 : i32
        %sub3A_233 = arith.constant 5 : i32
        %sub3A_234 = arith.subi %add3A_232, %sub3A_233 : i32
        %mul3A_235 = arith.constant 128 : i32
        %mul3A_236 = arith.muli %sub3A_234, %mul3A_235 : i32
        %add3A_237 = arith.addi %mul3A_2, %mul3A_236 : i32
        %dma_wait3A_238 = arith.constant 0 : i32
        %dma_wait3A_239 = tpu.memref_slice %arg4[%add3A_237, %dma_wait3A_238] : memref<204800x128xf32, #tpu.memory_space<hbm>> -> memref<128x128xf32, #tpu.memory_space<hbm>>
        %dma_wait3A_240 = arith.constant 0 : i32
        %dma_wait3A_241 = tpu.memref_slice %arg4[%add3A_237, %dma_wait3A_240] : memref<204800x128xf32, #tpu.memory_space<hbm>> -> memref<128x128xf32, #tpu.memory_space<hbm>>
        tpu.wait_dma2 semaphore(%arg19 : memref<!tpu.dma_semaphore, #tpu.memory_space<semaphore_mem>>) src(%arg9 : memref<128x128xf32, #tpu.memory_space<vmem>>) dst(%dma_wait3A_241 : memref<128x128xf32, #tpu.memory_space<hbm>>)
      } else {
      }
      %add3A_224 = arith.constant 4 : i32
      %add3A_225 = arith.addi %add3A_195, %add3A_224 : i32
      %lt3A_226 = arith.constant 50 : i32
      %lt3A_227 = arith.cmpi slt, %add3A_225, %lt3A_226 : i32
      %convert_element_type3A_228 = arith.extui %lt3A_227 : i1 to i32
      %cond3A_229 = arith.constant 0 : i32
      %cond3A_230 = arith.cmpi ne, %convert_element_type3A_228, %cond3A_229 : i32
      scf.if %cond3A_230 {
        %add3A_231 = arith.constant 4 : i32
        %add3A_232 = arith.addi %add3A_195, %add3A_231 : i32
        %dma_start3A_233 = arith.constant 0 : i32
        %dma_start3A_234 = tpu.memref_slice %arg5[%add3A_232, %dma_start3A_233] : memref<50x128xi32, #tpu.memory_space<vmem>> -> memref<1x128xi32, #tpu.memory_space<vmem>>
        %dma_start3A_235 = tpu.memref_squeeze %dma_start3A_234 : memref<1x128xi32, #tpu.memory_space<vmem>> -> memref<128xi32, #tpu.memory_space<vmem>>
        %dma_start3A_236 = arith.constant 0 : i32
        %dma_start3A_237 = arith.constant 0 : i32
        %dma_start3A_238 = tpu.memref_slice %arg3[%dma_start3A_236, %dma_start3A_237] : memref<1000000x128xf32, #tpu.memory_space<hbm>> -> memref<1000000x128xf32, #tpu.memory_space<hbm>>
        tpu.enqueue_indirect_dma source(%dma_start3A_238 : memref<1000000x128xf32, #tpu.memory_space<hbm>>) target(%arg9 : memref<128x128xf32, #tpu.memory_space<vmem>>) offsets(%dma_start3A_235 : memref<128xi32, #tpu.memory_space<vmem>>) semaphore(%arg14 : memref<!tpu.dma_semaphore, #tpu.memory_space<semaphore_mem>>)
      } else {
      }
    }
    %scan3A_34 = arith.constant 10 : i32
    %add3A_35 = arith.constant 6272 : i32
    %add3A_36 = arith.addi %mul3A_2, %add3A_35 : i32
    %dma_wait3A = arith.constant 0 : i32
    %dma_wait3A_37 = tpu.memref_slice %arg4[%add3A_36, %dma_wait3A] : memref<204800x128xf32, #tpu.memory_space<hbm>> -> memref<128x128xf32, #tpu.memory_space<hbm>>
    %dma_wait3A_38 = arith.constant 0 : i32
    %dma_wait3A_39 = tpu.memref_slice %arg4[%add3A_36, %dma_wait3A_38] : memref<204800x128xf32, #tpu.memory_space<hbm>> -> memref<128x128xf32, #tpu.memory_space<hbm>>
    tpu.wait_dma2 semaphore(%arg20 : memref<!tpu.dma_semaphore, #tpu.memory_space<semaphore_mem>>) src(%arg10 : memref<128x128xf32, #tpu.memory_space<vmem>>) dst(%dma_wait3A_39 : memref<128x128xf32, #tpu.memory_space<hbm>>)
    return
  }
}

</mosaic_0001>

<sc_bundles>
// kernel: kernel.3.cloned.1.call-start
scs
__scs_entry_jumppad:
0x0: {  	(pc) =	sbr.rel $0x88, $3  }
0x1: {  	(tag) =	ssettag $0x0;
	lr =	simm.s32 $0x1  }
0x2: {  	[smem:$0x3F9F] =	sst lr;
	_ =	strace $0xD0000000  }
0x3: {  	_ = 	snop  }
0x4: {  	_ = 	snop  }
0x5: {  	_ = 	snop  }
0x6: {  	_ = 	snop  }
0x7: {  	_ = 	snop  }
__scs_overlays_trampoline_lowered:
0x8: {  	[smem:$0x3FAE] =	sst s0  }
0x9: {  	[smem:$0x3FAF] =	sst s1  }
0xa: {  	[smem:$0x3FB0] =	sst s2  }
0xb: {  	[smem:$0x3FB1] =	sst s3  }
0xc: {  	[smem:$0x3FB2] =	sst s4  }
0xd: {  	[smem:$0x3FB3] =	sst s5  }
0xe: {  	[smem:$0x3FB4] =	sst s6  }
0xf: {  	[smem:$0x3FB5] =	sst s7  }
0x10: {  	[smem:$0x3FB6] =	sst s8  }
0x11: {  	[smem:$0x3FB7] =	sst s9;
	s0 =	simm.s32 @!p0 $0x0  }
0x12: {  	s1 =	sld [smem:$0x3F9D];
	s0 =	simm.s32 @p0 $0x1  }
0x13: {  	[smem:$0x3FB8] =	sst s0;
	s0 =	simm.s32 @!p1 $0x0  }
0x14: {  	s2 =	sld [smem:$0x3F9C];
	s0 =	simm.s32 @p1 $0x1  }
0x15: {  	[smem:$0x3FB9] =	sst s0;
	s0 =	simm.s32 @!p2 $0x0  }
0x16: {  	s3 =	sld [smem:$0x3FDB];
	s0 =	simm.s32 @p2 $0x1  }
0x17: {  	s4 =	simm.s32 $0x1BF5;
	[smem:$0x3FBB] =	sst s0  }
0x18: {  	s0 =	sld [smem:$0x3F9E];
	_ =	swait.ge [sflag:s4], $0x0  }
0x19: {  	s7 =	sld [smem:$0x3F9F]  }
0x1a: {  	s8 =	sadd.s32 $0xFFFFE003, lr  }
0x1b: {  	s9 =	sadd.s32 $0xFFFFFEF7, lr;
	s5 =	simm.s32 $0xFFFFFFFF;
	p2 =	slt.u32 s8, $0xFFFFF086  }
0x1c: {  	p1 =	slt.u32 s9, $0xF7A;
	s5 =	simm.s32 @!p2 $0x0  }
0x1d: {  	s5 =	simm.s32 @p1 $0x1;
	p0 =	seq.s32 s7, s2  }
0x1e: {  	s7 =	smul.u32 @!p0 $0xF7A, s2;
	p2 =	seq.s32 @!p0 s5, $0x0  }
0x1f: {  	s9 =	smul.u32 $0xF7A, s1;
	s8 =	simm.s32 @!p0 $0x1BF5;
	p2 =	por !p2, p0  }
0x20: {  	[sflag:s8] =	ssyncset.s32 @!p0 $0xFFFFF086;
	s6 =	sadd.s32 @!p0 s3, s7;
	s7 =	simm.s32 @!p0 $0x108  }
0x21: {  	s3 =	sadd.s32 s3, s9;
	s6 =	sadd.s32 @!p0 $0x88, s6;
	s7 =	simm.s32 @p2 $0x1082  }
0x22: {  	[simem:s7], [sflag:s8] =	dma.local @!p0 [hbm:s6], $0xF7A  }
0x23: {  	s9 =	sor.u32 $0xD0000000, s2;
	s6 =	simm.s32 $0x108;
	_ =	swait.ge @!p0 [sflag:s8], $0x0  }
0x24: {  	s3 =	sadd.s32 $0x88, s3;
	s6 =	simm.s32 @!p1 $0x1082;
	[sflag:s4] =	ssyncset.s32 $0xFFFFF086  }
0x25: {  	[simem:s6], [sflag:s4] =	dma.local [hbm:s3], $0xF7A  }
0x26: {  	[smem:$0x3F9F] =	sst s1;
	(tag) =	ssettag s2;
	_ =	strace s9  }
0x27: {  	s1 =	sld [smem:$0x3FAF]  }
0x28: {  	s2 =	sld [smem:$0x3FB0]  }
0x29: {  	s4 =	sld [smem:$0x3FB2]  }
0x2a: {  	p0 =	seq.s32 s5, $0x0;
	s5 =	sld [smem:$0x3FB3]  }
0x2b: {  	s6 =	sld [smem:$0x3FB4]  }
0x2c: {  	s7 =	sld [smem:$0x3FB5]  }
0x2d: {  	s3 =	simm.s32 $0x108;
	s8 =	sld [smem:$0x3FB6]  }
0x2e: {  	s3 =	simm.s32 @!p0 $0x1082;
	s9 =	sld [smem:$0x3FB7]  }
0x2f: {  	lr =	sadd.s32 s0, s3;
	s0 =	sld [smem:$0x3FAE]  }
0x30: {  	s3 =	sld [smem:$0x3FB1]  }
0x31: {  	[smem:$0x3FBA] =	sst s10  }
0x32: {  	s10 =	sld [smem:$0x3FB8];
	_ =	sdelay $0x3  }
0x33: {  	p0 =	seq.s32 s10, $0x1;
	s10 =	sld [smem:$0x3FBA];
	_ =	sdelay $0x3  }
0x34: {  	[smem:$0x3FBA] =	sst s10  }
0x35: {  	s10 =	sld [smem:$0x3FB9];
	_ =	sdelay $0x3  }
0x36: {  	p1 =	seq.s32 s10, $0x1;
	s10 =	sld [smem:$0x3FBA];
	_ =	sdelay $0x3  }
0x37: {  	[smem:$0x3FBA] =	sst s10  }
0x38: {  	s10 =	sld [smem:$0x3FBB]  }
0x39: {  	_ = 	snop;
	(pc) =	sbr.ind lr, $3  }
0x3a: {  	_ = 	snop  }
0x3b: {  	_ = 	snop  }
0x3c: {  	p2 =	seq.s32 s10, $0x1;
	s10 =	sld [smem:$0x3FBA]  }
0x3d: {  	_ =	shalt  }
0x3e: {  	_ =	shalt  }
0x3f: {  	_ =	shalt  }
0x40: {  	_ =	shalt  }
0x41: {  	_ =	shalt  }
0x42: {  	_ =	shalt  }
0x43: {  	_ =	shalt  }
0x44: {  	_ =	shalt  }
0x45: {  	_ =	shalt  }
0x46: {  	_ =	shalt  }
0x47: {  	_ =	shalt  }
0x48: {  	_ =	shalt  }
0x49: {  	_ =	shalt  }
0x4a: {  	_ =	shalt  }
0x4b: {  	_ =	shalt  }
0x4c: {  	_ =	shalt  }
0x4d: {  	_ =	shalt  }
0x4e: {  	_ =	shalt  }
0x4f: {  	_ =	shalt  }
0x50: {  	_ =	shalt  }
0x51: {  	_ =	shalt  }
0x52: {  	_ =	shalt  }
0x53: {  	_ =	shalt  }
0x54: {  	_ =	shalt  }
0x55: {  	_ =	shalt  }
0x56: {  	_ =	shalt  }
0x57: {  	_ =	shalt  }
0x58: {  	_ =	shalt  }
0x59: {  	_ =	shalt  }
0x5a: {  	_ =	shalt  }
0x5b: {  	_ =	shalt  }
0x5c: {  	_ =	shalt  }
0x5d: {  	_ =	shalt  }
0x5e: {  	_ =	shalt  }
0x5f: {  	_ =	shalt  }
0x60: {  	_ =	shalt  }
0x61: {  	_ =	shalt  }
0x62: {  	_ =	shalt  }
0x63: {  	_ =	shalt  }
0x64: {  	_ =	shalt  }
0x65: {  	_ =	shalt  }
0x66: {  	_ =	shalt  }
0x67: {  	_ =	shalt  }
0x68: {  	_ =	shalt  }
0x69: {  	_ =	shalt  }
0x6a: {  	_ =	shalt  }
0x6b: {  	_ =	shalt  }
0x6c: {  	_ =	shalt  }
0x6d: {  	_ =	shalt  }
0x6e: {  	_ =	shalt  }
0x6f: {  	_ =	shalt  }
0x70: {  	_ =	shalt  }
0x71: {  	_ =	shalt  }
0x72: {  	_ =	shalt  }
0x73: {  	_ =	shalt  }
0x74: {  	_ =	shalt  }
0x75: {  	_ =	shalt  }
0x76: {  	_ =	shalt  }
0x77: {  	_ =	shalt  }
0x78: {  	_ =	shalt  }
0x79: {  	_ =	shalt  }
0x7a: {  	_ =	shalt  }
0x7b: {  	_ =	shalt  }
0x7c: {  	_ =	shalt  }
0x7d: {  	_ =	shalt  }
0x7e: {  	_ =	shalt  }
0x7f: {  	_ =	shalt  }
0x80: {  	_ =	shalt  }
0x81: {  	_ =	shalt  }
0x82: {  	_ =	shalt  }
0x83: {  	_ =	shalt  }
0x84: {  	_ =	shalt  }
0x85: {  	_ =	shalt  }
0x86: {  	_ =	shalt  }
0x87: {  	_ =	shalt  }
.Lfunc_end0:
.L_simem_size_0:
called_computation_lowered:
.L_overlay_start_0:
0x88: {  	s2 =	sld [smem:$0x3FD9]  }
0x89: {  	s3 =	sld [smem:$0x3FFE];
	_ =	sdelay $0x1  }
0x8a: {  	s1 =	srdreg.scid  }
0x8b: {  	s0 =	sand.u32 $0x1, s1  }
0x8c: {  	s17 =	sshll.u32 s0, $0xA;
	s2 =	sadd.s32 s3, s2  }
0x8d: {  	s2 =	sadd.s32 s2, s17  }
0x8e: {  	[smem:$0x3FC6] =	sst s2  }
0x8f: {  	_ = 	snop  }
0x90: {  	s2 =	sld [smem:$0x3FC8]  }
0x91: {  	s18 =	sld [smem:$0x3FD0];
	(tm) =	ssettm $0x1  }
0x92: {  	s4 =	sld [smem:$0x3FFB];
	_ =	sdelay $0x3  }
0x93: {  	_ =	strace s4  }
0x94: {  	s4 =	sld [smem:$0x3FFC];
	_ =	sdelay $0x3  }
0x95: {  	_ =	strace s4  }
0x96: {  	s4 =	sld [smem:$0x3FFD];
	_ =	sdelay $0x3  }
0x97: {  	_ =	strace s4  }
0x98: {  	_ =	strace $0x8FFFFFFF  }
0x99: {  	s19 =	sld [smem:$0x3FDB];
	_ =	sdelay $0x1  }
0x9a: {  	s5 =	simm.s32 $_scs_section_size  }
0x9b: {  	s6 =	simm.s32 $_size__tile_overlayer_lowered;
	s7 =	simm.s32 $_tile_overlayer_lowered  }
0x9c: {  	s22 =	simm.s32 $0x1BFF;
	s21 =	sshll.u32 s7, $0x1;
	s4 =	sadd.s32 s5, s19  }
0x9d: {  	s8 =	simm.s32 $0x0;
	s20 =	sshll.u32 s6, $0x1;
	s6 =	sadd.s32 s21, s4  }
0x9e: {  	[timem:s8], [sflag:s22] =	dma.local [hbm:s6], s20  }
0x9f: {  	_ =	swait.ge [sflag:s22], s20  }
0xa0: {  	s5 =	ssub.s32 $0x0, s20;
	[sflag:s22] =	ssyncset.done $0x0  }
0xa1: {  	[sflag:s22] =	ssyncadd.s32 s5;
	_ =	sdelay $0x1  }
0xa2: {  	s23 =	simm.s32 $0x1B8B  }
0xa3: {  	_ =	swait.ge [sflag:s23], $0x1  }
0xa4: {  	[sflag:s23] =	ssyncset.done $0x0  }
0xa5: {  	s25 =	simm.s32 $0x1B8E;
	s24 =	sld [smem:$0x3FFE];
	[sflag:s23] =	ssyncadd.s32 $0xFFFFFFFF  }
0xa6: {  	s26 =	simm.s32 $execute0_lowered;
	[smem:$0x3FD2] =	sst s25  }
0xa7: {  	s6 =	sshll.u32 s26, $0x1;
	_ =	strace $0x80000046;
	[dreg:$0x1] =	wrdreg $0xFFFFFFFF  }
0xa8: {  	s28 =	simm.s32 $_size_execute0_lowered;
	s4 =	sadd.s32 s4, s6;
	[dreg:$0x0] =	wrdreg $0x0  }
0xa9: {  	s6 =	sshll.u32 s28, $0x1;
	[dreg:$0x2] =	wrdreg s4  }
0xaa: {  	[dreg:$0x3] =	wrdreg s6  }
0xab: {  	[dreg:$0x4] =	wrdreg $0xC0  }
0xac: {  	_ =	task [dreg:s8], $0x5FFFF  }
0xad: {  	[dreg:$0x1] =	wrdreg $0xFFFFFFFF  }
0xae: {  	[dreg:$0x0] =	wrdreg $0x60  }
0xaf: {  	[dreg:$0x2] =	wrdreg s24  }
0xb0: {  	[dreg:$0x3] =	wrdreg s2  }
0xb1: {  	[dreg:$0x4] =	wrdreg s18  }
0xb2: {  	[dreg:$0x5] =	wrdreg $0x9  }
0xb3: {  	_ =	task.clear_ibuf [dreg:s8], $0x6FFFF;
	_ =	strace $0x90000046  }
0xb4: {  	s29 =	simm.s32 $0x9;
	_ =	strace $0x80000048  }
0xb5: {  	_ =	swait.ge [sflag:s29], $0x1  }
0xb6: {  	[sflag:s29] =	ssyncadd.s32 $0xFFFFFFFF  }
0xb7: {  	_ =	strace $0x90000048  }
0xb8: {  	_ =	sfence  }
0xb9: {  	s30 =	sld [smem:$0x0];
	_ =	sdelay $0x2  }
0xba: {  	s31 =	sshll.u32 s1, $0xD;
	s1 =	sshrl.u32 s1, $0x2  }
0xbb: {  	s3 =	sand.u32 $0x4000, s31;
	s1 =	sadd.s32 s1, s30  }
0xbc: {  	s0 =	sor.u32 s3, s0;
	s1 =	sshll.u32 s1, $0x11  }
0xbd: {  	s0 =	sor.u32 s1, s0  }
0xbe: {  	s0 =	sadd.s32 $0x8F2B, s0  }
0xbf: {  	[sflag:s0] =	ssyncadd.remote.s32 $0x1  }
0xc0: {  	_ =	sfence.sel $0xFFFF  }
0xc1: {  	[dreg:$0x0] =	wrdreg $0xFFFFFFFF;
	(pc) =	sbr.abs _section_cstart, $3  }
0xc2: {  	[dreg:$0x1] =	wrdreg $0xFFFFFFFF  }
0xc3: {  	_ =	task.clear_ibuf [dreg:s8], $0x2FFFF;
	_ =	strace $0x9FFFFFFF  }
0xc4: {  	(tm) =	ssettm $0x7FFFFFFF  }
0xc5: {  	_ =	shalt  }
tec
execute0_lowered:
.L_overlay_start_1:
0x0: {  	(tag) =	ssettag $0x1  }
0x1: {  	s0 =	rddreg [dreg:$0x0]  }
0x2: {  	s2 =	rddreg [dreg:$0x1];
	s1 =	srdreg.scid  }
0x3: {  	s4 =	stileid.u32;
	s3 =	rddreg [dreg:$0x2];
	s14 =	simm.s32 $0x80  }
0x4: {  	s15 =	simm.s32 $0x1C00;
	s16 =	simm.s32 $0x5C00;
	s18 =	simm.s32 $0x9C00  }
0x5: {  	s20 =	simm.s32 $0xDC00;
	s22 =	simm.s32 $0x1;
	s23 =	simm.s32 $0x11C00  }
0x6: {  	s24 =	simm.s32 $0x2;
	s1 =	sand.u32 $0x1, s1;
	s5 =	sshll.u32 s4, $0x1  }
0x7: {  	s25 =	simm.s32 $0x6;
	s28 =	simm.s32 $0x7;
	s6 =	sor.u32 s1, s5  }
0x8: {  	s29 =	simm.s32 $0x4;
	s30 =	simm.s32 $0x8;
	s5 =	smul.u32 $0x1C00, s6  }
0x9: {  	s31 =	simm.s32 $0x5;
	s17 =	simm.s32 $0x0;
	s4 =	simm.s32 $0x0  }
0xa: {  	s1 =	ssub.s32 $0x2, s1;
	s7 =	sshrl.u32 s5, $0x3;
	s5 =	smul.u32 $0xC8000, s6  }
0xb: {  	[smem:$0x7FF] =	sst s4;
	s8 =	sshrl.u32 s1, $0x1;
	s6 =	smul.u32 $0x1900, s6  }
.Ltmp0:
0xc: {  	_ =	strace $0x80000047;
	s1 =	ssub.s32 s1, s8;
	(pc) =	sbr.rel .LBB2_1-.Ltmp0, $4  }
0xd: {  	s26 =	smax.u32 s1, $0x1;
	s1 =	simm.s32 $0x9;
	s0 =	sadd.s32 s7, s0  }
0xe: {  	[dreg:$0x6] =	wrdreg s26;
	s26 =	simm.s32 $0x3;
	s7 =	sadd.s32 $0x400, s0  }
0xf: {  	s0 =	sadd.s32 $0x480, s0;
	s9 =	sor.u32 $0x4000, s5;
	[dreg:$0x4] =	wrdreg s7  }
0x10: {  	s10 =	sadd.s32 $0x8000, s5;
	s11 =	sadd.s32 $0xC000, s5;
	[dreg:$0x5] =	wrdreg s0  }
.LBB2_14:
0x11: {  	s7 =	simm.s32 $0xA  }
0x12: {  	_ =	swait.ge [sflag:s7], $0x4000  }
0x13: {  	s17 =	sadd.s32 $0x1, s17;
	s0 =	rddreg [dreg:$0x6]  }
0x14: {  	p0 =	sne.s32 s17, s0  }
.Ltmp1:
0x15: {  	_ = 	snop;
	(pc) =	sbr.rel @!p0 .LBB2_15-.Ltmp1, $3  }
0x16: {  	_ =	sdelay $0x1  }
0x17: {  	[sflag:s7] =	ssyncset.done $0x0  }
0x18: {  	[sflag:s7] =	ssyncadd.s32 $0xFFFFC000  }
.LBB2_1:
0x19: {  	s0 =	rddreg [dreg:$0x4];
	s7 =	simm.s32 $0xB  }
0x1a: {  	[tilespmem:s4], [sflag:$0xB] =	stream.linear.gather [hbm4b:s0+s4], $0x400, $0x38;
	[tilespmem:$0x15C00] =	vst v63  }
0x1b: {  	_ =	swait.ge [sflag:s7], $0x400  }
0x1c: {  	[sflag:s7] =	ssyncset.done $0x0  }
0x1d: {  	[sflag:s7] =	ssyncadd.s32 $0xFFFFFC00  }
0x1e: {  	[tilespmem:s15], [sflag:$0x1] =	stream.indirect.gather [hbm4b:s2+s14], $0x80, s4, s14, $0xb8;
	[tilespmem:$0x15C00] =	vst v63  }
0x1f: {  	_ = 	snop  }
0x20: {  	[tilespmem:s16], [sflag:$0x2] =	stream.indirect.gather [hbm4b:s2+s14], $0x80, s14, s14, $0xb8;
	[tilespmem:$0x15C00] =	vst v63  }
0x21: {  	s13 =	simm.s32 $0x100  }
0x22: {  	[tilespmem:s18], [sflag:$0x3] =	stream.indirect.gather [hbm4b:s2+s14], $0x80, s13, s14, $0xb8;
	[tilespmem:$0x15C00] =	vst v63  }
0x23: {  	s19 =	simm.s32 $0x180  }
0x24: {  	[tilespmem:s20], [sflag:$0x4] =	stream.indirect.gather [hbm4b:s2+s14], $0x80, s19, s14, $0xb8;
	[tilespmem:$0x15C00] =	vst v63  }
0x25: {  	s8 =	simm.s32 $0x400;
	s21 =	rddreg [dreg:$0x5]  }
0x26: {  	[tilespmem:s8], [sflag:$0xB] =	stream.linear.gather [hbm4b:s21+s4], $0x1500, $0x38;
	[tilespmem:$0x15C00] =	vst v63  }
0x27: {  	_ =	swait.ge [sflag:s7], $0x1500  }
0x28: {  	[sflag:s7] =	ssyncset.done $0x0  }
0x29: {  	s19 =	simm.s32 $0x0;
	[sflag:s7] =	ssyncadd.s32 $0xFFFFEB00  }
.LBB2_2:
0x2a: {  	_ =	swait.ge [sflag:s22], $0x4000  }
0x2b: {  	[sflag:s22] =	ssyncset.done $0x0  }
0x2c: {  	s7 =	simm.s32 $0x1D00;
	[sflag:s22] =	ssyncadd.s32 $0xFFFFC000  }
0x2d: {  	v0 =	vld [tilespmem:s7+$0xFFFFFF00]  }
0x2e: {  	v1 =	vld [tilespmem:s7+$0xFFFFFF10]  }
0x2f: {  	v2 =	vld [tilespmem:s7+$0xFFFFFF20]  }
0x30: {  	v3 =	vld [tilespmem:s7+$0xFFFFFF30]  }
0x31: {  	v4 =	vld [tilespmem:s7+$0xFFFFFF40]  }
0x32: {  	v5 =	vld [tilespmem:s7+$0xFFFFFF50];
	v0 =	vmul.f32 $1.131370830e+01, v0  }
0x33: {  	v6 =	vld [tilespmem:s7+$0xFFFFFF60];
	v1 =	vmul.f32 $1.131370830e+01, v1  }
0x34: {  	[tilespmem:s7+$0xFFFFFF00] =	vst v0;
	v0 =	vmul.f32 $1.131370830e+01, v2;
	v2 =	vld [tilespmem:s7+$0xFFFFFF70]  }
0x35: {  	[tilespmem:s7+$0xFFFFFF10] =	vst v1;
	v1 =	vmul.f32 $1.131370830e+01, v3;
	v3 =	vld [tilespmem:s7+$0xFFFFFF80]  }
0x36: {  	[tilespmem:s7+$0xFFFFFF20] =	vst v0;
	v0 =	vmul.f32 $1.131370830e+01, v4;
	v4 =	vld [tilespmem:s7+$0xFFFFFF90]  }
0x37: {  	[tilespmem:s7+$0xFFFFFF30] =	vst v1;
	v1 =	vmul.f32 $1.131370830e+01, v5;
	v5 =	vld [tilespmem:s7+$0xFFFFFFA0]  }
0x38: {  	[tilespmem:s7+$0xFFFFFF40] =	vst v0;
	v0 =	vmul.f32 $1.131370830e+01, v6;
	v6 =	vld [tilespmem:s7+$0xFFFFFFB0]  }
0x39: {  	[tilespmem:s7+$0xFFFFFF50] =	vst v1;
	v1 =	vmul.f32 $1.131370830e+01, v2;
	v2 =	vld [tilespmem:s7+$0xFFFFFFC0]  }
0x3a: {  	[tilespmem:s7+$0xFFFFFF60] =	vst v0;
	v0 =	vmul.f32 $1.131370830e+01, v3;
	v3 =	vld [tilespmem:s7+$0xFFFFFFD0]  }
0x3b: {  	[tilespmem:s7+$0xFFFFFF70] =	vst v1;
	v1 =	vmul.f32 $1.131370830e+01, v4;
	v4 =	vld [tilespmem:s7+$0xFFFFFFE0]  }
0x3c: {  	[tilespmem:s7+$0xFFFFFF80] =	vst v0;
	v0 =	vmul.f32 $1.131370830e+01, v5;
	v5 =	vld [tilespmem:s7+$0x0]  }
0x3d: {  	[tilespmem:s7+$0xFFFFFF90] =	vst v1;
	v1 =	vmul.f32 $1.131370830e+01, v6;
	v6 =	vld [tilespmem:s7+$0x10]  }
0x3e: {  	[tilespmem:s7+$0xFFFFFFA0] =	vst v0;
	v0 =	vmul.f32 $1.131370830e+01, v2;
	v2 =	vld [tilespmem:s7+$0x20]  }
0x3f: {  	[tilespmem:s7+$0xFFFFFFB0] =	vst v1;
	v1 =	vmul.f32 $1.131370830e+01, v3;
	v3 =	vld [tilespmem:s7+$0x30]  }
0x40: {  	[tilespmem:s7+$0xFFFFFFC0] =	vst v0;
	v0 =	vmul.f32 $1.131370830e+01, v4;
	v4 =	vld [tilespmem:s7+$0x40]  }
0x41: {  	[tilespmem:s7+$0xFFFFFFD0] =	vst v1;
	v1 =	vmul.f32 $1.131370830e+01, v5;
	v5 =	vld [tilespmem:s7+$0x50]  }
0x42: {  	[tilespmem:s7+$0xFFFFFFE0] =	vst v0;
	v0 =	vmul.f32 $1.131370830e+01, v6;
	v6 =	vld [tilespmem:s7+$0x60]  }
0x43: {  	[tilespmem:s7+$0x0] =	vst v1;
	v1 =	vmul.f32 $1.131370830e+01, v2;
	v2 =	vld [tilespmem:s7+$0x70]  }
0x44: {  	[tilespmem:s7+$0x10] =	vst v0;
	v0 =	vmul.f32 $1.131370830e+01, v3;
	v3 =	vld [tilespmem:s7+$0x80]  }
0x45: {  	[tilespmem:s7+$0x20] =	vst v1;
	v1 =	vmul.f32 $1.131370830e+01, v4;
	v4 =	vld [tilespmem:s7+$0x90]  }
0x46: {  	[tilespmem:s7+$0x30] =	vst v0;
	v0 =	vmul.f32 $1.131370830e+01, v5;
	v5 =	vld [tilespmem:s7+$0xA0]  }
0x47: {  	[tilespmem:s7+$0x40] =	vst v1;
	v1 =	vmul.f32 $1.131370830e+01, v6;
	v6 =	vld [tilespmem:s7+$0xB0]  }
0x48: {  	[tilespmem:s7+$0x50] =	vst v0;
	v2 =	vmul.f32 $1.131370830e+01, v2;
	v0 =	vld [tilespmem:s7+$0xC0]  }
0x49: {  	[tilespmem:s7+$0x60] =	vst v1;
	v7 =	vmul.f32 $1.131370830e+01, v3;
	v1 =	vld [tilespmem:s7+$0xD0]  }
0x4a: {  	v3 =	vld [tilespmem:s7+$0xE0];
	[tilespmem:s7+$0x70] =	vst v2;
	v8 =	vmul.f32 $1.131370830e+01, v4  }
0x4b: {  	v2 =	vld [tilespmem:s7+$0xF0];
	[tilespmem:s7+$0x80] =	vst v7;
	v5 =	vmul.f32 $1.131370830e+01, v5  }
0x4c: {  	s8 =	simm.s32 $0x0;
	s0 =	simm.s32 $0x1F00;
	v4 =	vld [tilespmem:s7+$0xFFFFFFF0];
	[tilespmem:s7+$0x90] =	vst v8;
	v6 =	vmul.f32 $1.131370830e+01, v6  }
.LBB2_3:
0x4d: {  	v7 =	vld [tilespmem:s0+$0xFFFFFF00];
	[tilespmem:s7+$0xA0] =	vst v5;
	v0 =	vmul.f32 $1.131370830e+01, v0  }
0x4e: {  	v5 =	vld [tilespmem:s0+$0xFFFFFF10];
	[tilespmem:s7+$0xB0] =	vst v6;
	v1 =	vmul.f32 $1.131370830e+01, v1  }
0x4f: {  	v6 =	vld [tilespmem:s0+$0xFFFFFF20];
	[tilespmem:s7+$0xC0] =	vst v0;
	v0 =	vmul.f32 $1.131370830e+01, v3  }
0x50: {  	v3 =	vld [tilespmem:s0+$0xFFFFFF30];
	[tilespmem:s7+$0xD0] =	vst v1;
	v1 =	vmul.f32 $1.131370830e+01, v2  }
0x51: {  	v2 =	vld [tilespmem:s0+$0xFFFFFF40];
	v4 =	vmul.f32 $1.131370830e+01, v4;
	[tilespmem:s7+$0xE0] =	vst v0  }
0x52: {  	v0 =	vmul.f32 $1.131370830e+01, v7;
	v7 =	vld [tilespmem:s0+$0xFFFFFF50];
	[tilespmem:s7+$0xF0] =	vst v1  }
0x53: {  	v1 =	vmul.f32 $1.131370830e+01, v5;
	v5 =	vld [tilespmem:s0+$0xFFFFFF60];
	[tilespmem:s7+$0xFFFFFFF0] =	vst v4;
	s7 =	smov.u32 s0  }
0x54: {  	[tilespmem:s0+$0xFFFFFF00] =	vst v0;
	v0 =	vmul.f32 $1.131370830e+01, v6;
	v4 =	vld [tilespmem:s0+$0xFFFFFF70]  }
0x55: {  	[tilespmem:s0+$0xFFFFFF10] =	vst v1;
	v1 =	vmul.f32 $1.131370830e+01, v3;
	v3 =	vld [tilespmem:s0+$0xFFFFFF80]  }
0x56: {  	[tilespmem:s0+$0xFFFFFF20] =	vst v0;
	v0 =	vmul.f32 $1.131370830e+01, v2;
	v2 =	vld [tilespmem:s0+$0xFFFFFF90]  }
0x57: {  	[tilespmem:s0+$0xFFFFFF30] =	vst v1;
	v1 =	vmul.f32 $1.131370830e+01, v7;
	v6 =	vld [tilespmem:s0+$0xFFFFFFA0]  }
0x58: {  	[tilespmem:s0+$0xFFFFFF40] =	vst v0;
	v0 =	vmul.f32 $1.131370830e+01, v5;
	v5 =	vld [tilespmem:s0+$0xFFFFFFB0]  }
0x59: {  	[tilespmem:s0+$0xFFFFFF50] =	vst v1;
	v1 =	vmul.f32 $1.131370830e+01, v4;
	v4 =	vld [tilespmem:s0+$0xFFFFFFC0]  }
0x5a: {  	[tilespmem:s0+$0xFFFFFF60] =	vst v0;
	v0 =	vmul.f32 $1.131370830e+01, v3;
	v3 =	vld [tilespmem:s0+$0xFFFFFFD0]  }
0x5b: {  	[tilespmem:s0+$0xFFFFFF70] =	vst v1;
	v1 =	vmul.f32 $1.131370830e+01, v2;
	v2 =	vld [tilespmem:s0+$0xFFFFFFE0]  }
0x5c: {  	[tilespmem:s0+$0xFFFFFF80] =	vst v0;
	v0 =	vmul.f32 $1.131370830e+01, v6;
	v6 =	vld [tilespmem:s0+$0x0]  }
0x5d: {  	[tilespmem:s0+$0xFFFFFF90] =	vst v1;
	v1 =	vmul.f32 $1.131370830e+01, v5;
	v5 =	vld [tilespmem:s0+$0x10]  }
0x5e: {  	[tilespmem:s0+$0xFFFFFFA0] =	vst v0;
	v0 =	vmul.f32 $1.131370830e+01, v4;
	v4 =	vld [tilespmem:s0+$0x20]  }
0x5f: {  	[tilespmem:s0+$0xFFFFFFB0] =	vst v1;
	v1 =	vmul.f32 $1.131370830e+01, v3;
	v3 =	vld [tilespmem:s0+$0x30]  }
0x60: {  	[tilespmem:s0+$0xFFFFFFC0] =	vst v0;
	v0 =	vmul.f32 $1.131370830e+01, v2;
	v2 =	vld [tilespmem:s0+$0x40]  }
0x61: {  	[tilespmem:s0+$0xFFFFFFD0] =	vst v1;
	v1 =	vmul.f32 $1.131370830e+01, v6;
	v6 =	vld [tilespmem:s0+$0x50]  }
0x62: {  	[tilespmem:s0+$0xFFFFFFE0] =	vst v0;
	v0 =	vmul.f32 $1.131370830e+01, v5;
	v5 =	vld [tilespmem:s0+$0x60]  }
0x63: {  	[tilespmem:s0+$0x0] =	vst v1;
	v1 =	vmul.f32 $1.131370830e+01, v4;
	v4 =	vld [tilespmem:s0+$0x70]  }
0x64: {  	[tilespmem:s0+$0x10] =	vst v0;
	v0 =	vmul.f32 $1.131370830e+01, v3;
	v3 =	vld [tilespmem:s0+$0x80]  }
0x65: {  	[tilespmem:s0+$0x20] =	vst v1;
	v1 =	vmul.f32 $1.131370830e+01, v2;
	v2 =	vld [tilespmem:s0+$0x90]  }
0x66: {  	s8 =	sadd.s32 $0x4, s8;
	[tilespmem:s0+$0x30] =	vst v0;
	v0 =	vmul.f32 $1.131370830e+01, v6;
	v6 =	vld [tilespmem:s0+$0xA0]  }
0x67: {  	p0 =	slt.u32 s8, $0x7C;
	[tilespmem:s0+$0x40] =	vst v1;
	v1 =	vmul.f32 $1.131370830e+01, v5;
	v7 =	vld [tilespmem:s0+$0xB0]  }
.Ltmp2:
0x68: {  	[tilespmem:s0+$0x50] =	vst v0;
	v4 =	vmul.f32 $1.131370830e+01, v4;
	v0 =	vld [tilespmem:s0+$0xC0];
	(pc) =	sbr.rel @p0 .LBB2_3-.Ltmp2, $4  }
0x69: {  	[tilespmem:s0+$0x60] =	vst v1;
	v5 =	vmul.f32 $1.131370830e+01, v3;
	v1 =	vld [tilespmem:s0+$0xD0]  }
0x6a: {  	[tilespmem:s0+$0x70] =	vst v4;
	v8 =	vmul.f32 $1.131370830e+01, v2;
	v3 =	vld [tilespmem:s0+$0xE0]  }
0x6b: {  	[tilespmem:s0+$0x80] =	vst v5;
	v5 =	vmul.f32 $1.131370830e+01, v6;
	v2 =	vld [tilespmem:s0+$0xF0]  }
0x6c: {  	s0 =	sadd.s32 $0x200, s0;
	v4 =	vld [tilespmem:s7+$0xFFFFFFF0];
	[tilespmem:s7+$0x90] =	vst v8;
	v6 =	vmul.f32 $1.131370830e+01, v7  }
0x6d: {  	[tilespmem:s7+$0xA0] =	vst v5;
	v0 =	vmul.f32 $1.131370830e+01, v0  }
0x6e: {  	[tilespmem:s7+$0xB0] =	vst v6;
	v1 =	vmul.f32 $1.131370830e+01, v1  }
0x6f: {  	s0 =	smul.u32 $0x280, s19;
	[tilespmem:s7+$0xC0] =	vst v0;
	v0 =	vmul.f32 $1.131370830e+01, v3  }
0x70: {  	[tilespmem:s7+$0xD0] =	vst v1;
	v1 =	vmul.f32 $1.131370830e+01, v2  }
0x71: {  	s0 =	sadd.s32 s6, s0;
	v2 =	vmul.f32 $1.131370830e+01, v4;
	[tilespmem:s7+$0xE0] =	vst v0  }
0x72: {  	p0 =	seq.s32 s19, $0x0;
	s0 =	sshll.u32 s0, $0x4;
	[tilespmem:s7+$0xF0] =	vst v1  }
0x73: {  	s21 =	smul.u32 $0x5, s19;
	s0 =	sadd.s32 s3, s0;
	[tilespmem:s7+$0xFFFFFFF0] =	vst v2;
	s7 =	simm.s32 @!p0 $0xA  }
0x74: {  	[hbm4b:s0+s4] =	stream.linear.scatter [tilespmem:s15], [sflag:$0x6], $0x4000, $0x38;
	[tilespmem:$0x15C00] =	vst v63  }
0x75: {  	s21 =	sadd.s32 $0x4, s21;
	_ =	swait.ge @!p0 [sflag:s7], $0x4000  }
0x76: {  	s0 =	sshll.u32 s21, $0x7;
	[sflag:s7] =	ssyncset.done @!p0 $0x0  }
0x77: {  	s0 =	sand.u32 $0x3FFFFF80, s0;
	[sflag:s7] =	ssyncadd.s32 @!p0 $0xFFFFC000  }
0x78: {  	[tilespmem:s23], [sflag:$0x5] =	stream.indirect.gather [hbm4b:s2+s14], $0x80, s0, s14, $0xb8;
	[tilespmem:$0x15C00] =	vst v63  }
0x79: {  	_ =	swait.ge [sflag:s24], $0x4000  }
0x7a: {  	[sflag:s24] =	ssyncset.done $0x0  }
0x7b: {  	s8 =	simm.s32 $0x5D00;
	[sflag:s24] =	ssyncadd.s32 $0xFFFFC000  }
0x7c: {  	v0 =	vld [tilespmem:s8+$0xFFFFFF00]  }
0x7d: {  	v1 =	vld [tilespmem:s8+$0xFFFFFF10]  }
0x7e: {  	v2 =	vld [tilespmem:s8+$0xFFFFFF20]  }
0x7f: {  	v3 =	vld [tilespmem:s8+$0xFFFFFF30]  }
0x80: {  	v4 =	vld [tilespmem:s8+$0xFFFFFF40]  }
0x81: {  	v5 =	vld [tilespmem:s8+$0xFFFFFF50];
	v0 =	vmul.f32 $1.131370830e+01, v0  }
0x82: {  	v6 =	vld [tilespmem:s8+$0xFFFFFF60];
	v1 =	vmul.f32 $1.131370830e+01, v1  }
0x83: {  	[tilespmem:s8+$0xFFFFFF00] =	vst v0;
	v0 =	vmul.f32 $1.131370830e+01, v2;
	v2 =	vld [tilespmem:s8+$0xFFFFFF70]  }
0x84: {  	[tilespmem:s8+$0xFFFFFF10] =	vst v1;
	v1 =	vmul.f32 $1.131370830e+01, v3;
	v3 =	vld [tilespmem:s8+$0xFFFFFF80]  }
0x85: {  	[tilespmem:s8+$0xFFFFFF20] =	vst v0;
	v0 =	vmul.f32 $1.131370830e+01, v4;
	v4 =	vld [tilespmem:s8+$0xFFFFFF90]  }
0x86: {  	[tilespmem:s8+$0xFFFFFF30] =	vst v1;
	v1 =	vmul.f32 $1.131370830e+01, v5;
	v5 =	vld [tilespmem:s8+$0xFFFFFFA0]  }
0x87: {  	[tilespmem:s8+$0xFFFFFF40] =	vst v0;
	v0 =	vmul.f32 $1.131370830e+01, v6;
	v6 =	vld [tilespmem:s8+$0xFFFFFFB0]  }
0x88: {  	[tilespmem:s8+$0xFFFFFF50] =	vst v1;
	v1 =	vmul.f32 $1.131370830e+01, v2;
	v2 =	vld [tilespmem:s8+$0xFFFFFFC0]  }
0x89: {  	[tilespmem:s8+$0xFFFFFF60] =	vst v0;
	v0 =	vmul.f32 $1.131370830e+01, v3;
	v3 =	vld [tilespmem:s8+$0xFFFFFFD0]  }
0x8a: {  	[tilespmem:s8+$0xFFFFFF70] =	vst v1;
	v1 =	vmul.f32 $1.131370830e+01, v4;
	v4 =	vld [tilespmem:s8+$0xFFFFFFE0]  }
0x8b: {  	[tilespmem:s8+$0xFFFFFF80] =	vst v0;
	v0 =	vmul.f32 $1.131370830e+01, v5;
	v5 =	vld [tilespmem:s8+$0x0]  }
0x8c: {  	[tilespmem:s8+$0xFFFFFF90] =	vst v1;
	v1 =	vmul.f32 $1.131370830e+01, v6;
	v6 =	vld [tilespmem:s8+$0x10]  }
0x8d: {  	[tilespmem:s8+$0xFFFFFFA0] =	vst v0;
	v0 =	vmul.f32 $1.131370830e+01, v2;
	v2 =	vld [tilespmem:s8+$0x20]  }
0x8e: {  	[tilespmem:s8+$0xFFFFFFB0] =	vst v1;
	v1 =	vmul.f32 $1.131370830e+01, v3;
	v3 =	vld [tilespmem:s8+$0x30]  }
0x8f: {  	[tilespmem:s8+$0xFFFFFFC0] =	vst v0;
	v0 =	vmul.f32 $1.131370830e+01, v4;
	v4 =	vld [tilespmem:s8+$0x40]  }
0x90: {  	[tilespmem:s8+$0xFFFFFFD0] =	vst v1;
	v1 =	vmul.f32 $1.131370830e+01, v5;
	v5 =	vld [tilespmem:s8+$0x50]  }
0x91: {  	[tilespmem:s8+$0xFFFFFFE0] =	vst v0;
	v0 =	vmul.f32 $1.131370830e+01, v6;
	v6 =	vld [tilespmem:s8+$0x60]  }
0x92: {  	[tilespmem:s8+$0x0] =	vst v1;
	v1 =	vmul.f32 $1.131370830e+01, v2;
	v2 =	vld [tilespmem:s8+$0x70]  }
0x93: {  	[tilespmem:s8+$0x10] =	vst v0;
	v0 =	vmul.f32 $1.131370830e+01, v3;
	v3 =	vld [tilespmem:s8+$0x80]  }
0x94: {  	[tilespmem:s8+$0x20] =	vst v1;
	v1 =	vmul.f32 $1.131370830e+01, v4;
	v4 =	vld [tilespmem:s8+$0x90]  }
0x95: {  	[tilespmem:s8+$0x30] =	vst v0;
	v0 =	vmul.f32 $1.131370830e+01, v5;
	v5 =	vld [tilespmem:s8+$0xA0]  }
0x96: {  	[tilespmem:s8+$0x40] =	vst v1;
	v1 =	vmul.f32 $1.131370830e+01, v6;
	v6 =	vld [tilespmem:s8+$0xB0]  }
0x97: {  	[tilespmem:s8+$0x50] =	vst v0;
	v2 =	vmul.f32 $1.131370830e+01, v2;
	v0 =	vld [tilespmem:s8+$0xC0]  }
0x98: {  	[tilespmem:s8+$0x60] =	vst v1;
	v7 =	vmul.f32 $1.131370830e+01, v3;
	v1 =	vld [tilespmem:s8+$0xD0]  }
0x99: {  	v3 =	vld [tilespmem:s8+$0xE0];
	[tilespmem:s8+$0x70] =	vst v2;
	v8 =	vmul.f32 $1.131370830e+01, v4  }
0x9a: {  	v2 =	vld [tilespmem:s8+$0xF0];
	[tilespmem:s8+$0x80] =	vst v7;
	v5 =	vmul.f32 $1.131370830e+01, v5  }
0x9b: {  	s7 =	simm.s32 $0x0;
	s0 =	simm.s32 $0x5F00;
	v4 =	vld [tilespmem:s8+$0xFFFFFFF0];
	[tilespmem:s8+$0x90] =	vst v8;
	v6 =	vmul.f32 $1.131370830e+01, v6  }
.LBB2_5:
0x9c: {  	v7 =	vld [tilespmem:s0+$0xFFFFFF00];
	[tilespmem:s8+$0xA0] =	vst v5;
	v0 =	vmul.f32 $1.131370830e+01, v0  }
0x9d: {  	v5 =	vld [tilespmem:s0+$0xFFFFFF10];
	[tilespmem:s8+$0xB0] =	vst v6;
	v1 =	vmul.f32 $1.131370830e+01, v1  }
0x9e: {  	v6 =	vld [tilespmem:s0+$0xFFFFFF20];
	[tilespmem:s8+$0xC0] =	vst v0;
	v0 =	vmul.f32 $1.131370830e+01, v3  }
0x9f: {  	v3 =	vld [tilespmem:s0+$0xFFFFFF30];
	[tilespmem:s8+$0xD0] =	vst v1;
	v1 =	vmul.f32 $1.131370830e+01, v2  }
0xa0: {  	v2 =	vld [tilespmem:s0+$0xFFFFFF40];
	v4 =	vmul.f32 $1.131370830e+01, v4;
	[tilespmem:s8+$0xE0] =	vst v0  }
0xa1: {  	v0 =	vmul.f32 $1.131370830e+01, v7;
	v7 =	vld [tilespmem:s0+$0xFFFFFF50];
	[tilespmem:s8+$0xF0] =	vst v1  }
0xa2: {  	v1 =	vmul.f32 $1.131370830e+01, v5;
	v5 =	vld [tilespmem:s0+$0xFFFFFF60];
	[tilespmem:s8+$0xFFFFFFF0] =	vst v4;
	s8 =	smov.u32 s0  }
0xa3: {  	[tilespmem:s0+$0xFFFFFF00] =	vst v0;
	v0 =	vmul.f32 $1.131370830e+01, v6;
	v4 =	vld [tilespmem:s0+$0xFFFFFF70]  }
0xa4: {  	[tilespmem:s0+$0xFFFFFF10] =	vst v1;
	v1 =	vmul.f32 $1.131370830e+01, v3;
	v3 =	vld [tilespmem:s0+$0xFFFFFF80]  }
0xa5: {  	[tilespmem:s0+$0xFFFFFF20] =	vst v0;
	v0 =	vmul.f32 $1.131370830e+01, v2;
	v2 =	vld [tilespmem:s0+$0xFFFFFF90]  }
0xa6: {  	[tilespmem:s0+$0xFFFFFF30] =	vst v1;
	v1 =	vmul.f32 $1.131370830e+01, v7;
	v6 =	vld [tilespmem:s0+$0xFFFFFFA0]  }
0xa7: {  	[tilespmem:s0+$0xFFFFFF40] =	vst v0;
	v0 =	vmul.f32 $1.131370830e+01, v5;
	v5 =	vld [tilespmem:s0+$0xFFFFFFB0]  }
0xa8: {  	[tilespmem:s0+$0xFFFFFF50] =	vst v1;
	v1 =	vmul.f32 $1.131370830e+01, v4;
	v4 =	vld [tilespmem:s0+$0xFFFFFFC0]  }
0xa9: {  	[tilespmem:s0+$0xFFFFFF60] =	vst v0;
	v0 =	vmul.f32 $1.131370830e+01, v3;
	v3 =	vld [tilespmem:s0+$0xFFFFFFD0]  }
0xaa: {  	[tilespmem:s0+$0xFFFFFF70] =	vst v1;
	v1 =	vmul.f32 $1.131370830e+01, v2;
	v2 =	vld [tilespmem:s0+$0xFFFFFFE0]  }
0xab: {  	[tilespmem:s0+$0xFFFFFF80] =	vst v0;
	v0 =	vmul.f32 $1.131370830e+01, v6;
	v6 =	vld [tilespmem:s0+$0x0]  }
0xac: {  	[tilespmem:s0+$0xFFFFFF90] =	vst v1;
	v1 =	vmul.f32 $1.131370830e+01, v5;
	v5 =	vld [tilespmem:s0+$0x10]  }
0xad: {  	[tilespmem:s0+$0xFFFFFFA0] =	vst v0;
	v0 =	vmul.f32 $1.131370830e+01, v4;
	v4 =	vld [tilespmem:s0+$0x20]  }
0xae: {  	[tilespmem:s0+$0xFFFFFFB0] =	vst v1;
	v1 =	vmul.f32 $1.131370830e+01, v3;
	v3 =	vld [tilespmem:s0+$0x30]  }
0xaf: {  	[tilespmem:s0+$0xFFFFFFC0] =	vst v0;
	v0 =	vmul.f32 $1.131370830e+01, v2;
	v2 =	vld [tilespmem:s0+$0x40]  }
0xb0: {  	[tilespmem:s0+$0xFFFFFFD0] =	vst v1;
	v1 =	vmul.f32 $1.131370830e+01, v6;
	v6 =	vld [tilespmem:s0+$0x50]  }
0xb1: {  	[tilespmem:s0+$0xFFFFFFE0] =	vst v0;
	v0 =	vmul.f32 $1.131370830e+01, v5;
	v5 =	vld [tilespmem:s0+$0x60]  }
0xb2: {  	[tilespmem:s0+$0x0] =	vst v1;
	v1 =	vmul.f32 $1.131370830e+01, v4;
	v4 =	vld [tilespmem:s0+$0x70]  }
0xb3: {  	[tilespmem:s0+$0x10] =	vst v0;
	v0 =	vmul.f32 $1.131370830e+01, v3;
	v3 =	vld [tilespmem:s0+$0x80]  }
0xb4: {  	[tilespmem:s0+$0x20] =	vst v1;
	v1 =	vmul.f32 $1.131370830e+01, v2;
	v2 =	vld [tilespmem:s0+$0x90]  }
0xb5: {  	s7 =	sadd.s32 $0x4, s7;
	[tilespmem:s0+$0x30] =	vst v0;
	v0 =	vmul.f32 $1.131370830e+01, v6;
	v6 =	vld [tilespmem:s0+$0xA0]  }
0xb6: {  	p0 =	slt.u32 s7, $0x7C;
	[tilespmem:s0+$0x40] =	vst v1;
	v1 =	vmul.f32 $1.131370830e+01, v5;
	v7 =	vld [tilespmem:s0+$0xB0]  }
.Ltmp3:
0xb7: {  	[tilespmem:s0+$0x50] =	vst v0;
	v4 =	vmul.f32 $1.131370830e+01, v4;
	v0 =	vld [tilespmem:s0+$0xC0];
	(pc) =	sbr.rel @p0 .LBB2_5-.Ltmp3, $4  }
0xb8: {  	[tilespmem:s0+$0x60] =	vst v1;
	v5 =	vmul.f32 $1.131370830e+01, v3;
	v1 =	vld [tilespmem:s0+$0xD0]  }
0xb9: {  	[tilespmem:s0+$0x70] =	vst v4;
	v8 =	vmul.f32 $1.131370830e+01, v2;
	v3 =	vld [tilespmem:s0+$0xE0]  }
0xba: {  	[tilespmem:s0+$0x80] =	vst v5;
	v5 =	vmul.f32 $1.131370830e+01, v6;
	v2 =	vld [tilespmem:s0+$0xF0]  }
0xbb: {  	s0 =	sadd.s32 $0x200, s0;
	v4 =	vld [tilespmem:s8+$0xFFFFFFF0];
	[tilespmem:s8+$0x90] =	vst v8;
	v6 =	vmul.f32 $1.131370830e+01, v7  }
0xbc: {  	[tilespmem:s8+$0xA0] =	vst v5;
	v0 =	vmul.f32 $1.131370830e+01, v0  }
0xbd: {  	[tilespmem:s8+$0xB0] =	vst v6;
	v1 =	vmul.f32 $1.131370830e+01, v1  }
0xbe: {  	s7 =	smul.u32 $0x14000, s19;
	[tilespmem:s8+$0xC0] =	vst v0;
	v0 =	vmul.f32 $1.131370830e+01, v3  }
0xbf: {  	[tilespmem:s8+$0xD0] =	vst v1;
	v1 =	vmul.f32 $1.131370830e+01, v2  }
0xc0: {  	s0 =	sadd.s32 s9, s7;
	v2 =	vmul.f32 $1.131370830e+01, v4;
	[tilespmem:s8+$0xE0] =	vst v0  }
0xc1: {  	s0 =	sshrl.u32 s0, $0x3;
	[tilespmem:s8+$0xF0] =	vst v1  }
0xc2: {  	p0 =	seq.s32 s19, $0x9;
	s0 =	sadd.s32 s3, s0;
	[tilespmem:s8+$0xFFFFFFF0] =	vst v2  }
0xc3: {  	[hbm4b:s0+s4] =	stream.linear.scatter [tilespmem:s16], [sflag:$0x7], $0x4000, $0x38;
	[tilespmem:$0x15C00] =	vst v63  }
0xc4: {  	s0 =	smul.u32 @!p0 $0xA00, s19  }
0xc5: {  	_ =	swait.ge [sflag:s25], $0x4000  }
0xc6: {  	s12 =	simm.s32 @!p0 $0x80;
	[sflag:s25] =	ssyncset.done $0x0;
	s8 =	sshra.s32 @!p0 s0, $0x2  }
0xc7: {  	s13 =	simm.s32 @!p0 $0x1C00;
	[sflag:s25] =	ssyncadd.s32 $0xFFFFC000;
	s0 =	sadd.s32 @!p0 $0x280, s8  }
0xc8: {  	[tilespmem:s13], [sflag:$0x1] =	stream.indirect.gather @!p0 [hbm4b:s2+s12], $0x80, s0, s12, $0xb8;
	[tilespmem:$0x15C00] =	vst v63  }
0xc9: {  	_ =	swait.ge [sflag:s26], $0x4000  }
0xca: {  	[sflag:s26] =	ssyncset.done $0x0  }
0xcb: {  	s12 =	simm.s32 $0x9D00;
	[sflag:s26] =	ssyncadd.s32 $0xFFFFC000  }
0xcc: {  	v0 =	vld [tilespmem:s12+$0xFFFFFF00]  }
0xcd: {  	v1 =	vld [tilespmem:s12+$0xFFFFFF10]  }
0xce: {  	v2 =	vld [tilespmem:s12+$0xFFFFFF20]  }
0xcf: {  	v3 =	vld [tilespmem:s12+$0xFFFFFF30]  }
0xd0: {  	v4 =	vld [tilespmem:s12+$0xFFFFFF40]  }
0xd1: {  	v5 =	vld [tilespmem:s12+$0xFFFFFF50];
	v0 =	vmul.f32 $1.131370830e+01, v0  }
0xd2: {  	v6 =	vld [tilespmem:s12+$0xFFFFFF60];
	v1 =	vmul.f32 $1.131370830e+01, v1  }
0xd3: {  	[tilespmem:s12+$0xFFFFFF00] =	vst v0;
	v0 =	vmul.f32 $1.131370830e+01, v2;
	v2 =	vld [tilespmem:s12+$0xFFFFFF70]  }
0xd4: {  	[tilespmem:s12+$0xFFFFFF10] =	vst v1;
	v1 =	vmul.f32 $1.131370830e+01, v3;
	v3 =	vld [tilespmem:s12+$0xFFFFFF80]  }
0xd5: {  	[tilespmem:s12+$0xFFFFFF20] =	vst v0;
	v0 =	vmul.f32 $1.131370830e+01, v4;
	v4 =	vld [tilespmem:s12+$0xFFFFFF90]  }
0xd6: {  	[tilespmem:s12+$0xFFFFFF30] =	vst v1;
	v1 =	vmul.f32 $1.131370830e+01, v5;
	v5 =	vld [tilespmem:s12+$0xFFFFFFA0]  }
0xd7: {  	[tilespmem:s12+$0xFFFFFF40] =	vst v0;
	v0 =	vmul.f32 $1.131370830e+01, v6;
	v6 =	vld [tilespmem:s12+$0xFFFFFFB0]  }
0xd8: {  	[tilespmem:s12+$0xFFFFFF50] =	vst v1;
	v1 =	vmul.f32 $1.131370830e+01, v2;
	v2 =	vld [tilespmem:s12+$0xFFFFFFC0]  }
0xd9: {  	[tilespmem:s12+$0xFFFFFF60] =	vst v0;
	v0 =	vmul.f32 $1.131370830e+01, v3;
	v3 =	vld [tilespmem:s12+$0xFFFFFFD0]  }
0xda: {  	[tilespmem:s12+$0xFFFFFF70] =	vst v1;
	v1 =	vmul.f32 $1.131370830e+01, v4;
	v4 =	vld [tilespmem:s12+$0xFFFFFFE0]  }
0xdb: {  	[tilespmem:s12+$0xFFFFFF80] =	vst v0;
	v0 =	vmul.f32 $1.131370830e+01, v5;
	v5 =	vld [tilespmem:s12+$0x0]  }
0xdc: {  	[tilespmem:s12+$0xFFFFFF90] =	vst v1;
	v1 =	vmul.f32 $1.131370830e+01, v6;
	v6 =	vld [tilespmem:s12+$0x10]  }
0xdd: {  	[tilespmem:s12+$0xFFFFFFA0] =	vst v0;
	v0 =	vmul.f32 $1.131370830e+01, v2;
	v2 =	vld [tilespmem:s12+$0x20]  }
0xde: {  	[tilespmem:s12+$0xFFFFFFB0] =	vst v1;
	v1 =	vmul.f32 $1.131370830e+01, v3;
	v3 =	vld [tilespmem:s12+$0x30]  }
0xdf: {  	[tilespmem:s12+$0xFFFFFFC0] =	vst v0;
	v0 =	vmul.f32 $1.131370830e+01, v4;
	v4 =	vld [tilespmem:s12+$0x40]  }
0xe0: {  	[tilespmem:s12+$0xFFFFFFD0] =	vst v1;
	v1 =	vmul.f32 $1.131370830e+01, v5;
	v5 =	vld [tilespmem:s12+$0x50]  }
0xe1: {  	[tilespmem:s12+$0xFFFFFFE0] =	vst v0;
	v0 =	vmul.f32 $1.131370830e+01, v6;
	v6 =	vld [tilespmem:s12+$0x60]  }
0xe2: {  	[tilespmem:s12+$0x0] =	vst v1;
	v1 =	vmul.f32 $1.131370830e+01, v2;
	v2 =	vld [tilespmem:s12+$0x70]  }
0xe3: {  	[tilespmem:s12+$0x10] =	vst v0;
	v0 =	vmul.f32 $1.131370830e+01, v3;
	v3 =	vld [tilespmem:s12+$0x80]  }
0xe4: {  	[tilespmem:s12+$0x20] =	vst v1;
	v1 =	vmul.f32 $1.131370830e+01, v4;
	v4 =	vld [tilespmem:s12+$0x90]  }
0xe5: {  	[tilespmem:s12+$0x30] =	vst v0;
	v0 =	vmul.f32 $1.131370830e+01, v5;
	v5 =	vld [tilespmem:s12+$0xA0]  }
0xe6: {  	[tilespmem:s12+$0x40] =	vst v1;
	v1 =	vmul.f32 $1.131370830e+01, v6;
	v6 =	vld [tilespmem:s12+$0xB0]  }
0xe7: {  	[tilespmem:s12+$0x50] =	vst v0;
	v2 =	vmul.f32 $1.131370830e+01, v2;
	v0 =	vld [tilespmem:s12+$0xC0]  }
0xe8: {  	[tilespmem:s12+$0x60] =	vst v1;
	v3 =	vmul.f32 $1.131370830e+01, v3;
	v1 =	vld [tilespmem:s12+$0xD0]  }
0xe9: {  	[tilespmem:s12+$0x70] =	vst v2;
	v7 =	vmul.f32 $1.131370830e+01, v4;
	v2 =	vld [tilespmem:s12+$0xE0]  }
0xea: {  	[tilespmem:s12+$0x80] =	vst v3;
	v3 =	vld [tilespmem:s12+$0xF0];
	v5 =	vmul.f32 $1.131370830e+01, v5  }
0xeb: {  	s0 =	simm.s32 $0x0;
	s13 =	simm.s32 $0x9F00;
	v4 =	vld [tilespmem:s12+$0xFFFFFFF0];
	[tilespmem:s12+$0x90] =	vst v7;
	v6 =	vmul.f32 $1.131370830e+01, v6  }
.LBB2_7:
0xec: {  	v7 =	vld [tilespmem:s13+$0xFFFFFF00];
	[tilespmem:s12+$0xA0] =	vst v5;
	v0 =	vmul.f32 $1.131370830e+01, v0  }
0xed: {  	v5 =	vld [tilespmem:s13+$0xFFFFFF10];
	[tilespmem:s12+$0xB0] =	vst v6;
	v1 =	vmul.f32 $1.131370830e+01, v1  }
0xee: {  	v6 =	vld [tilespmem:s13+$0xFFFFFF20];
	[tilespmem:s12+$0xC0] =	vst v0;
	v0 =	vmul.f32 $1.131370830e+01, v2  }
0xef: {  	v2 =	vld [tilespmem:s13+$0xFFFFFF30];
	[tilespmem:s12+$0xD0] =	vst v1;
	v1 =	vmul.f32 $1.131370830e+01, v3  }
0xf0: {  	v3 =	vld [tilespmem:s13+$0xFFFFFF40];
	v4 =	vmul.f32 $1.131370830e+01, v4;
	[tilespmem:s12+$0xE0] =	vst v0  }
0xf1: {  	v0 =	vmul.f32 $1.131370830e+01, v7;
	v7 =	vld [tilespmem:s13+$0xFFFFFF50];
	[tilespmem:s12+$0xF0] =	vst v1  }
0xf2: {  	v1 =	vmul.f32 $1.131370830e+01, v5;
	v5 =	vld [tilespmem:s13+$0xFFFFFF60];
	[tilespmem:s12+$0xFFFFFFF0] =	vst v4;
	s12 =	smov.u32 s13  }
0xf3: {  	[tilespmem:s13+$0xFFFFFF00] =	vst v0;
	v0 =	vmul.f32 $1.131370830e+01, v6;
	v4 =	vld [tilespmem:s13+$0xFFFFFF70]  }
0xf4: {  	[tilespmem:s13+$0xFFFFFF10] =	vst v1;
	v1 =	vmul.f32 $1.131370830e+01, v2;
	v2 =	vld [tilespmem:s13+$0xFFFFFF80]  }
0xf5: {  	[tilespmem:s13+$0xFFFFFF20] =	vst v0;
	v0 =	vmul.f32 $1.131370830e+01, v3;
	v3 =	vld [tilespmem:s13+$0xFFFFFF90]  }
0xf6: {  	[tilespmem:s13+$0xFFFFFF30] =	vst v1;
	v1 =	vmul.f32 $1.131370830e+01, v7;
	v6 =	vld [tilespmem:s13+$0xFFFFFFA0]  }
0xf7: {  	[tilespmem:s13+$0xFFFFFF40] =	vst v0;
	v0 =	vmul.f32 $1.131370830e+01, v5;
	v5 =	vld [tilespmem:s13+$0xFFFFFFB0]  }
0xf8: {  	[tilespmem:s13+$0xFFFFFF50] =	vst v1;
	v1 =	vmul.f32 $1.131370830e+01, v4;
	v4 =	vld [tilespmem:s13+$0xFFFFFFC0]  }
0xf9: {  	[tilespmem:s13+$0xFFFFFF60] =	vst v0;
	v0 =	vmul.f32 $1.131370830e+01, v2;
	v2 =	vld [tilespmem:s13+$0xFFFFFFD0]  }
0xfa: {  	[tilespmem:s13+$0xFFFFFF70] =	vst v1;
	v1 =	vmul.f32 $1.131370830e+01, v3;
	v3 =	vld [tilespmem:s13+$0xFFFFFFE0]  }
0xfb: {  	[tilespmem:s13+$0xFFFFFF80] =	vst v0;
	v0 =	vmul.f32 $1.131370830e+01, v6;
	v6 =	vld [tilespmem:s13+$0x0]  }
0xfc: {  	[tilespmem:s13+$0xFFFFFF90] =	vst v1;
	v1 =	vmul.f32 $1.131370830e+01, v5;
	v5 =	vld [tilespmem:s13+$0x10]  }
0xfd: {  	[tilespmem:s13+$0xFFFFFFA0] =	vst v0;
	v0 =	vmul.f32 $1.131370830e+01, v4;
	v4 =	vld [tilespmem:s13+$0x20]  }
0xfe: {  	[tilespmem:s13+$0xFFFFFFB0] =	vst v1;
	v1 =	vmul.f32 $1.131370830e+01, v2;
	v2 =	vld [tilespmem:s13+$0x30]  }
0xff: {  	[tilespmem:s13+$0xFFFFFFC0] =	vst v0;
	v0 =	vmul.f32 $1.131370830e+01, v3;
	v3 =	vld [tilespmem:s13+$0x40]  }
0x100: {  	[tilespmem:s13+$0xFFFFFFD0] =	vst v1;
	v1 =	vmul.f32 $1.131370830e+01, v6;
	v6 =	vld [tilespmem:s13+$0x50]  }
0x101: {  	[tilespmem:s13+$0xFFFFFFE0] =	vst v0;
	v0 =	vmul.f32 $1.131370830e+01, v5;
	v5 =	vld [tilespmem:s13+$0x60]  }
0x102: {  	[tilespmem:s13+$0x0] =	vst v1;
	v1 =	vmul.f32 $1.131370830e+01, v4;
	v4 =	vld [tilespmem:s13+$0x70]  }
0x103: {  	[tilespmem:s13+$0x10] =	vst v0;
	v0 =	vmul.f32 $1.131370830e+01, v2;
	v2 =	vld [tilespmem:s13+$0x80]  }
0x104: {  	[tilespmem:s13+$0x20] =	vst v1;
	v1 =	vmul.f32 $1.131370830e+01, v3;
	v3 =	vld [tilespmem:s13+$0x90]  }
0x105: {  	s0 =	sadd.s32 $0x4, s0;
	[tilespmem:s13+$0x30] =	vst v0;
	v0 =	vmul.f32 $1.131370830e+01, v6;
	v6 =	vld [tilespmem:s13+$0xA0]  }
0x106: {  	p1 =	slt.u32 s0, $0x7C;
	[tilespmem:s13+$0x40] =	vst v1;
	v1 =	vmul.f32 $1.131370830e+01, v5;
	v7 =	vld [tilespmem:s13+$0xB0]  }
.Ltmp4:
0x107: {  	[tilespmem:s13+$0x50] =	vst v0;
	v4 =	vmul.f32 $1.131370830e+01, v4;
	v0 =	vld [tilespmem:s13+$0xC0];
	(pc) =	sbr.rel @p1 .LBB2_7-.Ltmp4, $4  }
0x108: {  	[tilespmem:s13+$0x60] =	vst v1;
	v5 =	vmul.f32 $1.131370830e+01, v2;
	v1 =	vld [tilespmem:s13+$0xD0]  }
0x109: {  	[tilespmem:s13+$0x70] =	vst v4;
	v8 =	vmul.f32 $1.131370830e+01, v3;
	v2 =	vld [tilespmem:s13+$0xE0]  }
0x10a: {  	[tilespmem:s13+$0x80] =	vst v5;
	v5 =	vmul.f32 $1.131370830e+01, v6;
	v3 =	vld [tilespmem:s13+$0xF0]  }
0x10b: {  	s13 =	sadd.s32 $0x200, s13;
	v4 =	vld [tilespmem:s12+$0xFFFFFFF0];
	[tilespmem:s12+$0x90] =	vst v8;
	v6 =	vmul.f32 $1.131370830e+01, v7  }
0x10c: {  	[tilespmem:s12+$0xA0] =	vst v5;
	v0 =	vmul.f32 $1.131370830e+01, v0  }
0x10d: {  	[tilespmem:s12+$0xB0] =	vst v6;
	v1 =	vmul.f32 $1.131370830e+01, v1  }
0x10e: {  	[tilespmem:s12+$0xC0] =	vst v0;
	v0 =	vmul.f32 $1.131370830e+01, v2  }
0x10f: {  	[tilespmem:s12+$0xD0] =	vst v1;
	v1 =	vmul.f32 $1.131370830e+01, v3  }
0x110: {  	s0 =	sadd.s32 s10, s7;
	v2 =	vmul.f32 $1.131370830e+01, v4;
	[tilespmem:s12+$0xE0] =	vst v0  }
0x111: {  	s0 =	sshrl.u32 s0, $0x3;
	[tilespmem:s12+$0xF0] =	vst v1  }
0x112: {  	s0 =	sadd.s32 s3, s0;
	[tilespmem:s12+$0xFFFFFFF0] =	vst v2  }
0x113: {  	[hbm4b:s0+s4] =	stream.linear.scatter [tilespmem:s18], [sflag:$0x8], $0x4000, $0x38;
	[tilespmem:$0x15C00] =	vst v63  }
0x114: {  	_ =	swait.ge [sflag:s28], $0x4000  }
0x115: {  	s13 =	simm.s32 @!p0 $0x5C00;
	[sflag:s28] =	ssyncset.done $0x0  }
0x116: {  	s12 =	simm.s32 @!p0 $0x80;
	s0 =	sadd.s32 @!p0 $0x300, s8;
	[sflag:s28] =	ssyncadd.s32 $0xFFFFC000  }
0x117: {  	[tilespmem:s13], [sflag:$0x2] =	stream.indirect.gather @!p0 [hbm4b:s2+s12], $0x80, s0, s12, $0xb8;
	[tilespmem:$0x15C00] =	vst v63  }
0x118: {  	_ =	swait.ge [sflag:s29], $0x4000  }
0x119: {  	[sflag:s29] =	ssyncset.done $0x0  }
0x11a: {  	s12 =	simm.s32 $0xDD00;
	[sflag:s29] =	ssyncadd.s32 $0xFFFFC000  }
0x11b: {  	v0 =	vld [tilespmem:s12+$0xFFFFFF00]  }
0x11c: {  	v1 =	vld [tilespmem:s12+$0xFFFFFF10]  }
0x11d: {  	v2 =	vld [tilespmem:s12+$0xFFFFFF20]  }
0x11e: {  	v3 =	vld [tilespmem:s12+$0xFFFFFF30]  }
0x11f: {  	v4 =	vld [tilespmem:s12+$0xFFFFFF40]  }
0x120: {  	v5 =	vld [tilespmem:s12+$0xFFFFFF50];
	v0 =	vmul.f32 $1.131370830e+01, v0  }
0x121: {  	v6 =	vld [tilespmem:s12+$0xFFFFFF60];
	v1 =	vmul.f32 $1.131370830e+01, v1  }
0x122: {  	[tilespmem:s12+$0xFFFFFF00] =	vst v0;
	v0 =	vmul.f32 $1.131370830e+01, v2;
	v2 =	vld [tilespmem:s12+$0xFFFFFF70]  }
0x123: {  	[tilespmem:s12+$0xFFFFFF10] =	vst v1;
	v1 =	vmul.f32 $1.131370830e+01, v3;
	v3 =	vld [tilespmem:s12+$0xFFFFFF80]  }
0x124: {  	[tilespmem:s12+$0xFFFFFF20] =	vst v0;
	v0 =	vmul.f32 $1.131370830e+01, v4;
	v4 =	vld [tilespmem:s12+$0xFFFFFF90]  }
0x125: {  	[tilespmem:s12+$0xFFFFFF30] =	vst v1;
	v1 =	vmul.f32 $1.131370830e+01, v5;
	v5 =	vld [tilespmem:s12+$0xFFFFFFA0]  }
0x126: {  	[tilespmem:s12+$0xFFFFFF40] =	vst v0;
	v0 =	vmul.f32 $1.131370830e+01, v6;
	v6 =	vld [tilespmem:s12+$0xFFFFFFB0]  }
0x127: {  	[tilespmem:s12+$0xFFFFFF50] =	vst v1;
	v1 =	vmul.f32 $1.131370830e+01, v2;
	v2 =	vld [tilespmem:s12+$0xFFFFFFC0]  }
0x128: {  	[tilespmem:s12+$0xFFFFFF60] =	vst v0;
	v0 =	vmul.f32 $1.131370830e+01, v3;
	v3 =	vld [tilespmem:s12+$0xFFFFFFD0]  }
0x129: {  	[tilespmem:s12+$0xFFFFFF70] =	vst v1;
	v1 =	vmul.f32 $1.131370830e+01, v4;
	v4 =	vld [tilespmem:s12+$0xFFFFFFE0]  }
0x12a: {  	[tilespmem:s12+$0xFFFFFF80] =	vst v0;
	v0 =	vmul.f32 $1.131370830e+01, v5;
	v5 =	vld [tilespmem:s12+$0x0]  }
0x12b: {  	[tilespmem:s12+$0xFFFFFF90] =	vst v1;
	v1 =	vmul.f32 $1.131370830e+01, v6;
	v6 =	vld [tilespmem:s12+$0x10]  }
0x12c: {  	[tilespmem:s12+$0xFFFFFFA0] =	vst v0;
	v0 =	vmul.f32 $1.131370830e+01, v2;
	v2 =	vld [tilespmem:s12+$0x20]  }
0x12d: {  	[tilespmem:s12+$0xFFFFFFB0] =	vst v1;
	v1 =	vmul.f32 $1.131370830e+01, v3;
	v3 =	vld [tilespmem:s12+$0x30]  }
0x12e: {  	[tilespmem:s12+$0xFFFFFFC0] =	vst v0;
	v0 =	vmul.f32 $1.131370830e+01, v4;
	v4 =	vld [tilespmem:s12+$0x40]  }
0x12f: {  	[tilespmem:s12+$0xFFFFFFD0] =	vst v1;
	v1 =	vmul.f32 $1.131370830e+01, v5;
	v5 =	vld [tilespmem:s12+$0x50]  }
0x130: {  	[tilespmem:s12+$0xFFFFFFE0] =	vst v0;
	v0 =	vmul.f32 $1.131370830e+01, v6;
	v6 =	vld [tilespmem:s12+$0x60]  }
0x131: {  	[tilespmem:s12+$0x0] =	vst v1;
	v1 =	vmul.f32 $1.131370830e+01, v2;
	v2 =	vld [tilespmem:s12+$0x70]  }
0x132: {  	[tilespmem:s12+$0x10] =	vst v0;
	v0 =	vmul.f32 $1.131370830e+01, v3;
	v3 =	vld [tilespmem:s12+$0x80]  }
0x133: {  	[tilespmem:s12+$0x20] =	vst v1;
	v1 =	vmul.f32 $1.131370830e+01, v4;
	v4 =	vld [tilespmem:s12+$0x90]  }
0x134: {  	[tilespmem:s12+$0x30] =	vst v0;
	v0 =	vmul.f32 $1.131370830e+01, v5;
	v5 =	vld [tilespmem:s12+$0xA0]  }
0x135: {  	[tilespmem:s12+$0x40] =	vst v1;
	v1 =	vmul.f32 $1.131370830e+01, v6;
	v6 =	vld [tilespmem:s12+$0xB0]  }
0x136: {  	[tilespmem:s12+$0x50] =	vst v0;
	v2 =	vmul.f32 $1.131370830e+01, v2;
	v0 =	vld [tilespmem:s12+$0xC0]  }
0x137: {  	[tilespmem:s12+$0x60] =	vst v1;
	v3 =	vmul.f32 $1.131370830e+01, v3;
	v1 =	vld [tilespmem:s12+$0xD0]  }
0x138: {  	[tilespmem:s12+$0x70] =	vst v2;
	v7 =	vmul.f32 $1.131370830e+01, v4;
	v2 =	vld [tilespmem:s12+$0xE0]  }
0x139: {  	[tilespmem:s12+$0x80] =	vst v3;
	v3 =	vld [tilespmem:s12+$0xF0];
	v5 =	vmul.f32 $1.131370830e+01, v5  }
0x13a: {  	s0 =	simm.s32 $0x0;
	s13 =	simm.s32 $0xDF00;
	v4 =	vld [tilespmem:s12+$0xFFFFFFF0];
	[tilespmem:s12+$0x90] =	vst v7;
	v6 =	vmul.f32 $1.131370830e+01, v6  }
.LBB2_9:
0x13b: {  	v7 =	vld [tilespmem:s13+$0xFFFFFF00];
	[tilespmem:s12+$0xA0] =	vst v5;
	v0 =	vmul.f32 $1.131370830e+01, v0  }
0x13c: {  	v5 =	vld [tilespmem:s13+$0xFFFFFF10];
	[tilespmem:s12+$0xB0] =	vst v6;
	v1 =	vmul.f32 $1.131370830e+01, v1  }
0x13d: {  	v6 =	vld [tilespmem:s13+$0xFFFFFF20];
	[tilespmem:s12+$0xC0] =	vst v0;
	v0 =	vmul.f32 $1.131370830e+01, v2  }
0x13e: {  	v2 =	vld [tilespmem:s13+$0xFFFFFF30];
	[tilespmem:s12+$0xD0] =	vst v1;
	v1 =	vmul.f32 $1.131370830e+01, v3  }
0x13f: {  	v3 =	vld [tilespmem:s13+$0xFFFFFF40];
	v4 =	vmul.f32 $1.131370830e+01, v4;
	[tilespmem:s12+$0xE0] =	vst v0  }
0x140: {  	v0 =	vmul.f32 $1.131370830e+01, v7;
	v7 =	vld [tilespmem:s13+$0xFFFFFF50];
	[tilespmem:s12+$0xF0] =	vst v1  }
0x141: {  	v1 =	vmul.f32 $1.131370830e+01, v5;
	v5 =	vld [tilespmem:s13+$0xFFFFFF60];
	[tilespmem:s12+$0xFFFFFFF0] =	vst v4;
	s12 =	smov.u32 s13  }
0x142: {  	[tilespmem:s13+$0xFFFFFF00] =	vst v0;
	v0 =	vmul.f32 $1.131370830e+01, v6;
	v4 =	vld [tilespmem:s13+$0xFFFFFF70]  }
0x143: {  	[tilespmem:s13+$0xFFFFFF10] =	vst v1;
	v1 =	vmul.f32 $1.131370830e+01, v2;
	v2 =	vld [tilespmem:s13+$0xFFFFFF80]  }
0x144: {  	[tilespmem:s13+$0xFFFFFF20] =	vst v0;
	v0 =	vmul.f32 $1.131370830e+01, v3;
	v3 =	vld [tilespmem:s13+$0xFFFFFF90]  }
0x145: {  	[tilespmem:s13+$0xFFFFFF30] =	vst v1;
	v1 =	vmul.f32 $1.131370830e+01, v7;
	v6 =	vld [tilespmem:s13+$0xFFFFFFA0]  }
0x146: {  	[tilespmem:s13+$0xFFFFFF40] =	vst v0;
	v0 =	vmul.f32 $1.131370830e+01, v5;
	v5 =	vld [tilespmem:s13+$0xFFFFFFB0]  }
0x147: {  	[tilespmem:s13+$0xFFFFFF50] =	vst v1;
	v1 =	vmul.f32 $1.131370830e+01, v4;
	v4 =	vld [tilespmem:s13+$0xFFFFFFC0]  }
0x148: {  	[tilespmem:s13+$0xFFFFFF60] =	vst v0;
	v0 =	vmul.f32 $1.131370830e+01, v2;
	v2 =	vld [tilespmem:s13+$0xFFFFFFD0]  }
0x149: {  	[tilespmem:s13+$0xFFFFFF70] =	vst v1;
	v1 =	vmul.f32 $1.131370830e+01, v3;
	v3 =	vld [tilespmem:s13+$0xFFFFFFE0]  }
0x14a: {  	[tilespmem:s13+$0xFFFFFF80] =	vst v0;
	v0 =	vmul.f32 $1.131370830e+01, v6;
	v6 =	vld [tilespmem:s13+$0x0]  }
0x14b: {  	[tilespmem:s13+$0xFFFFFF90] =	vst v1;
	v1 =	vmul.f32 $1.131370830e+01, v5;
	v5 =	vld [tilespmem:s13+$0x10]  }
0x14c: {  	[tilespmem:s13+$0xFFFFFFA0] =	vst v0;
	v0 =	vmul.f32 $1.131370830e+01, v4;
	v4 =	vld [tilespmem:s13+$0x20]  }
0x14d: {  	[tilespmem:s13+$0xFFFFFFB0] =	vst v1;
	v1 =	vmul.f32 $1.131370830e+01, v2;
	v2 =	vld [tilespmem:s13+$0x30]  }
0x14e: {  	[tilespmem:s13+$0xFFFFFFC0] =	vst v0;
	v0 =	vmul.f32 $1.131370830e+01, v3;
	v3 =	vld [tilespmem:s13+$0x40]  }
0x14f: {  	[tilespmem:s13+$0xFFFFFFD0] =	vst v1;
	v1 =	vmul.f32 $1.131370830e+01, v6;
	v6 =	vld [tilespmem:s13+$0x50]  }
0x150: {  	[tilespmem:s13+$0xFFFFFFE0] =	vst v0;
	v0 =	vmul.f32 $1.131370830e+01, v5;
	v5 =	vld [tilespmem:s13+$0x60]  }
0x151: {  	[tilespmem:s13+$0x0] =	vst v1;
	v1 =	vmul.f32 $1.131370830e+01, v4;
	v4 =	vld [tilespmem:s13+$0x70]  }
0x152: {  	[tilespmem:s13+$0x10] =	vst v0;
	v0 =	vmul.f32 $1.131370830e+01, v2;
	v2 =	vld [tilespmem:s13+$0x80]  }
0x153: {  	[tilespmem:s13+$0x20] =	vst v1;
	v1 =	vmul.f32 $1.131370830e+01, v3;
	v3 =	vld [tilespmem:s13+$0x90]  }
0x154: {  	s0 =	sadd.s32 $0x4, s0;
	[tilespmem:s13+$0x30] =	vst v0;
	v0 =	vmul.f32 $1.131370830e+01, v6;
	v6 =	vld [tilespmem:s13+$0xA0]  }
0x155: {  	p1 =	slt.u32 s0, $0x7C;
	[tilespmem:s13+$0x40] =	vst v1;
	v1 =	vmul.f32 $1.131370830e+01, v5;
	v7 =	vld [tilespmem:s13+$0xB0]  }
.Ltmp5:
0x156: {  	[tilespmem:s13+$0x50] =	vst v0;
	v4 =	vmul.f32 $1.131370830e+01, v4;
	v0 =	vld [tilespmem:s13+$0xC0];
	(pc) =	sbr.rel @p1 .LBB2_9-.Ltmp5, $4  }
0x157: {  	[tilespmem:s13+$0x60] =	vst v1;
	v5 =	vmul.f32 $1.131370830e+01, v2;
	v1 =	vld [tilespmem:s13+$0xD0]  }
0x158: {  	[tilespmem:s13+$0x70] =	vst v4;
	v8 =	vmul.f32 $1.131370830e+01, v3;
	v2 =	vld [tilespmem:s13+$0xE0]  }
0x159: {  	[tilespmem:s13+$0x80] =	vst v5;
	v5 =	vmul.f32 $1.131370830e+01, v6;
	v3 =	vld [tilespmem:s13+$0xF0]  }
0x15a: {  	s13 =	sadd.s32 $0x200, s13;
	v4 =	vld [tilespmem:s12+$0xFFFFFFF0];
	[tilespmem:s12+$0x90] =	vst v8;
	v6 =	vmul.f32 $1.131370830e+01, v7  }
0x15b: {  	[tilespmem:s12+$0xA0] =	vst v5;
	v0 =	vmul.f32 $1.131370830e+01, v0  }
0x15c: {  	[tilespmem:s12+$0xB0] =	vst v6;
	v1 =	vmul.f32 $1.131370830e+01, v1  }
0x15d: {  	[tilespmem:s12+$0xC0] =	vst v0;
	v0 =	vmul.f32 $1.131370830e+01, v2  }
0x15e: {  	[tilespmem:s12+$0xD0] =	vst v1;
	v1 =	vmul.f32 $1.131370830e+01, v3  }
0x15f: {  	s0 =	sadd.s32 s11, s7;
	v2 =	vmul.f32 $1.131370830e+01, v4;
	[tilespmem:s12+$0xE0] =	vst v0  }
0x160: {  	s0 =	sshrl.u32 s0, $0x3;
	[tilespmem:s12+$0xF0] =	vst v1  }
0x161: {  	s0 =	sadd.s32 s3, s0;
	[tilespmem:s12+$0xFFFFFFF0] =	vst v2  }
0x162: {  	[hbm4b:s0+s4] =	stream.linear.scatter [tilespmem:s20], [sflag:$0x9], $0x4000, $0x38;
	[tilespmem:$0x15C00] =	vst v63  }
0x163: {  	_ =	swait.ge [sflag:s30], $0x4000  }
0x164: {  	s7 =	simm.s32 @!p0 $0x80;
	[sflag:s30] =	ssyncset.done $0x0  }
0x165: {  	s0 =	sadd.s32 @!p0 $0x380, s8;
	s8 =	simm.s32 @!p0 $0x9C00;
	[sflag:s30] =	ssyncadd.s32 $0xFFFFC000  }
0x166: {  	[tilespmem:s8], [sflag:$0x3] =	stream.indirect.gather @!p0 [hbm4b:s2+s7], $0x80, s0, s7, $0xb8;
	[tilespmem:$0x15C00] =	vst v63  }
0x167: {  	_ =	swait.ge [sflag:s31], $0x4000  }
0x168: {  	[sflag:s31] =	ssyncset.done $0x0  }
0x169: {  	s7 =	simm.s32 $0x11D00;
	[sflag:s31] =	ssyncadd.s32 $0xFFFFC000  }
0x16a: {  	v0 =	vld [tilespmem:s7+$0xFFFFFF00]  }
0x16b: {  	v1 =	vld [tilespmem:s7+$0xFFFFFF10]  }
0x16c: {  	v2 =	vld [tilespmem:s7+$0xFFFFFF20]  }
0x16d: {  	v3 =	vld [tilespmem:s7+$0xFFFFFF30]  }
0x16e: {  	v4 =	vld [tilespmem:s7+$0xFFFFFF40]  }
0x16f: {  	v5 =	vld [tilespmem:s7+$0xFFFFFF50];
	v0 =	vmul.f32 $1.131370830e+01, v0  }
0x170: {  	v6 =	vld [tilespmem:s7+$0xFFFFFF60];
	v1 =	vmul.f32 $1.131370830e+01, v1  }
0x171: {  	[tilespmem:s7+$0xFFFFFF00] =	vst v0;
	v0 =	vmul.f32 $1.131370830e+01, v2;
	v2 =	vld [tilespmem:s7+$0xFFFFFF70]  }
0x172: {  	[tilespmem:s7+$0xFFFFFF10] =	vst v1;
	v1 =	vmul.f32 $1.131370830e+01, v3;
	v3 =	vld [tilespmem:s7+$0xFFFFFF80]  }
0x173: {  	[tilespmem:s7+$0xFFFFFF20] =	vst v0;
	v0 =	vmul.f32 $1.131370830e+01, v4;
	v4 =	vld [tilespmem:s7+$0xFFFFFF90]  }
0x174: {  	[tilespmem:s7+$0xFFFFFF30] =	vst v1;
	v1 =	vmul.f32 $1.131370830e+01, v5;
	v5 =	vld [tilespmem:s7+$0xFFFFFFA0]  }
0x175: {  	[tilespmem:s7+$0xFFFFFF40] =	vst v0;
	v0 =	vmul.f32 $1.131370830e+01, v6;
	v6 =	vld [tilespmem:s7+$0xFFFFFFB0]  }
0x176: {  	[tilespmem:s7+$0xFFFFFF50] =	vst v1;
	v1 =	vmul.f32 $1.131370830e+01, v2;
	v2 =	vld [tilespmem:s7+$0xFFFFFFC0]  }
0x177: {  	[tilespmem:s7+$0xFFFFFF60] =	vst v0;
	v0 =	vmul.f32 $1.131370830e+01, v3;
	v3 =	vld [tilespmem:s7+$0xFFFFFFD0]  }
0x178: {  	[tilespmem:s7+$0xFFFFFF70] =	vst v1;
	v1 =	vmul.f32 $1.131370830e+01, v4;
	v4 =	vld [tilespmem:s7+$0xFFFFFFE0]  }
0x179: {  	[tilespmem:s7+$0xFFFFFF80] =	vst v0;
	v0 =	vmul.f32 $1.131370830e+01, v5;
	v5 =	vld [tilespmem:s7+$0x0]  }
0x17a: {  	[tilespmem:s7+$0xFFFFFF90] =	vst v1;
	v1 =	vmul.f32 $1.131370830e+01, v6;
	v6 =	vld [tilespmem:s7+$0x10]  }
0x17b: {  	[tilespmem:s7+$0xFFFFFFA0] =	vst v0;
	v0 =	vmul.f32 $1.131370830e+01, v2;
	v2 =	vld [tilespmem:s7+$0x20]  }
0x17c: {  	[tilespmem:s7+$0xFFFFFFB0] =	vst v1;
	v1 =	vmul.f32 $1.131370830e+01, v3;
	v3 =	vld [tilespmem:s7+$0x30]  }
0x17d: {  	[tilespmem:s7+$0xFFFFFFC0] =	vst v0;
	v0 =	vmul.f32 $1.131370830e+01, v4;
	v4 =	vld [tilespmem:s7+$0x40]  }
0x17e: {  	[tilespmem:s7+$0xFFFFFFD0] =	vst v1;
	v1 =	vmul.f32 $1.131370830e+01, v5;
	v5 =	vld [tilespmem:s7+$0x50]  }
0x17f: {  	[tilespmem:s7+$0xFFFFFFE0] =	vst v0;
	v0 =	vmul.f32 $1.131370830e+01, v6;
	v6 =	vld [tilespmem:s7+$0x60]  }
0x180: {  	[tilespmem:s7+$0x0] =	vst v1;
	v1 =	vmul.f32 $1.131370830e+01, v2;
	v2 =	vld [tilespmem:s7+$0x70]  }
0x181: {  	[tilespmem:s7+$0x10] =	vst v0;
	v0 =	vmul.f32 $1.131370830e+01, v3;
	v3 =	vld [tilespmem:s7+$0x80]  }
0x182: {  	[tilespmem:s7+$0x20] =	vst v1;
	v1 =	vmul.f32 $1.131370830e+01, v4;
	v4 =	vld [tilespmem:s7+$0x90]  }
0x183: {  	[tilespmem:s7+$0x30] =	vst v0;
	v0 =	vmul.f32 $1.131370830e+01, v5;
	v5 =	vld [tilespmem:s7+$0xA0]  }
0x184: {  	[tilespmem:s7+$0x40] =	vst v1;
	v1 =	vmul.f32 $1.131370830e+01, v6;
	v6 =	vld [tilespmem:s7+$0xB0]  }
0x185: {  	[tilespmem:s7+$0x50] =	vst v0;
	v2 =	vmul.f32 $1.131370830e+01, v2;
	v0 =	vld [tilespmem:s7+$0xC0]  }
0x186: {  	[tilespmem:s7+$0x60] =	vst v1;
	v3 =	vmul.f32 $1.131370830e+01, v3;
	v1 =	vld [tilespmem:s7+$0xD0]  }
0x187: {  	[tilespmem:s7+$0x70] =	vst v2;
	v7 =	vmul.f32 $1.131370830e+01, v4;
	v2 =	vld [tilespmem:s7+$0xE0]  }
0x188: {  	[tilespmem:s7+$0x80] =	vst v3;
	v3 =	vld [tilespmem:s7+$0xF0];
	v5 =	vmul.f32 $1.131370830e+01, v5  }
0x189: {  	s0 =	simm.s32 $0x0;
	s8 =	simm.s32 $0x11F00;
	v4 =	vld [tilespmem:s7+$0xFFFFFFF0];
	[tilespmem:s7+$0x90] =	vst v7;
	v6 =	vmul.f32 $1.131370830e+01, v6  }
.LBB2_11:
0x18a: {  	v7 =	vld [tilespmem:s8+$0xFFFFFF00];
	[tilespmem:s7+$0xA0] =	vst v5;
	v0 =	vmul.f32 $1.131370830e+01, v0  }
0x18b: {  	v5 =	vld [tilespmem:s8+$0xFFFFFF10];
	[tilespmem:s7+$0xB0] =	vst v6;
	v1 =	vmul.f32 $1.131370830e+01, v1  }
0x18c: {  	v6 =	vld [tilespmem:s8+$0xFFFFFF20];
	[tilespmem:s7+$0xC0] =	vst v0;
	v0 =	vmul.f32 $1.131370830e+01, v2  }
0x18d: {  	v2 =	vld [tilespmem:s8+$0xFFFFFF30];
	[tilespmem:s7+$0xD0] =	vst v1;
	v1 =	vmul.f32 $1.131370830e+01, v3  }
0x18e: {  	v3 =	vld [tilespmem:s8+$0xFFFFFF40];
	v4 =	vmul.f32 $1.131370830e+01, v4;
	[tilespmem:s7+$0xE0] =	vst v0  }
0x18f: {  	v0 =	vmul.f32 $1.131370830e+01, v7;
	v7 =	vld [tilespmem:s8+$0xFFFFFF50];
	[tilespmem:s7+$0xF0] =	vst v1  }
0x190: {  	v1 =	vmul.f32 $1.131370830e+01, v5;
	v5 =	vld [tilespmem:s8+$0xFFFFFF60];
	[tilespmem:s7+$0xFFFFFFF0] =	vst v4;
	s7 =	smov.u32 s8  }
0x191: {  	[tilespmem:s8+$0xFFFFFF00] =	vst v0;
	v0 =	vmul.f32 $1.131370830e+01, v6;
	v4 =	vld [tilespmem:s8+$0xFFFFFF70]  }
0x192: {  	[tilespmem:s8+$0xFFFFFF10] =	vst v1;
	v1 =	vmul.f32 $1.131370830e+01, v2;
	v2 =	vld [tilespmem:s8+$0xFFFFFF80]  }
0x193: {  	[tilespmem:s8+$0xFFFFFF20] =	vst v0;
	v0 =	vmul.f32 $1.131370830e+01, v3;
	v3 =	vld [tilespmem:s8+$0xFFFFFF90]  }
0x194: {  	[tilespmem:s8+$0xFFFFFF30] =	vst v1;
	v1 =	vmul.f32 $1.131370830e+01, v7;
	v6 =	vld [tilespmem:s8+$0xFFFFFFA0]  }
0x195: {  	[tilespmem:s8+$0xFFFFFF40] =	vst v0;
	v0 =	vmul.f32 $1.131370830e+01, v5;
	v5 =	vld [tilespmem:s8+$0xFFFFFFB0]  }
0x196: {  	[tilespmem:s8+$0xFFFFFF50] =	vst v1;
	v1 =	vmul.f32 $1.131370830e+01, v4;
	v4 =	vld [tilespmem:s8+$0xFFFFFFC0]  }
0x197: {  	[tilespmem:s8+$0xFFFFFF60] =	vst v0;
	v0 =	vmul.f32 $1.131370830e+01, v2;
	v2 =	vld [tilespmem:s8+$0xFFFFFFD0]  }
0x198: {  	[tilespmem:s8+$0xFFFFFF70] =	vst v1;
	v1 =	vmul.f32 $1.131370830e+01, v3;
	v3 =	vld [tilespmem:s8+$0xFFFFFFE0]  }
0x199: {  	[tilespmem:s8+$0xFFFFFF80] =	vst v0;
	v0 =	vmul.f32 $1.131370830e+01, v6;
	v6 =	vld [tilespmem:s8+$0x0]  }
0x19a: {  	[tilespmem:s8+$0xFFFFFF90] =	vst v1;
	v1 =	vmul.f32 $1.131370830e+01, v5;
	v5 =	vld [tilespmem:s8+$0x10]  }
0x19b: {  	[tilespmem:s8+$0xFFFFFFA0] =	vst v0;
	v0 =	vmul.f32 $1.131370830e+01, v4;
	v4 =	vld [tilespmem:s8+$0x20]  }
0x19c: {  	[tilespmem:s8+$0xFFFFFFB0] =	vst v1;
	v1 =	vmul.f32 $1.131370830e+01, v2;
	v2 =	vld [tilespmem:s8+$0x30]  }
0x19d: {  	[tilespmem:s8+$0xFFFFFFC0] =	vst v0;
	v0 =	vmul.f32 $1.131370830e+01, v3;
	v3 =	vld [tilespmem:s8+$0x40]  }
0x19e: {  	[tilespmem:s8+$0xFFFFFFD0] =	vst v1;
	v1 =	vmul.f32 $1.131370830e+01, v6;
	v6 =	vld [tilespmem:s8+$0x50]  }
0x19f: {  	[tilespmem:s8+$0xFFFFFFE0] =	vst v0;
	v0 =	vmul.f32 $1.131370830e+01, v5;
	v5 =	vld [tilespmem:s8+$0x60]  }
0x1a0: {  	[tilespmem:s8+$0x0] =	vst v1;
	v1 =	vmul.f32 $1.131370830e+01, v4;
	v4 =	vld [tilespmem:s8+$0x70]  }
0x1a1: {  	[tilespmem:s8+$0x10] =	vst v0;
	v0 =	vmul.f32 $1.131370830e+01, v2;
	v2 =	vld [tilespmem:s8+$0x80]  }
0x1a2: {  	[tilespmem:s8+$0x20] =	vst v1;
	v1 =	vmul.f32 $1.131370830e+01, v3;
	v3 =	vld [tilespmem:s8+$0x90]  }
0x1a3: {  	s0 =	sadd.s32 $0x4, s0;
	[tilespmem:s8+$0x30] =	vst v0;
	v0 =	vmul.f32 $1.131370830e+01, v6;
	v6 =	vld [tilespmem:s8+$0xA0]  }
0x1a4: {  	p1 =	slt.u32 s0, $0x7C;
	[tilespmem:s8+$0x40] =	vst v1;
	v1 =	vmul.f32 $1.131370830e+01, v5;
	v7 =	vld [tilespmem:s8+$0xB0]  }
.Ltmp6:
0x1a5: {  	[tilespmem:s8+$0x50] =	vst v0;
	v4 =	vmul.f32 $1.131370830e+01, v4;
	v0 =	vld [tilespmem:s8+$0xC0];
	(pc) =	sbr.rel @p1 .LBB2_11-.Ltmp6, $4  }
0x1a6: {  	[tilespmem:s8+$0x60] =	vst v1;
	v5 =	vmul.f32 $1.131370830e+01, v2;
	v1 =	vld [tilespmem:s8+$0xD0]  }
0x1a7: {  	[tilespmem:s8+$0x70] =	vst v4;
	v8 =	vmul.f32 $1.131370830e+01, v3;
	v2 =	vld [tilespmem:s8+$0xE0]  }
0x1a8: {  	[tilespmem:s8+$0x80] =	vst v5;
	v5 =	vmul.f32 $1.131370830e+01, v6;
	v3 =	vld [tilespmem:s8+$0xF0]  }
0x1a9: {  	s8 =	sadd.s32 $0x200, s8;
	v4 =	vld [tilespmem:s7+$0xFFFFFFF0];
	[tilespmem:s7+$0x90] =	vst v8;
	v6 =	vmul.f32 $1.131370830e+01, v7  }
0x1aa: {  	[tilespmem:s7+$0xA0] =	vst v5;
	v0 =	vmul.f32 $1.131370830e+01, v0  }
0x1ab: {  	[tilespmem:s7+$0xB0] =	vst v6;
	v1 =	vmul.f32 $1.131370830e+01, v1  }
0x1ac: {  	[tilespmem:s7+$0xC0] =	vst v0;
	v61 =	vmul.f32 $1.131370830e+01, v2  }
0x1ad: {  	s0 =	sshll.u32 s21, $0xE;
	[tilespmem:s7+$0xD0] =	vst v1;
	v62 =	vmul.f32 $1.131370830e+01, v3  }
0x1ae: {  	s0 =	sadd.s32 s5, s0;
	v63 =	vmul.f32 $1.131370830e+01, v4;
	[tilespmem:s7+$0xE0] =	vst v61  }
0x1af: {  	s0 =	sshrl.u32 s0, $0x3;
	[tilespmem:s7+$0xF0] =	vst v62  }
.Ltmp7:
0x1b0: {  	s0 =	sadd.s32 s3, s0;
	[tilespmem:s7+$0xFFFFFFF0] =	vst v63;
	(pc) =	sbr.rel @p0 .LBB2_14-.Ltmp7, $4  }
0x1b1: {  	[hbm4b:s0+s4] =	stream.linear.scatter [tilespmem:s23], [sflag:$0xA], $0x4000, $0x38;
	[tilespmem:$0x15C00] =	vst v63  }
0x1b2: {  	_ =	swait.ge [sflag:s1], $0x4000  }
0x1b3: {  	[sflag:s1] =	ssyncset.done $0x0  }
0x1b4: {  	[sflag:s1] =	ssyncadd.s32 $0xFFFFC000  }
0x1b5: {  	s0 =	smul.u32 $0xA00, s19  }
.Ltmp8:
0x1b6: {  	_ = 	snop;
	(pc) =	sbr.rel .LBB2_2-.Ltmp8, $4  }
0x1b7: {  	_ = 	snop  }
0x1b8: {  	s0 =	sshra.s32 s0, $0x2  }
0x1b9: {  	s19 =	sadd.s32 $0x1, s19;
	s0 =	sadd.s32 $0x400, s0  }
0x1ba: {  	[tilespmem:s20], [sflag:$0x4] =	stream.indirect.gather [hbm4b:s2+s14], $0x80, s0, s14, $0xb8;
	[tilespmem:$0x15C00] =	vst v63  }
.LBB2_15:
0x1bb: {  	_ =	sfence.sel $0x180000  }
0x1bc: {  	[bflag:$0x0] =	sbarrier.arrive $0xFFFF  }
0x1bd: {  	_ =	strace $0x90000047  }
0x1be: {  	s0 =	stileid.u32;
	[bflag:$0x2] =	sbarrier.arrive $0xFFFF  }
0x1bf: {  	p0 =	sne.s32 s0, $0x0;
	s0 =	rddreg [dreg:$0x3]  }
0x1c0: {  	s0 =	sadd.s32 @!p0 $0x100000, s0  }
0x1c1: {  	[sflag:s0] =	ssyncadd.tile.s32 @!p0 $0x1;
	_ =	shalt  }
.Lfunc_end2:
_tile_overlayer_lowered:
.L_overlay_start_2:
0x1c2: {  	(tag) =	ssettag $0x2  }
0x1c3: {  	s0 =	rddreg [dreg:$0x0];
	s2 =	stileid.u32  }
0x1c4: {  	s1 =	rddreg [dreg:$0x1];
	p0 =	sne.s32 s2, $0x0  }
0x1c5: {  	s3 =	rddreg [dreg:$0x2];
	[bflag:$0x3] =	sbarrier.arrive $0xFFFF;
	s2 =	simm.s32 @!p0 $0x1C0B  }
0x1c6: {  	[timem:s3], [sflag:s2] =	dma.local @!p0 [hbm:s0], s1  }
0x1c7: {  	s0 =	simm.s32 @!p0 $0xB  }
0x1c8: {  	_ =	swait.ge @!p0 [sflag:s0], s1  }
0x1c9: {  	s1 =	ssub.s32 @!p0 $0x0, s1;
	[sflag:s0] =	ssyncset.done @!p0 $0x0  }
0x1ca: {  	[sflag:s0] =	ssyncadd.s32 @!p0 s1  }
0x1cb: {  	[bflag:$0x3] =	sbarrier.arrive $0xFFFF  }
0x1cc: {  	_ =	shalt  }

</sc_bundles>
